<compile_context>
chip_gen: v7x
topology: tpu7x:2x2x1
jax: 0.10.2.dev20260603
libtpu: 0.0.44.dev20260713+nightly
codegen_flags: <defaults>
</compile_context>

<pallas_src>
import functools

import jax
import jax.numpy as jnp
from jax import lax
from jax.experimental import pallas as pl
from jax.experimental.pallas import tpu as pltpu
from jax.experimental.pallas import tpu_sc as plsc

VOCAB = 1000
B, T = 4096, 50
BT = B * T

NC, NS, L = 2, 16, 16
NW = NC * NS
NCR = VOCAB // 8
KPW = 4
TILE = 8 * B
NG = B // L


def _lse_body(table_ref, out_ref):
    t = table_ref[...]
    m = jnp.max(t, axis=1, keepdims=True)
    out_ref[...] = m + jnp.log(jnp.sum(jnp.exp(t - m), axis=1, keepdims=True))


def _row_lse(table):
    return pl.pallas_call(
        _lse_body,
        out_shape=jax.ShapeDtypeStruct((VOCAB, 1), jnp.float32),
    )(table)


_MESH = plsc.VectorSubcoreMesh(core_axis_name="c", subcore_axis_name="s")


@functools.partial(
    pl.kernel,
    out_type=(
        jax.ShapeDtypeStruct((T, NCR, TILE), jnp.float32),
        jax.ShapeDtypeStruct((NW, L), jnp.float32),
    ),
    mesh=_MESH,
    compiler_params=pltpu.CompilerParams(
        needs_layout_passes=False, use_tc_tiling_on_sc=False),
    scratch_types=[
        pltpu.VMEM((1, KPW * 8 * VOCAB), jnp.float32),
        pltpu.VMEM((2, B), jnp.int32),
        pltpu.VMEM((2, B), jnp.int32),
        pltpu.VMEM((1, VOCAB), jnp.float32),
        pltpu.VMEM((2, TILE), jnp.float32),
        pltpu.VMEM((L,), jnp.float32),
        pltpu.SemaphoreType.DMA,
        pltpu.SemaphoreType.DMA,
    ],
)
def _sc_gather_loss(tableT_hbm, idxT_hbm, tgtT_hbm, lse_hbm,
                    out_hbm, part_hbm,
                    tab_v, idx_v, tgt_v, lse_v, obuf_v, acc_v, sem, sem2):
    wid = lax.axis_index("s") * NC + lax.axis_index("c")
    cr0 = wid * KPW

    for k in range(KPW):
        crk = jnp.minimum(cr0 + k, NCR - 1)
        pltpu.sync_copy(tableT_hbm.at[pl.ds(crk * 8 * VOCAB, 8 * VOCAB)],
                        tab_v.at[0, pl.ds(k * 8 * VOCAB, 8 * VOCAB)])
    pltpu.sync_copy(lse_hbm, lse_v)
    pltpu.sync_copy(idxT_hbm.at[pl.ds(0, B)], idx_v.at[0])
    pltpu.sync_copy(tgtT_hbm.at[pl.ds(0, B)], tgt_v.at[0])

    zero = jnp.zeros((L,), jnp.int32)

    def t_body(t, acc):
        q = t % 2

        @pl.when(t >= 1)
        def _():
            pltpu.make_async_copy(idxT_hbm.at[pl.ds(t * B, B)],
                                  idx_v.at[q], sem2).wait()
            pltpu.make_async_copy(tgtT_hbm.at[pl.ds(t * B, B)],
                                  tgt_v.at[q], sem2).wait()

        @pl.when(t + 1 < T)
        def _():
            pltpu.async_copy(idxT_hbm.at[pl.ds((t + 1) * B, B)],
                             idx_v.at[1 - q], sem2)
            pltpu.async_copy(tgtT_hbm.at[pl.ds((t + 1) * B, B)],
                             tgt_v.at[1 - q], sem2)

        for k in range(KPW):
            crk = jnp.minimum(cr0 + k, NCR - 1)
            par = (t * KPW + k) % 2
            drain = pltpu.make_async_copy(
                obuf_v.at[par], out_hbm.at[t, crk], sem)
            if k >= 2:
                drain.wait()
            else:
                @pl.when(t >= 1)
                def _():
                    drain.wait()

            @plsc.parallel_loop(0, NG, 1, unroll=8)
            def _(g):
                iv = idx_v[q, pl.ds(g * L, L)]
                off = (g >> 3) * 1024 + (g & 7) * L
                for s in range(8):
                    vals = plsc.load_gather(
                        tab_v, [zero, iv + (k * 8 * VOCAB + s * VOCAB)])
                    obuf_v[par, pl.ds(off + s * 128, L)] = vals

            pltpu.async_copy(obuf_v.at[par], out_hbm.at[t, crk], sem)

        @plsc.parallel_loop(0, NG, 1, unroll=4, carry=acc)
        def loss_acc(g, a):
            iv = idx_v[q, pl.ds(g * L, L)]
            tv = tgt_v[q, pl.ds(g * L, L)]
            rel = (tv >> 3) - cr0
            m = (rel >= 0) & (rel < KPW)
            relc = jnp.clip(rel, 0, KPW - 1)
            addr = relc * (8 * VOCAB) + (tv & 7) * VOCAB + iv
            picks = plsc.load_gather(tab_v, [zero, addr], mask=m)
            lsev = plsc.load_gather(lse_v, [zero, iv], mask=m)
            return a + jnp.where(m, lsev - picks, 0.0)

        return loss_acc

    acc = lax.fori_loop(0, T, t_body, jnp.zeros((L,), jnp.float32))

    for j in range(2):
        pltpu.make_async_copy(obuf_v.at[j], out_hbm.at[0, 0], sem).wait()

    acc_v[...] = acc
    pltpu.sync_copy(acc_v, part_hbm.at[wid])


def kernel(idx, targets, table):
    lse = _row_lse(table).reshape(1, VOCAB)
    tableT_flat = table.T.reshape(VOCAB * VOCAB)
    idxT_flat = idx.T.reshape(BT)
    tgtT_flat = targets.T.reshape(BT)
    out5, parts = _sc_gather_loss(tableT_flat, idxT_flat, tgtT_flat, lse)
    logits = (out5.reshape(T, NCR, B // 128, 8, 128)
              .transpose(2, 4, 0, 1, 3)
              .reshape(B, T, VOCAB))
    loss = jnp.sum(parts) / BT
    return (logits, loss)

# --- scband reference (transcript-rebuilt; emitter-appended) ---
"""Pipeline reference for scband-bigram-language-model-3994319585592 (READ-ONLY COPY).

The authoritative reference and input builder live on the scoring server;
editing this copy changes nothing except your own understanding.
"""

import jax, jax.numpy as jnp
import numpy as np

VOCAB = 1000
B, T = 4096, 50

def setup_inputs(seed: int = 0) -> dict:
    key = jax.random.key(seed)
    k1, k2, k3 = jax.random.split(key, 3)
    idx = jax.random.randint(k1, (B, T), 0, VOCAB)
    targets = jax.random.randint(k2, (B, T), 0, VOCAB)
    # nn.Embedding default init: N(0, 1)
    table = jax.random.normal(k3, (VOCAB, VOCAB), dtype=jnp.float32)
    return {"idx": idx, "targets": targets, "table": table}

def reference(idx, targets, table):
    # logits = self.bigram_logits(idx)  -> embedding lookup
    logits = jnp.take(table, idx, axis=0)  # [B, T, C]
    Bv, Tv, C = logits.shape
    flat_logits = logits.reshape(Bv * Tv, C)
    flat_targets = targets.reshape(Bv * Tv)
    # F.cross_entropy (mean reduction)
    lsm = jax.nn.log_softmax(flat_logits, axis=-1)
    nll = -jnp.take_along_axis(lsm, flat_targets[:, None], axis=1)[:, 0]
    loss = jnp.mean(nll)
    return (logits, loss)

if __name__ == "__main__":
    import jax
    _d = setup_inputs()
    print(jax.jit(kernel)(*tuple(_d.values())))

</pallas_src>

<mosaic_0001>
#map = affine_map<(d0, d1) -> (0)>
#map1 = affine_map<(d0, d1) -> (0, 0)>
#map2 = affine_map<(d0, d1) -> (0, 0, 0)>
module attributes {stable_mosaic.version = 14 : i64} {
  func.func @_sc_gather_loss(%arg0: i32, %arg1: i32, %arg2: memref<1000000xf32, #tpu.memory_space<hbm>>, %arg3: memref<204800xi32, #tpu.memory_space<hbm>>, %arg4: memref<204800xi32, #tpu.memory_space<hbm>>, %arg5: memref<1x1000xf32, #tpu.memory_space<hbm>>, %arg6: memref<50x125x32768xf32, #tpu.memory_space<hbm>>, %arg7: memref<32x16xf32, #tpu.memory_space<hbm>>, %arg8: memref<1x32000xf32, #tpu.memory_space<vmem>>, %arg9: memref<2x4096xi32, #tpu.memory_space<vmem>>, %arg10: memref<2x4096xi32, #tpu.memory_space<vmem>>, %arg11: memref<1x1000xf32, #tpu.memory_space<vmem>>, %arg12: memref<2x32768xf32, #tpu.memory_space<vmem>>, %arg13: memref<16xf32, #tpu.memory_space<vmem>>, %arg14: memref<!tpu.dma_semaphore, #tpu.memory_space<semaphore_mem>>, %arg15: memref<!tpu.dma_semaphore, #tpu.memory_space<semaphore_mem>>) attributes {dimension_semantics = [#tpu.dimension_semantics<core_parallel>, #tpu.dimension_semantics<subcore_parallel>], iteration_bounds = array<i64: 2, 16>, scalar_prefetch = 0 : i64, scratch_operands = 8 : i64, tpu.core_type = #tpu.core_type<sc_vector_subcore>, window_params = [{transform_indices = #map}, {transform_indices = #map}, {transform_indices = #map}, {transform_indices = #map1}, {transform_indices = #map2}, {transform_indices = #map1}]} {
    %mul3A = arith.constant 2 : i32
    %mul3A_0 = arith.muli %arg1, %mul3A : i32
    %add3A = arith.addi %mul3A_0, %arg0 : i32
    %mul3A_1 = arith.constant 4 : i32
    %mul3A_2 = arith.muli %add3A, %mul3A_1 : i32
    %add3A_3 = arith.constant 0 : i32
    %add3A_4 = arith.addi %mul3A_2, %add3A_3 : i32
    %min3A = arith.constant 124 : i32
    %min3A_5 = arith.minsi %add3A_4, %min3A : i32
    %mul3A_6 = arith.constant 8 : i32
    %mul3A_7 = arith.muli %min3A_5, %mul3A_6 : i32
    %mul3A_8 = arith.constant 1000 : i32
    %mul3A_9 = arith.muli %mul3A_7, %mul3A_8 : i32
    %run_scoped3A = arith.constant 0 : i32
    "tpu.region"() ({
      %run_scoped3A_77 = tpu.sem_alloc : memref<!tpu.dma_semaphore, #tpu.memory_space<semaphore_mem>>
      %dma_start3A = arith.constant 0 : i32
      %dma_start3A_78 = tpu.memref_slice %arg8[%run_scoped3A, %dma_start3A] : memref<1x32000xf32, #tpu.memory_space<vmem>> -> memref<1x8000xf32, #tpu.memory_space<vmem>>
      %dma_start3A_79 = tpu.memref_squeeze %dma_start3A_78 : memref<1x8000xf32, #tpu.memory_space<vmem>> -> memref<8000xf32, #tpu.memory_space<vmem>>
      %dma_start3A_80 = tpu.memref_slice %arg2[%mul3A_9] : memref<1000000xf32, #tpu.memory_space<hbm>> -> memref<8000xf32, #tpu.memory_space<hbm>>
      %dma_start3A_81 = arith.constant 0 : i32
      %dma_start3A_82 = tpu.memref_slice %arg8[%run_scoped3A, %dma_start3A_81] : memref<1x32000xf32, #tpu.memory_space<vmem>> -> memref<1x8000xf32, #tpu.memory_space<vmem>>
      %dma_start3A_83 = tpu.memref_squeeze %dma_start3A_82 : memref<1x8000xf32, #tpu.memory_space<vmem>> -> memref<8000xf32, #tpu.memory_space<vmem>>
      %dma_start3A_84 = tpu.memref_slice %arg2[%mul3A_9] : memref<1000000xf32, #tpu.memory_space<hbm>> -> memref<8000xf32, #tpu.memory_space<hbm>>
      tpu.enqueue_dma source(%dma_start3A_84 : memref<8000xf32, #tpu.memory_space<hbm>>) target(%dma_start3A_83 : memref<8000xf32, #tpu.memory_space<vmem>>) target_semaphore(%run_scoped3A_77 : memref<!tpu.dma_semaphore, #tpu.memory_space<semaphore_mem>>)
      %dma_wait3A_85 = arith.constant 0 : i32
      %dma_wait3A_86 = tpu.memref_slice %arg8[%run_scoped3A, %dma_wait3A_85] : memref<1x32000xf32, #tpu.memory_space<vmem>> -> memref<1x8000xf32, #tpu.memory_space<vmem>>
      %dma_wait3A_87 = tpu.memref_squeeze %dma_wait3A_86 : memref<1x8000xf32, #tpu.memory_space<vmem>> -> memref<8000xf32, #tpu.memory_space<vmem>>
      %dma_wait3A_88 = tpu.memref_slice %arg2[%mul3A_9] : memref<1000000xf32, #tpu.memory_space<hbm>> -> memref<8000xf32, #tpu.memory_space<hbm>>
      %dma_wait3A_89 = arith.constant 0 : i32
      %dma_wait3A_90 = tpu.memref_slice %arg8[%run_scoped3A, %dma_wait3A_89] : memref<1x32000xf32, #tpu.memory_space<vmem>> -> memref<1x8000xf32, #tpu.memory_space<vmem>>
      %dma_wait3A_91 = tpu.memref_squeeze %dma_wait3A_90 : memref<1x8000xf32, #tpu.memory_space<vmem>> -> memref<8000xf32, #tpu.memory_space<vmem>>
      %dma_wait3A_92 = tpu.memref_slice %arg2[%mul3A_9] : memref<1000000xf32, #tpu.memory_space<hbm>> -> memref<8000xf32, #tpu.memory_space<hbm>>
      tpu.wait_dma2 semaphore(%run_scoped3A_77 : memref<!tpu.dma_semaphore, #tpu.memory_space<semaphore_mem>>) src(%dma_wait3A_92 : memref<8000xf32, #tpu.memory_space<hbm>>) dst(%dma_wait3A_91 : memref<8000xf32, #tpu.memory_space<vmem>>)
      tpu.yield
    }) : () -> ()
    %add3A_10 = arith.constant 1 : i32
    %add3A_11 = arith.addi %mul3A_2, %add3A_10 : i32
    %min3A_12 = arith.constant 124 : i32
    %min3A_13 = arith.minsi %add3A_11, %min3A_12 : i32
    %mul3A_14 = arith.constant 8 : i32
    %mul3A_15 = arith.muli %min3A_13, %mul3A_14 : i32
    %mul3A_16 = arith.constant 1000 : i32
    %mul3A_17 = arith.muli %mul3A_15, %mul3A_16 : i32
    %run_scoped3A_18 = arith.constant 0 : i32
    "tpu.region"() ({
      %run_scoped3A_77 = tpu.sem_alloc : memref<!tpu.dma_semaphore, #tpu.memory_space<semaphore_mem>>
      %dma_start3A = arith.constant 8000 : i32
      %dma_start3A_78 = tpu.memref_slice %arg8[%run_scoped3A_18, %dma_start3A] : memref<1x32000xf32, #tpu.memory_space<vmem>> -> memref<1x8000xf32, #tpu.memory_space<vmem>>
      %dma_start3A_79 = tpu.memref_squeeze %dma_start3A_78 : memref<1x8000xf32, #tpu.memory_space<vmem>> -> memref<8000xf32, #tpu.memory_space<vmem>>
      %dma_start3A_80 = tpu.memref_slice %arg2[%mul3A_17] : memref<1000000xf32, #tpu.memory_space<hbm>> -> memref<8000xf32, #tpu.memory_space<hbm>>
      %dma_start3A_81 = arith.constant 8000 : i32
      %dma_start3A_82 = tpu.memref_slice %arg8[%run_scoped3A_18, %dma_start3A_81] : memref<1x32000xf32, #tpu.memory_space<vmem>> -> memref<1x8000xf32, #tpu.memory_space<vmem>>
      %dma_start3A_83 = tpu.memref_squeeze %dma_start3A_82 : memref<1x8000xf32, #tpu.memory_space<vmem>> -> memref<8000xf32, #tpu.memory_space<vmem>>
      %dma_start3A_84 = tpu.memref_slice %arg2[%mul3A_17] : memref<1000000xf32, #tpu.memory_space<hbm>> -> memref<8000xf32, #tpu.memory_space<hbm>>
      tpu.enqueue_dma source(%dma_start3A_84 : memref<8000xf32, #tpu.memory_space<hbm>>) target(%dma_start3A_83 : memref<8000xf32, #tpu.memory_space<vmem>>) target_semaphore(%run_scoped3A_77 : memref<!tpu.dma_semaphore, #tpu.memory_space<semaphore_mem>>)
      %dma_wait3A_85 = arith.constant 8000 : i32
      %dma_wait3A_86 = tpu.memref_slice %arg8[%run_scoped3A_18, %dma_wait3A_85] : memref<1x32000xf32, #tpu.memory_space<vmem>> -> memref<1x8000xf32, #tpu.memory_space<vmem>>
      %dma_wait3A_87 = tpu.memref_squeeze %dma_wait3A_86 : memref<1x8000xf32, #tpu.memory_space<vmem>> -> memref<8000xf32, #tpu.memory_space<vmem>>
      %dma_wait3A_88 = tpu.memref_slice %arg2[%mul3A_17] : memref<1000000xf32, #tpu.memory_space<hbm>> -> memref<8000xf32, #tpu.memory_space<hbm>>
      %dma_wait3A_89 = arith.constant 8000 : i32
      %dma_wait3A_90 = tpu.memref_slice %arg8[%run_scoped3A_18, %dma_wait3A_89] : memref<1x32000xf32, #tpu.memory_space<vmem>> -> memref<1x8000xf32, #tpu.memory_space<vmem>>
      %dma_wait3A_91 = tpu.memref_squeeze %dma_wait3A_90 : memref<1x8000xf32, #tpu.memory_space<vmem>> -> memref<8000xf32, #tpu.memory_space<vmem>>
      %dma_wait3A_92 = tpu.memref_slice %arg2[%mul3A_17] : memref<1000000xf32, #tpu.memory_space<hbm>> -> memref<8000xf32, #tpu.memory_space<hbm>>
      tpu.wait_dma2 semaphore(%run_scoped3A_77 : memref<!tpu.dma_semaphore, #tpu.memory_space<semaphore_mem>>) src(%dma_wait3A_92 : memref<8000xf32, #tpu.memory_space<hbm>>) dst(%dma_wait3A_91 : memref<8000xf32, #tpu.memory_space<vmem>>)
      tpu.yield
    }) : () -> ()
    %add3A_19 = arith.constant 2 : i32
    %add3A_20 = arith.addi %mul3A_2, %add3A_19 : i32
    %min3A_21 = arith.constant 124 : i32
    %min3A_22 = arith.minsi %add3A_20, %min3A_21 : i32
    %mul3A_23 = arith.constant 8 : i32
    %mul3A_24 = arith.muli %min3A_22, %mul3A_23 : i32
    %mul3A_25 = arith.constant 1000 : i32
    %mul3A_26 = arith.muli %mul3A_24, %mul3A_25 : i32
    %run_scoped3A_27 = arith.constant 0 : i32
    "tpu.region"() ({
      %run_scoped3A_77 = tpu.sem_alloc : memref<!tpu.dma_semaphore, #tpu.memory_space<semaphore_mem>>
      %dma_start3A = arith.constant 16000 : i32
      %dma_start3A_78 = tpu.memref_slice %arg8[%run_scoped3A_27, %dma_start3A] : memref<1x32000xf32, #tpu.memory_space<vmem>> -> memref<1x8000xf32, #tpu.memory_space<vmem>>
      %dma_start3A_79 = tpu.memref_squeeze %dma_start3A_78 : memref<1x8000xf32, #tpu.memory_space<vmem>> -> memref<8000xf32, #tpu.memory_space<vmem>>
      %dma_start3A_80 = tpu.memref_slice %arg2[%mul3A_26] : memref<1000000xf32, #tpu.memory_space<hbm>> -> memref<8000xf32, #tpu.memory_space<hbm>>
      %dma_start3A_81 = arith.constant 16000 : i32
      %dma_start3A_82 = tpu.memref_slice %arg8[%run_scoped3A_27, %dma_start3A_81] : memref<1x32000xf32, #tpu.memory_space<vmem>> -> memref<1x8000xf32, #tpu.memory_space<vmem>>
      %dma_start3A_83 = tpu.memref_squeeze %dma_start3A_82 : memref<1x8000xf32, #tpu.memory_space<vmem>> -> memref<8000xf32, #tpu.memory_space<vmem>>
      %dma_start3A_84 = tpu.memref_slice %arg2[%mul3A_26] : memref<1000000xf32, #tpu.memory_space<hbm>> -> memref<8000xf32, #tpu.memory_space<hbm>>
      tpu.enqueue_dma source(%dma_start3A_84 : memref<8000xf32, #tpu.memory_space<hbm>>) target(%dma_start3A_83 : memref<8000xf32, #tpu.memory_space<vmem>>) target_semaphore(%run_scoped3A_77 : memref<!tpu.dma_semaphore, #tpu.memory_space<semaphore_mem>>)
      %dma_wait3A_85 = arith.constant 16000 : i32
      %dma_wait3A_86 = tpu.memref_slice %arg8[%run_scoped3A_27, %dma_wait3A_85] : memref<1x32000xf32, #tpu.memory_space<vmem>> -> memref<1x8000xf32, #tpu.memory_space<vmem>>
      %dma_wait3A_87 = tpu.memref_squeeze %dma_wait3A_86 : memref<1x8000xf32, #tpu.memory_space<vmem>> -> memref<8000xf32, #tpu.memory_space<vmem>>
      %dma_wait3A_88 = tpu.memref_slice %arg2[%mul3A_26] : memref<1000000xf32, #tpu.memory_space<hbm>> -> memref<8000xf32, #tpu.memory_space<hbm>>
      %dma_wait3A_89 = arith.constant 16000 : i32
      %dma_wait3A_90 = tpu.memref_slice %arg8[%run_scoped3A_27, %dma_wait3A_89] : memref<1x32000xf32, #tpu.memory_space<vmem>> -> memref<1x8000xf32, #tpu.memory_space<vmem>>
      %dma_wait3A_91 = tpu.memref_squeeze %dma_wait3A_90 : memref<1x8000xf32, #tpu.memory_space<vmem>> -> memref<8000xf32, #tpu.memory_space<vmem>>
      %dma_wait3A_92 = tpu.memref_slice %arg2[%mul3A_26] : memref<1000000xf32, #tpu.memory_space<hbm>> -> memref<8000xf32, #tpu.memory_space<hbm>>
      tpu.wait_dma2 semaphore(%run_scoped3A_77 : memref<!tpu.dma_semaphore, #tpu.memory_space<semaphore_mem>>) src(%dma_wait3A_92 : memref<8000xf32, #tpu.memory_space<hbm>>) dst(%dma_wait3A_91 : memref<8000xf32, #tpu.memory_space<vmem>>)
      tpu.yield
    }) : () -> ()
    %add3A_28 = arith.constant 3 : i32
    %add3A_29 = arith.addi %mul3A_2, %add3A_28 : i32
    %min3A_30 = arith.constant 124 : i32
    %min3A_31 = arith.minsi %add3A_29, %min3A_30 : i32
    %mul3A_32 = arith.constant 8 : i32
    %mul3A_33 = arith.muli %min3A_31, %mul3A_32 : i32
    %mul3A_34 = arith.constant 1000 : i32
    %mul3A_35 = arith.muli %mul3A_33, %mul3A_34 : i32
    %run_scoped3A_36 = arith.constant 0 : i32
    "tpu.region"() ({
      %run_scoped3A_77 = tpu.sem_alloc : memref<!tpu.dma_semaphore, #tpu.memory_space<semaphore_mem>>
      %dma_start3A = arith.constant 24000 : i32
      %dma_start3A_78 = tpu.memref_slice %arg8[%run_scoped3A_36, %dma_start3A] : memref<1x32000xf32, #tpu.memory_space<vmem>> -> memref<1x8000xf32, #tpu.memory_space<vmem>>
      %dma_start3A_79 = tpu.memref_squeeze %dma_start3A_78 : memref<1x8000xf32, #tpu.memory_space<vmem>> -> memref<8000xf32, #tpu.memory_space<vmem>>
      %dma_start3A_80 = tpu.memref_slice %arg2[%mul3A_35] : memref<1000000xf32, #tpu.memory_space<hbm>> -> memref<8000xf32, #tpu.memory_space<hbm>>
      %dma_start3A_81 = arith.constant 24000 : i32
      %dma_start3A_82 = tpu.memref_slice %arg8[%run_scoped3A_36, %dma_start3A_81] : memref<1x32000xf32, #tpu.memory_space<vmem>> -> memref<1x8000xf32, #tpu.memory_space<vmem>>
      %dma_start3A_83 = tpu.memref_squeeze %dma_start3A_82 : memref<1x8000xf32, #tpu.memory_space<vmem>> -> memref<8000xf32, #tpu.memory_space<vmem>>
      %dma_start3A_84 = tpu.memref_slice %arg2[%mul3A_35] : memref<1000000xf32, #tpu.memory_space<hbm>> -> memref<8000xf32, #tpu.memory_space<hbm>>
      tpu.enqueue_dma source(%dma_start3A_84 : memref<8000xf32, #tpu.memory_space<hbm>>) target(%dma_start3A_83 : memref<8000xf32, #tpu.memory_space<vmem>>) target_semaphore(%run_scoped3A_77 : memref<!tpu.dma_semaphore, #tpu.memory_space<semaphore_mem>>)
      %dma_wait3A_85 = arith.constant 24000 : i32
      %dma_wait3A_86 = tpu.memref_slice %arg8[%run_scoped3A_36, %dma_wait3A_85] : memref<1x32000xf32, #tpu.memory_space<vmem>> -> memref<1x8000xf32, #tpu.memory_space<vmem>>
      %dma_wait3A_87 = tpu.memref_squeeze %dma_wait3A_86 : memref<1x8000xf32, #tpu.memory_space<vmem>> -> memref<8000xf32, #tpu.memory_space<vmem>>
      %dma_wait3A_88 = tpu.memref_slice %arg2[%mul3A_35] : memref<1000000xf32, #tpu.memory_space<hbm>> -> memref<8000xf32, #tpu.memory_space<hbm>>
      %dma_wait3A_89 = arith.constant 24000 : i32
      %dma_wait3A_90 = tpu.memref_slice %arg8[%run_scoped3A_36, %dma_wait3A_89] : memref<1x32000xf32, #tpu.memory_space<vmem>> -> memref<1x8000xf32, #tpu.memory_space<vmem>>
      %dma_wait3A_91 = tpu.memref_squeeze %dma_wait3A_90 : memref<1x8000xf32, #tpu.memory_space<vmem>> -> memref<8000xf32, #tpu.memory_space<vmem>>
      %dma_wait3A_92 = tpu.memref_slice %arg2[%mul3A_35] : memref<1000000xf32, #tpu.memory_space<hbm>> -> memref<8000xf32, #tpu.memory_space<hbm>>
      tpu.wait_dma2 semaphore(%run_scoped3A_77 : memref<!tpu.dma_semaphore, #tpu.memory_space<semaphore_mem>>) src(%dma_wait3A_92 : memref<8000xf32, #tpu.memory_space<hbm>>) dst(%dma_wait3A_91 : memref<8000xf32, #tpu.memory_space<vmem>>)
      tpu.yield
    }) : () -> ()
    "tpu.region"() ({
      %run_scoped3A_77 = tpu.sem_alloc : memref<!tpu.dma_semaphore, #tpu.memory_space<semaphore_mem>>
      tpu.enqueue_dma source(%arg5 : memref<1x1000xf32, #tpu.memory_space<hbm>>) target(%arg11 : memref<1x1000xf32, #tpu.memory_space<vmem>>) target_semaphore(%run_scoped3A_77 : memref<!tpu.dma_semaphore, #tpu.memory_space<semaphore_mem>>)
      tpu.wait_dma2 semaphore(%run_scoped3A_77 : memref<!tpu.dma_semaphore, #tpu.memory_space<semaphore_mem>>) src(%arg5 : memref<1x1000xf32, #tpu.memory_space<hbm>>) dst(%arg11 : memref<1x1000xf32, #tpu.memory_space<vmem>>)
      tpu.yield
    }) : () -> ()
    %run_scoped3A_37 = arith.constant 0 : i32
    "tpu.region"() ({
      %run_scoped3A_77 = tpu.sem_alloc : memref<!tpu.dma_semaphore, #tpu.memory_space<semaphore_mem>>
      %dma_start3A = arith.constant 0 : i32
      %dma_start3A_78 = tpu.memref_slice %arg9[%run_scoped3A_37, %dma_start3A] : memref<2x4096xi32, #tpu.memory_space<vmem>> -> memref<1x4096xi32, #tpu.memory_space<vmem>>
      %dma_start3A_79 = tpu.memref_squeeze %dma_start3A_78 : memref<1x4096xi32, #tpu.memory_space<vmem>> -> memref<4096xi32, #tpu.memory_space<vmem>>
      %dma_start3A_80 = arith.constant 0 : i32
      %dma_start3A_81 = tpu.memref_slice %arg3[%dma_start3A_80] : memref<204800xi32, #tpu.memory_space<hbm>> -> memref<4096xi32, #tpu.memory_space<hbm>>
      %dma_start3A_82 = arith.constant 0 : i32
      %dma_start3A_83 = tpu.memref_slice %arg9[%run_scoped3A_37, %dma_start3A_82] : memref<2x4096xi32, #tpu.memory_space<vmem>> -> memref<1x4096xi32, #tpu.memory_space<vmem>>
      %dma_start3A_84 = tpu.memref_squeeze %dma_start3A_83 : memref<1x4096xi32, #tpu.memory_space<vmem>> -> memref<4096xi32, #tpu.memory_space<vmem>>
      %dma_start3A_85 = arith.constant 0 : i32
      %dma_start3A_86 = tpu.memref_slice %arg3[%dma_start3A_85] : memref<204800xi32, #tpu.memory_space<hbm>> -> memref<4096xi32, #tpu.memory_space<hbm>>
      tpu.enqueue_dma source(%dma_start3A_86 : memref<4096xi32, #tpu.memory_space<hbm>>) target(%dma_start3A_84 : memref<4096xi32, #tpu.memory_space<vmem>>) target_semaphore(%run_scoped3A_77 : memref<!tpu.dma_semaphore, #tpu.memory_space<semaphore_mem>>)
      %dma_wait3A_87 = arith.constant 0 : i32
      %dma_wait3A_88 = tpu.memref_slice %arg9[%run_scoped3A_37, %dma_wait3A_87] : memref<2x4096xi32, #tpu.memory_space<vmem>> -> memref<1x4096xi32, #tpu.memory_space<vmem>>
      %dma_wait3A_89 = tpu.memref_squeeze %dma_wait3A_88 : memref<1x4096xi32, #tpu.memory_space<vmem>> -> memref<4096xi32, #tpu.memory_space<vmem>>
      %dma_wait3A_90 = arith.constant 0 : i32
      %dma_wait3A_91 = tpu.memref_slice %arg3[%dma_wait3A_90] : memref<204800xi32, #tpu.memory_space<hbm>> -> memref<4096xi32, #tpu.memory_space<hbm>>
      %dma_wait3A_92 = arith.constant 0 : i32
      %dma_wait3A_93 = tpu.memref_slice %arg9[%run_scoped3A_37, %dma_wait3A_92] : memref<2x4096xi32, #tpu.memory_space<vmem>> -> memref<1x4096xi32, #tpu.memory_space<vmem>>
      %dma_wait3A_94 = tpu.memref_squeeze %dma_wait3A_93 : memref<1x4096xi32, #tpu.memory_space<vmem>> -> memref<4096xi32, #tpu.memory_space<vmem>>
      %dma_wait3A_95 = arith.constant 0 : i32
      %dma_wait3A_96 = tpu.memref_slice %arg3[%dma_wait3A_95] : memref<204800xi32, #tpu.memory_space<hbm>> -> memref<4096xi32, #tpu.memory_space<hbm>>
      tpu.wait_dma2 semaphore(%run_scoped3A_77 : memref<!tpu.dma_semaphore, #tpu.memory_space<semaphore_mem>>) src(%dma_wait3A_96 : memref<4096xi32, #tpu.memory_space<hbm>>) dst(%dma_wait3A_94 : memref<4096xi32, #tpu.memory_space<vmem>>)
      tpu.yield
    }) : () -> ()
    %run_scoped3A_38 = arith.constant 0 : i32
    "tpu.region"() ({
      %run_scoped3A_77 = tpu.sem_alloc : memref<!tpu.dma_semaphore, #tpu.memory_space<semaphore_mem>>
      %dma_start3A = arith.constant 0 : i32
      %dma_start3A_78 = tpu.memref_slice %arg10[%run_scoped3A_38, %dma_start3A] : memref<2x4096xi32, #tpu.memory_space<vmem>> -> memref<1x4096xi32, #tpu.memory_space<vmem>>
      %dma_start3A_79 = tpu.memref_squeeze %dma_start3A_78 : memref<1x4096xi32, #tpu.memory_space<vmem>> -> memref<4096xi32, #tpu.memory_space<vmem>>
      %dma_start3A_80 = arith.constant 0 : i32
      %dma_start3A_81 = tpu.memref_slice %arg4[%dma_start3A_80] : memref<204800xi32, #tpu.memory_space<hbm>> -> memref<4096xi32, #tpu.memory_space<hbm>>
      %dma_start3A_82 = arith.constant 0 : i32
      %dma_start3A_83 = tpu.memref_slice %arg10[%run_scoped3A_38, %dma_start3A_82] : memref<2x4096xi32, #tpu.memory_space<vmem>> -> memref<1x4096xi32, #tpu.memory_space<vmem>>
      %dma_start3A_84 = tpu.memref_squeeze %dma_start3A_83 : memref<1x4096xi32, #tpu.memory_space<vmem>> -> memref<4096xi32, #tpu.memory_space<vmem>>
      %dma_start3A_85 = arith.constant 0 : i32
      %dma_start3A_86 = tpu.memref_slice %arg4[%dma_start3A_85] : memref<204800xi32, #tpu.memory_space<hbm>> -> memref<4096xi32, #tpu.memory_space<hbm>>
      tpu.enqueue_dma source(%dma_start3A_86 : memref<4096xi32, #tpu.memory_space<hbm>>) target(%dma_start3A_84 : memref<4096xi32, #tpu.memory_space<vmem>>) target_semaphore(%run_scoped3A_77 : memref<!tpu.dma_semaphore, #tpu.memory_space<semaphore_mem>>)
      %dma_wait3A_87 = arith.constant 0 : i32
      %dma_wait3A_88 = tpu.memref_slice %arg10[%run_scoped3A_38, %dma_wait3A_87] : memref<2x4096xi32, #tpu.memory_space<vmem>> -> memref<1x4096xi32, #tpu.memory_space<vmem>>
      %dma_wait3A_89 = tpu.memref_squeeze %dma_wait3A_88 : memref<1x4096xi32, #tpu.memory_space<vmem>> -> memref<4096xi32, #tpu.memory_space<vmem>>
      %dma_wait3A_90 = arith.constant 0 : i32
      %dma_wait3A_91 = tpu.memref_slice %arg4[%dma_wait3A_90] : memref<204800xi32, #tpu.memory_space<hbm>> -> memref<4096xi32, #tpu.memory_space<hbm>>
      %dma_wait3A_92 = arith.constant 0 : i32
      %dma_wait3A_93 = tpu.memref_slice %arg10[%run_scoped3A_38, %dma_wait3A_92] : memref<2x4096xi32, #tpu.memory_space<vmem>> -> memref<1x4096xi32, #tpu.memory_space<vmem>>
      %dma_wait3A_94 = tpu.memref_squeeze %dma_wait3A_93 : memref<1x4096xi32, #tpu.memory_space<vmem>> -> memref<4096xi32, #tpu.memory_space<vmem>>
      %dma_wait3A_95 = arith.constant 0 : i32
      %dma_wait3A_96 = tpu.memref_slice %arg4[%dma_wait3A_95] : memref<204800xi32, #tpu.memory_space<hbm>> -> memref<4096xi32, #tpu.memory_space<hbm>>
      tpu.wait_dma2 semaphore(%run_scoped3A_77 : memref<!tpu.dma_semaphore, #tpu.memory_space<semaphore_mem>>) src(%dma_wait3A_96 : memref<4096xi32, #tpu.memory_space<hbm>>) dst(%dma_wait3A_94 : memref<4096xi32, #tpu.memory_space<vmem>>)
      tpu.yield
    }) : () -> ()
    %broadcast_in_dim3A = arith.constant 0 : i32
    %broadcast_in_dim3A_39 = vector.broadcast %broadcast_in_dim3A : i32 to vector<16xi32>
    %broadcast_in_dim3A_40 = arith.constant 0.000000e+00 : f32
    %broadcast_in_dim3A_41 = vector.broadcast %broadcast_in_dim3A_40 : f32 to vector<16xf32>
    %scan3A = arith.constant 0 : i32
    %scan3A_42 = arith.constant 50 : i32
    %scan3A_43 = arith.addi %scan3A, %scan3A_42 : i32
    %scan3A_44 = arith.constant 1 : i32
    %scan3A_45 = scf.for %scan3A_77 = %scan3A to %scan3A_43 step %scan3A_44 iter_args(%scan3A_78 = %broadcast_in_dim3A_41) -> (vector<16xf32>)  : i32 {
      %jit3A = arith.constant 2 : i32
      %eq3A = arith.constant 0 : i32
      %eq3A_79 = arith.cmpi eq, %jit3A, %eq3A : i32
      %jit3A_80 = arith.constant 1 : i32
      %select_n3A = arith.select %eq3A_79, %jit3A_80, %jit3A : i32
      %rem3A = arith.remsi %scan3A_77, %select_n3A : i32
      %ne3A = arith.constant 0 : i32
      %ne3A_81 = arith.cmpi ne, %rem3A, %ne3A : i32
      %lt3A = arith.constant 0 : i32
      %lt3A_82 = arith.cmpi slt, %rem3A, %lt3A : i32
      %lt3A_83 = arith.constant 0 : i32
      %lt3A_84 = arith.cmpi slt, %select_n3A, %lt3A_83 : i32
      %ne3A_85 = arith.xori %lt3A_82, %lt3A_84 : i1
      %and3A = arith.andi %ne3A_85, %ne3A_81 : i1
      %add3A_86 = arith.addi %rem3A, %select_n3A : i32
      %select_n3A_87 = arith.select %and3A, %add3A_86, %rem3A : i32
      %ge3A = arith.constant 1 : i32
      %ge3A_88 = arith.cmpi sge, %scan3A_77, %ge3A : i32
      %convert_element_type3A = arith.extui %ge3A_88 : i1 to i32
      %cond3A = arith.constant 0 : i32
      %cond3A_89 = arith.cmpi ne, %convert_element_type3A, %cond3A : i32
      scf.if %cond3A_89 {
        %mul3A_289 = arith.constant 4096 : i32
        %mul3A_290 = arith.muli %scan3A_77, %mul3A_289 : i32
        %dma_wait3A_291 = arith.constant 0 : i32
        %dma_wait3A_292 = tpu.memref_slice %arg9[%select_n3A_87, %dma_wait3A_291] : memref<2x4096xi32, #tpu.memory_space<vmem>> -> memref<1x4096xi32, #tpu.memory_space<vmem>>
        %dma_wait3A_293 = tpu.memref_squeeze %dma_wait3A_292 : memref<1x4096xi32, #tpu.memory_space<vmem>> -> memref<4096xi32, #tpu.memory_space<vmem>>
        %dma_wait3A_294 = tpu.memref_slice %arg3[%mul3A_290] : memref<204800xi32, #tpu.memory_space<hbm>> -> memref<4096xi32, #tpu.memory_space<hbm>>
        %dma_wait3A_295 = arith.constant 0 : i32
        %dma_wait3A_296 = tpu.memref_slice %arg9[%select_n3A_87, %dma_wait3A_295] : memref<2x4096xi32, #tpu.memory_space<vmem>> -> memref<1x4096xi32, #tpu.memory_space<vmem>>
        %dma_wait3A_297 = tpu.memref_squeeze %dma_wait3A_296 : memref<1x4096xi32, #tpu.memory_space<vmem>> -> memref<4096xi32, #tpu.memory_space<vmem>>
        %dma_wait3A_298 = tpu.memref_slice %arg3[%mul3A_290] : memref<204800xi32, #tpu.memory_space<hbm>> -> memref<4096xi32, #tpu.memory_space<hbm>>
        tpu.wait_dma2 semaphore(%arg15 : memref<!tpu.dma_semaphore, #tpu.memory_space<semaphore_mem>>) src(%dma_wait3A_298 : memref<4096xi32, #tpu.memory_space<hbm>>) dst(%dma_wait3A_297 : memref<4096xi32, #tpu.memory_space<vmem>>)
        %mul3A_299 = arith.constant 4096 : i32
        %mul3A_300 = arith.muli %scan3A_77, %mul3A_299 : i32
        %dma_wait3A_301 = arith.constant 0 : i32
        %dma_wait3A_302 = tpu.memref_slice %arg10[%select_n3A_87, %dma_wait3A_301] : memref<2x4096xi32, #tpu.memory_space<vmem>> -> memref<1x4096xi32, #tpu.memory_space<vmem>>
        %dma_wait3A_303 = tpu.memref_squeeze %dma_wait3A_302 : memref<1x4096xi32, #tpu.memory_space<vmem>> -> memref<4096xi32, #tpu.memory_space<vmem>>
        %dma_wait3A_304 = tpu.memref_slice %arg4[%mul3A_300] : memref<204800xi32, #tpu.memory_space<hbm>> -> memref<4096xi32, #tpu.memory_space<hbm>>
        %dma_wait3A_305 = arith.constant 0 : i32
        %dma_wait3A_306 = tpu.memref_slice %arg10[%select_n3A_87, %dma_wait3A_305] : memref<2x4096xi32, #tpu.memory_space<vmem>> -> memref<1x4096xi32, #tpu.memory_space<vmem>>
        %dma_wait3A_307 = tpu.memref_squeeze %dma_wait3A_306 : memref<1x4096xi32, #tpu.memory_space<vmem>> -> memref<4096xi32, #tpu.memory_space<vmem>>
        %dma_wait3A_308 = tpu.memref_slice %arg4[%mul3A_300] : memref<204800xi32, #tpu.memory_space<hbm>> -> memref<4096xi32, #tpu.memory_space<hbm>>
        tpu.wait_dma2 semaphore(%arg15 : memref<!tpu.dma_semaphore, #tpu.memory_space<semaphore_mem>>) src(%dma_wait3A_308 : memref<4096xi32, #tpu.memory_space<hbm>>) dst(%dma_wait3A_307 : memref<4096xi32, #tpu.memory_space<vmem>>)
      } else {
      }
      %add3A_90 = arith.constant 1 : i32
      %add3A_91 = arith.addi %scan3A_77, %add3A_90 : i32
      %lt3A_92 = arith.constant 50 : i32
      %lt3A_93 = arith.cmpi slt, %add3A_91, %lt3A_92 : i32
      %convert_element_type3A_94 = arith.extui %lt3A_93 : i1 to i32
      %cond3A_95 = arith.constant 0 : i32
      %cond3A_96 = arith.cmpi ne, %convert_element_type3A_94, %cond3A_95 : i32
      scf.if %cond3A_96 {
        %add3A_289 = arith.constant 1 : i32
        %add3A_290 = arith.addi %scan3A_77, %add3A_289 : i32
        %mul3A_291 = arith.constant 4096 : i32
        %mul3A_292 = arith.muli %add3A_290, %mul3A_291 : i32
        %sub3A = arith.constant 1 : i32
        %sub3A_293 = arith.subi %sub3A, %select_n3A_87 : i32
        %dma_start3A_294 = arith.constant 0 : i32
        %dma_start3A_295 = tpu.memref_slice %arg9[%sub3A_293, %dma_start3A_294] : memref<2x4096xi32, #tpu.memory_space<vmem>> -> memref<1x4096xi32, #tpu.memory_space<vmem>>
        %dma_start3A_296 = tpu.memref_squeeze %dma_start3A_295 : memref<1x4096xi32, #tpu.memory_space<vmem>> -> memref<4096xi32, #tpu.memory_space<vmem>>
        %dma_start3A_297 = tpu.memref_slice %arg3[%mul3A_292] : memref<204800xi32, #tpu.memory_space<hbm>> -> memref<4096xi32, #tpu.memory_space<hbm>>
        %dma_start3A_298 = arith.constant 0 : i32
        %dma_start3A_299 = tpu.memref_slice %arg9[%sub3A_293, %dma_start3A_298] : memref<2x4096xi32, #tpu.memory_space<vmem>> -> memref<1x4096xi32, #tpu.memory_space<vmem>>
        %dma_start3A_300 = tpu.memref_squeeze %dma_start3A_299 : memref<1x4096xi32, #tpu.memory_space<vmem>> -> memref<4096xi32, #tpu.memory_space<vmem>>
        %dma_start3A_301 = tpu.memref_slice %arg3[%mul3A_292] : memref<204800xi32, #tpu.memory_space<hbm>> -> memref<4096xi32, #tpu.memory_space<hbm>>
        tpu.enqueue_dma source(%dma_start3A_301 : memref<4096xi32, #tpu.memory_space<hbm>>) target(%dma_start3A_300 : memref<4096xi32, #tpu.memory_space<vmem>>) target_semaphore(%arg15 : memref<!tpu.dma_semaphore, #tpu.memory_space<semaphore_mem>>)
        %add3A_302 = arith.constant 1 : i32
        %add3A_303 = arith.addi %scan3A_77, %add3A_302 : i32
        %mul3A_304 = arith.constant 4096 : i32
        %mul3A_305 = arith.muli %add3A_303, %mul3A_304 : i32
        %sub3A_306 = arith.constant 1 : i32
        %sub3A_307 = arith.subi %sub3A_306, %select_n3A_87 : i32
        %dma_start3A_308 = arith.constant 0 : i32
        %dma_start3A_309 = tpu.memref_slice %arg10[%sub3A_307, %dma_start3A_308] : memref<2x4096xi32, #tpu.memory_space<vmem>> -> memref<1x4096xi32, #tpu.memory_space<vmem>>
        %dma_start3A_310 = tpu.memref_squeeze %dma_start3A_309 : memref<1x4096xi32, #tpu.memory_space<vmem>> -> memref<4096xi32, #tpu.memory_space<vmem>>
        %dma_start3A_311 = tpu.memref_slice %arg4[%mul3A_305] : memref<204800xi32, #tpu.memory_space<hbm>> -> memref<4096xi32, #tpu.memory_space<hbm>>
        %dma_start3A_312 = arith.constant 0 : i32
        %dma_start3A_313 = tpu.memref_slice %arg10[%sub3A_307, %dma_start3A_312] : memref<2x4096xi32, #tpu.memory_space<vmem>> -> memref<1x4096xi32, #tpu.memory_space<vmem>>
        %dma_start3A_314 = tpu.memref_squeeze %dma_start3A_313 : memref<1x4096xi32, #tpu.memory_space<vmem>> -> memref<4096xi32, #tpu.memory_space<vmem>>
        %dma_start3A_315 = tpu.memref_slice %arg4[%mul3A_305] : memref<204800xi32, #tpu.memory_space<hbm>> -> memref<4096xi32, #tpu.memory_space<hbm>>
        tpu.enqueue_dma source(%dma_start3A_315 : memref<4096xi32, #tpu.memory_space<hbm>>) target(%dma_start3A_314 : memref<4096xi32, #tpu.memory_space<vmem>>) target_semaphore(%arg15 : memref<!tpu.dma_semaphore, #tpu.memory_space<semaphore_mem>>)
      } else {
      }
      %add3A_97 = arith.constant 0 : i32
      %add3A_98 = arith.addi %mul3A_2, %add3A_97 : i32
      %min3A_99 = arith.constant 124 : i32
      %min3A_100 = arith.minsi %add3A_98, %min3A_99 : i32
      %mul3A_101 = arith.constant 4 : i32
      %mul3A_102 = arith.muli %scan3A_77, %mul3A_101 : i32
      %add3A_103 = arith.constant 0 : i32
      %add3A_104 = arith.addi %mul3A_102, %add3A_103 : i32
      %jit3A_105 = arith.constant 2 : i32
      %eq3A_106 = arith.constant 0 : i32
      %eq3A_107 = arith.cmpi eq, %jit3A_105, %eq3A_106 : i32
      %jit3A_108 = arith.constant 1 : i32
      %select_n3A_109 = arith.select %eq3A_107, %jit3A_108, %jit3A_105 : i32
      %rem3A_110 = arith.remsi %add3A_104, %select_n3A_109 : i32
      %ne3A_111 = arith.constant 0 : i32
      %ne3A_112 = arith.cmpi ne, %rem3A_110, %ne3A_111 : i32
      %lt3A_113 = arith.constant 0 : i32
      %lt3A_114 = arith.cmpi slt, %rem3A_110, %lt3A_113 : i32
      %lt3A_115 = arith.constant 0 : i32
      %lt3A_116 = arith.cmpi slt, %select_n3A_109, %lt3A_115 : i32
      %ne3A_117 = arith.xori %lt3A_114, %lt3A_116 : i1
      %and3A_118 = arith.andi %ne3A_117, %ne3A_112 : i1
      %add3A_119 = arith.addi %rem3A_110, %select_n3A_109 : i32
      %select_n3A_120 = arith.select %and3A_118, %add3A_119, %rem3A_110 : i32
      %ge3A_121 = arith.constant 1 : i32
      %ge3A_122 = arith.cmpi sge, %scan3A_77, %ge3A_121 : i32
      %convert_element_type3A_123 = arith.extui %ge3A_122 : i1 to i32
      %cond3A_124 = arith.constant 0 : i32
      %cond3A_125 = arith.cmpi ne, %convert_element_type3A_123, %cond3A_124 : i32
      scf.if %cond3A_125 {
        %dma_wait3A_289 = arith.constant 0 : i32
        %dma_wait3A_290 = tpu.memref_slice %arg12[%select_n3A_120, %dma_wait3A_289] : memref<2x32768xf32, #tpu.memory_space<vmem>> -> memref<1x32768xf32, #tpu.memory_space<vmem>>
        %dma_wait3A_291 = tpu.memref_squeeze %dma_wait3A_290 : memref<1x32768xf32, #tpu.memory_space<vmem>> -> memref<32768xf32, #tpu.memory_space<vmem>>
        %dma_wait3A_292 = arith.constant 0 : i32
        %dma_wait3A_293 = tpu.memref_slice %arg6[%scan3A_77, %min3A_100, %dma_wait3A_292] : memref<50x125x32768xf32, #tpu.memory_space<hbm>> -> memref<1x1x32768xf32, #tpu.memory_space<hbm>>
        %dma_wait3A_294 = tpu.memref_squeeze %dma_wait3A_293 : memref<1x1x32768xf32, #tpu.memory_space<hbm>> -> memref<32768xf32, #tpu.memory_space<hbm>>
        %dma_wait3A_295 = arith.constant 0 : i32
        %dma_wait3A_296 = tpu.memref_slice %arg6[%scan3A_77, %min3A_100, %dma_wait3A_295] : memref<50x125x32768xf32, #tpu.memory_space<hbm>> -> memref<1x1x32768xf32, #tpu.memory_space<hbm>>
        %dma_wait3A_297 = tpu.memref_squeeze %dma_wait3A_296 : memref<1x1x32768xf32, #tpu.memory_space<hbm>> -> memref<32768xf32, #tpu.memory_space<hbm>>
        %dma_wait3A_298 = arith.constant 0 : i32
        %dma_wait3A_299 = tpu.memref_slice %arg12[%select_n3A_120, %dma_wait3A_298] : memref<2x32768xf32, #tpu.memory_space<vmem>> -> memref<1x32768xf32, #tpu.memory_space<vmem>>
        %dma_wait3A_300 = tpu.memref_squeeze %dma_wait3A_299 : memref<1x32768xf32, #tpu.memory_space<vmem>> -> memref<32768xf32, #tpu.memory_space<vmem>>
        tpu.wait_dma2 semaphore(%arg14 : memref<!tpu.dma_semaphore, #tpu.memory_space<semaphore_mem>>) src(%dma_wait3A_300 : memref<32768xf32, #tpu.memory_space<vmem>>) dst(%dma_wait3A_297 : memref<32768xf32, #tpu.memory_space<hbm>>)
      } else {
      }
      %parallel_loop3A = arith.constant 0 : i32
      %parallel_loop3A_126 = arith.constant 256 : i32
      %parallel_loop3A_127 = arith.constant 1 : i32
      scf.for %parallel_loop3A_289 = %parallel_loop3A to %parallel_loop3A_126 step %parallel_loop3A_127  : i32 {
        %parallel_loop3A_290 = arith.constant 16 : i32
        %parallel_loop3A_291 = arith.muli %parallel_loop3A_289, %parallel_loop3A_290 : i32
        %parallel_loop3A_292 = arith.index_cast %select_n3A_87 : i32 to index
        %parallel_loop3A_293 = arith.index_cast %parallel_loop3A_291 : i32 to index
        %parallel_loop3A_294 = tpu.vector_load %arg9[%parallel_loop3A_292, %parallel_loop3A_293] {strides = array<i32>} : memref<2x4096xi32, #tpu.memory_space<vmem>>, vector<16xi32>,
        %parallel_loop3A_295 = arith.constant 3 : i32
        %parallel_loop3A_296 = arith.shrsi %parallel_loop3A_289, %parallel_loop3A_295 : i32
        %parallel_loop3A_297 = arith.constant 1024 : i32
        %parallel_loop3A_298 = arith.muli %parallel_loop3A_296, %parallel_loop3A_297 : i32
        %parallel_loop3A_299 = arith.constant 7 : i32
        %parallel_loop3A_300 = arith.andi %parallel_loop3A_289, %parallel_loop3A_299 : i32
        %parallel_loop3A_301 = arith.constant 16 : i32
        %parallel_loop3A_302 = arith.muli %parallel_loop3A_300, %parallel_loop3A_301 : i32
        %parallel_loop3A_303 = arith.addi %parallel_loop3A_298, %parallel_loop3A_302 : i32
        %parallel_loop3A_304 = arith.constant 0 : i32
        %parallel_loop3A_305 = vector.broadcast %parallel_loop3A_304 : i32 to vector<16xi32>
        %parallel_loop3A_306 = arith.addi %parallel_loop3A_294, %parallel_loop3A_305 : vector<16xi32>
        %parallel_loop3A_307 = tpu.vector_load_idx %arg8[%broadcast_in_dim3A_39, %parallel_loop3A_306] : memref<1x32000xf32, #tpu.memory_space<vmem>>[vector<16xi32>, vector<16xi32>], vector<16xf32>,
        %parallel_loop3A_308 = arith.constant 0 : i32
        %parallel_loop3A_309 = arith.addi %parallel_loop3A_303, %parallel_loop3A_308 : i32
        %parallel_loop3A_310 = arith.index_cast %select_n3A_120 : i32 to index
        %parallel_loop3A_311 = arith.index_cast %parallel_loop3A_309 : i32 to index
        %parallel_loop3A_312 = tpu.vector_load %arg12[%parallel_loop3A_310, %parallel_loop3A_311] {strides = array<i32>} : memref<2x32768xf32, #tpu.memory_space<vmem>>, vector<16xf32>,
        tpu.vector_store %arg12[%parallel_loop3A_310, %parallel_loop3A_311], %parallel_loop3A_307 {strides = array<i32>} : memref<2x32768xf32, #tpu.memory_space<vmem>>, vector<16xf32>,
        %parallel_loop3A_313 = arith.constant 1000 : i32
        %parallel_loop3A_314 = vector.broadcast %parallel_loop3A_313 : i32 to vector<16xi32>
        %parallel_loop3A_315 = arith.addi %parallel_loop3A_294, %parallel_loop3A_314 : vector<16xi32>
        %parallel_loop3A_316 = tpu.vector_load_idx %arg8[%broadcast_in_dim3A_39, %parallel_loop3A_315] : memref<1x32000xf32, #tpu.memory_space<vmem>>[vector<16xi32>, vector<16xi32>], vector<16xf32>,
        %parallel_loop3A_317 = arith.constant 128 : i32
        %parallel_loop3A_318 = arith.addi %parallel_loop3A_303, %parallel_loop3A_317 : i32
        %parallel_loop3A_319 = arith.index_cast %select_n3A_120 : i32 to index
        %parallel_loop3A_320 = arith.index_cast %parallel_loop3A_318 : i32 to index
        %parallel_loop3A_321 = tpu.vector_load %arg12[%parallel_loop3A_319, %parallel_loop3A_320] {strides = array<i32>} : memref<2x32768xf32, #tpu.memory_space<vmem>>, vector<16xf32>,
        tpu.vector_store %arg12[%parallel_loop3A_319, %parallel_loop3A_320], %parallel_loop3A_316 {strides = array<i32>} : memref<2x32768xf32, #tpu.memory_space<vmem>>, vector<16xf32>,
        %parallel_loop3A_322 = arith.constant 2000 : i32
        %parallel_loop3A_323 = vector.broadcast %parallel_loop3A_322 : i32 to vector<16xi32>
        %parallel_loop3A_324 = arith.addi %parallel_loop3A_294, %parallel_loop3A_323 : vector<16xi32>
        %parallel_loop3A_325 = tpu.vector_load_idx %arg8[%broadcast_in_dim3A_39, %parallel_loop3A_324] : memref<1x32000xf32, #tpu.memory_space<vmem>>[vector<16xi32>, vector<16xi32>], vector<16xf32>,
        %parallel_loop3A_326 = arith.constant 256 : i32
        %parallel_loop3A_327 = arith.addi %parallel_loop3A_303, %parallel_loop3A_326 : i32
        %parallel_loop3A_328 = arith.index_cast %select_n3A_120 : i32 to index
        %parallel_loop3A_329 = arith.index_cast %parallel_loop3A_327 : i32 to index
        %parallel_loop3A_330 = tpu.vector_load %arg12[%parallel_loop3A_328, %parallel_loop3A_329] {strides = array<i32>} : memref<2x32768xf32, #tpu.memory_space<vmem>>, vector<16xf32>,
        tpu.vector_store %arg12[%parallel_loop3A_328, %parallel_loop3A_329], %parallel_loop3A_325 {strides = array<i32>} : memref<2x32768xf32, #tpu.memory_space<vmem>>, vector<16xf32>,
        %parallel_loop3A_331 = arith.constant 3000 : i32
        %parallel_loop3A_332 = vector.broadcast %parallel_loop3A_331 : i32 to vector<16xi32>
        %parallel_loop3A_333 = arith.addi %parallel_loop3A_294, %parallel_loop3A_332 : vector<16xi32>
        %parallel_loop3A_334 = tpu.vector_load_idx %arg8[%broadcast_in_dim3A_39, %parallel_loop3A_333] : memref<1x32000xf32, #tpu.memory_space<vmem>>[vector<16xi32>, vector<16xi32>], vector<16xf32>,
        %parallel_loop3A_335 = arith.constant 384 : i32
        %parallel_loop3A_336 = arith.addi %parallel_loop3A_303, %parallel_loop3A_335 : i32
        %parallel_loop3A_337 = arith.index_cast %select_n3A_120 : i32 to index
        %parallel_loop3A_338 = arith.index_cast %parallel_loop3A_336 : i32 to index
        %parallel_loop3A_339 = tpu.vector_load %arg12[%parallel_loop3A_337, %parallel_loop3A_338] {strides = array<i32>} : memref<2x32768xf32, #tpu.memory_space<vmem>>, vector<16xf32>,
        tpu.vector_store %arg12[%parallel_loop3A_337, %parallel_loop3A_338], %parallel_loop3A_334 {strides = array<i32>} : memref<2x32768xf32, #tpu.memory_space<vmem>>, vector<16xf32>,
        %parallel_loop3A_340 = arith.constant 4000 : i32
        %parallel_loop3A_341 = vector.broadcast %parallel_loop3A_340 : i32 to vector<16xi32>
        %parallel_loop3A_342 = arith.addi %parallel_loop3A_294, %parallel_loop3A_341 : vector<16xi32>
        %parallel_loop3A_343 = tpu.vector_load_idx %arg8[%broadcast_in_dim3A_39, %parallel_loop3A_342] : memref<1x32000xf32, #tpu.memory_space<vmem>>[vector<16xi32>, vector<16xi32>], vector<16xf32>,
        %parallel_loop3A_344 = arith.constant 512 : i32
        %parallel_loop3A_345 = arith.addi %parallel_loop3A_303, %parallel_loop3A_344 : i32
        %parallel_loop3A_346 = arith.index_cast %select_n3A_120 : i32 to index
        %parallel_loop3A_347 = arith.index_cast %parallel_loop3A_345 : i32 to index
        %parallel_loop3A_348 = tpu.vector_load %arg12[%parallel_loop3A_346, %parallel_loop3A_347] {strides = array<i32>} : memref<2x32768xf32, #tpu.memory_space<vmem>>, vector<16xf32>,
        tpu.vector_store %arg12[%parallel_loop3A_346, %parallel_loop3A_347], %parallel_loop3A_343 {strides = array<i32>} : memref<2x32768xf32, #tpu.memory_space<vmem>>, vector<16xf32>,
        %parallel_loop3A_349 = arith.constant 5000 : i32
        %parallel_loop3A_350 = vector.broadcast %parallel_loop3A_349 : i32 to vector<16xi32>
        %parallel_loop3A_351 = arith.addi %parallel_loop3A_294, %parallel_loop3A_350 : vector<16xi32>
        %parallel_loop3A_352 = tpu.vector_load_idx %arg8[%broadcast_in_dim3A_39, %parallel_loop3A_351] : memref<1x32000xf32, #tpu.memory_space<vmem>>[vector<16xi32>, vector<16xi32>], vector<16xf32>,
        %parallel_loop3A_353 = arith.constant 640 : i32
        %parallel_loop3A_354 = arith.addi %parallel_loop3A_303, %parallel_loop3A_353 : i32
        %parallel_loop3A_355 = arith.index_cast %select_n3A_120 : i32 to index
        %parallel_loop3A_356 = arith.index_cast %parallel_loop3A_354 : i32 to index
        %parallel_loop3A_357 = tpu.vector_load %arg12[%parallel_loop3A_355, %parallel_loop3A_356] {strides = array<i32>} : memref<2x32768xf32, #tpu.memory_space<vmem>>, vector<16xf32>,
        tpu.vector_store %arg12[%parallel_loop3A_355, %parallel_loop3A_356], %parallel_loop3A_352 {strides = array<i32>} : memref<2x32768xf32, #tpu.memory_space<vmem>>, vector<16xf32>,
        %parallel_loop3A_358 = arith.constant 6000 : i32
        %parallel_loop3A_359 = vector.broadcast %parallel_loop3A_358 : i32 to vector<16xi32>
        %parallel_loop3A_360 = arith.addi %parallel_loop3A_294, %parallel_loop3A_359 : vector<16xi32>
        %parallel_loop3A_361 = tpu.vector_load_idx %arg8[%broadcast_in_dim3A_39, %parallel_loop3A_360] : memref<1x32000xf32, #tpu.memory_space<vmem>>[vector<16xi32>, vector<16xi32>], vector<16xf32>,
        %parallel_loop3A_362 = arith.constant 768 : i32
        %parallel_loop3A_363 = arith.addi %parallel_loop3A_303, %parallel_loop3A_362 : i32
        %parallel_loop3A_364 = arith.index_cast %select_n3A_120 : i32 to index
        %parallel_loop3A_365 = arith.index_cast %parallel_loop3A_363 : i32 to index
        %parallel_loop3A_366 = tpu.vector_load %arg12[%parallel_loop3A_364, %parallel_loop3A_365] {strides = array<i32>} : memref<2x32768xf32, #tpu.memory_space<vmem>>, vector<16xf32>,
        tpu.vector_store %arg12[%parallel_loop3A_364, %parallel_loop3A_365], %parallel_loop3A_361 {strides = array<i32>} : memref<2x32768xf32, #tpu.memory_space<vmem>>, vector<16xf32>,
        %parallel_loop3A_367 = arith.constant 7000 : i32
        %parallel_loop3A_368 = vector.broadcast %parallel_loop3A_367 : i32 to vector<16xi32>
        %parallel_loop3A_369 = arith.addi %parallel_loop3A_294, %parallel_loop3A_368 : vector<16xi32>
        %parallel_loop3A_370 = tpu.vector_load_idx %arg8[%broadcast_in_dim3A_39, %parallel_loop3A_369] : memref<1x32000xf32, #tpu.memory_space<vmem>>[vector<16xi32>, vector<16xi32>], vector<16xf32>,
        %parallel_loop3A_371 = arith.constant 896 : i32
        %parallel_loop3A_372 = arith.addi %parallel_loop3A_303, %parallel_loop3A_371 : i32
        %parallel_loop3A_373 = arith.index_cast %select_n3A_120 : i32 to index
        %parallel_loop3A_374 = arith.index_cast %parallel_loop3A_372 : i32 to index
        %parallel_loop3A_375 = tpu.vector_load %arg12[%parallel_loop3A_373, %parallel_loop3A_374] {strides = array<i32>} : memref<2x32768xf32, #tpu.memory_space<vmem>>, vector<16xf32>,
        tpu.vector_store %arg12[%parallel_loop3A_373, %parallel_loop3A_374], %parallel_loop3A_370 {strides = array<i32>} : memref<2x32768xf32, #tpu.memory_space<vmem>>, vector<16xf32>,
      } {sc.loop_unroll_factor = 8 : i64, sc.parallel_access}
      %dma_start3A = arith.constant 0 : i32
      %dma_start3A_128 = tpu.memref_slice %arg12[%select_n3A_120, %dma_start3A] : memref<2x32768xf32, #tpu.memory_space<vmem>> -> memref<1x32768xf32, #tpu.memory_space<vmem>>
      %dma_start3A_129 = tpu.memref_squeeze %dma_start3A_128 : memref<1x32768xf32, #tpu.memory_space<vmem>> -> memref<32768xf32, #tpu.memory_space<vmem>>
      %dma_start3A_130 = arith.constant 0 : i32
      %dma_start3A_131 = tpu.memref_slice %arg6[%scan3A_77, %min3A_100, %dma_start3A_130] : memref<50x125x32768xf32, #tpu.memory_space<hbm>> -> memref<1x1x32768xf32, #tpu.memory_space<hbm>>
      %dma_start3A_132 = tpu.memref_squeeze %dma_start3A_131 : memref<1x1x32768xf32, #tpu.memory_space<hbm>> -> memref<32768xf32, #tpu.memory_space<hbm>>
      %dma_start3A_133 = arith.constant 0 : i32
      %dma_start3A_134 = tpu.memref_slice %arg6[%scan3A_77, %min3A_100, %dma_start3A_133] : memref<50x125x32768xf32, #tpu.memory_space<hbm>> -> memref<1x1x32768xf32, #tpu.memory_space<hbm>>
      %dma_start3A_135 = tpu.memref_squeeze %dma_start3A_134 : memref<1x1x32768xf32, #tpu.memory_space<hbm>> -> memref<32768xf32, #tpu.memory_space<hbm>>
      %dma_start3A_136 = arith.constant 0 : i32
      %dma_start3A_137 = tpu.memref_slice %arg12[%select_n3A_120, %dma_start3A_136] : memref<2x32768xf32, #tpu.memory_space<vmem>> -> memref<1x32768xf32, #tpu.memory_space<vmem>>
      %dma_start3A_138 = tpu.memref_squeeze %dma_start3A_137 : memref<1x32768xf32, #tpu.memory_space<vmem>> -> memref<32768xf32, #tpu.memory_space<vmem>>
      tpu.enqueue_dma source(%dma_start3A_138 : memref<32768xf32, #tpu.memory_space<vmem>>) target(%dma_start3A_135 : memref<32768xf32, #tpu.memory_space<hbm>>) target_semaphore(%arg14 : memref<!tpu.dma_semaphore, #tpu.memory_space<semaphore_mem>>)
      %add3A_139 = arith.constant 1 : i32
      %add3A_140 = arith.addi %mul3A_2, %add3A_139 : i32
      %min3A_141 = arith.constant 124 : i32
      %min3A_142 = arith.minsi %add3A_140, %min3A_141 : i32
      %mul3A_143 = arith.constant 4 : i32
      %mul3A_144 = arith.muli %scan3A_77, %mul3A_143 : i32
      %add3A_145 = arith.constant 1 : i32
      %add3A_146 = arith.addi %mul3A_144, %add3A_145 : i32
      %jit3A_147 = arith.constant 2 : i32
      %eq3A_148 = arith.constant 0 : i32
      %eq3A_149 = arith.cmpi eq, %jit3A_147, %eq3A_148 : i32
      %jit3A_150 = arith.constant 1 : i32
      %select_n3A_151 = arith.select %eq3A_149, %jit3A_150, %jit3A_147 : i32
      %rem3A_152 = arith.remsi %add3A_146, %select_n3A_151 : i32
      %ne3A_153 = arith.constant 0 : i32
      %ne3A_154 = arith.cmpi ne, %rem3A_152, %ne3A_153 : i32
      %lt3A_155 = arith.constant 0 : i32
      %lt3A_156 = arith.cmpi slt, %rem3A_152, %lt3A_155 : i32
      %lt3A_157 = arith.constant 0 : i32
      %lt3A_158 = arith.cmpi slt, %select_n3A_151, %lt3A_157 : i32
      %ne3A_159 = arith.xori %lt3A_156, %lt3A_158 : i1
      %and3A_160 = arith.andi %ne3A_159, %ne3A_154 : i1
      %add3A_161 = arith.addi %rem3A_152, %select_n3A_151 : i32
      %select_n3A_162 = arith.select %and3A_160, %add3A_161, %rem3A_152 : i32
      %ge3A_163 = arith.constant 1 : i32
      %ge3A_164 = arith.cmpi sge, %scan3A_77, %ge3A_163 : i32
      %convert_element_type3A_165 = arith.extui %ge3A_164 : i1 to i32
      %cond3A_166 = arith.constant 0 : i32
      %cond3A_167 = arith.cmpi ne, %convert_element_type3A_165, %cond3A_166 : i32
      scf.if %cond3A_167 {
        %dma_wait3A_289 = arith.constant 0 : i32
        %dma_wait3A_290 = tpu.memref_slice %arg12[%select_n3A_162, %dma_wait3A_289] : memref<2x32768xf32, #tpu.memory_space<vmem>> -> memref<1x32768xf32, #tpu.memory_space<vmem>>
        %dma_wait3A_291 = tpu.memref_squeeze %dma_wait3A_290 : memref<1x32768xf32, #tpu.memory_space<vmem>> -> memref<32768xf32, #tpu.memory_space<vmem>>
        %dma_wait3A_292 = arith.constant 0 : i32
        %dma_wait3A_293 = tpu.memref_slice %arg6[%scan3A_77, %min3A_142, %dma_wait3A_292] : memref<50x125x32768xf32, #tpu.memory_space<hbm>> -> memref<1x1x32768xf32, #tpu.memory_space<hbm>>
        %dma_wait3A_294 = tpu.memref_squeeze %dma_wait3A_293 : memref<1x1x32768xf32, #tpu.memory_space<hbm>> -> memref<32768xf32, #tpu.memory_space<hbm>>
        %dma_wait3A_295 = arith.constant 0 : i32
        %dma_wait3A_296 = tpu.memref_slice %arg6[%scan3A_77, %min3A_142, %dma_wait3A_295] : memref<50x125x32768xf32, #tpu.memory_space<hbm>> -> memref<1x1x32768xf32, #tpu.memory_space<hbm>>
        %dma_wait3A_297 = tpu.memref_squeeze %dma_wait3A_296 : memref<1x1x32768xf32, #tpu.memory_space<hbm>> -> memref<32768xf32, #tpu.memory_space<hbm>>
        %dma_wait3A_298 = arith.constant 0 : i32
        %dma_wait3A_299 = tpu.memref_slice %arg12[%select_n3A_162, %dma_wait3A_298] : memref<2x32768xf32, #tpu.memory_space<vmem>> -> memref<1x32768xf32, #tpu.memory_space<vmem>>
        %dma_wait3A_300 = tpu.memref_squeeze %dma_wait3A_299 : memref<1x32768xf32, #tpu.memory_space<vmem>> -> memref<32768xf32, #tpu.memory_space<vmem>>
        tpu.wait_dma2 semaphore(%arg14 : memref<!tpu.dma_semaphore, #tpu.memory_space<semaphore_mem>>) src(%dma_wait3A_300 : memref<32768xf32, #tpu.memory_space<vmem>>) dst(%dma_wait3A_297 : memref<32768xf32, #tpu.memory_space<hbm>>)
      } else {
      }
      %parallel_loop3A_168 = arith.constant 0 : i32
      %parallel_loop3A_169 = arith.constant 256 : i32
      %parallel_loop3A_170 = arith.constant 1 : i32
      scf.for %parallel_loop3A_289 = %parallel_loop3A_168 to %parallel_loop3A_169 step %parallel_loop3A_170  : i32 {
        %parallel_loop3A_290 = arith.constant 16 : i32
        %parallel_loop3A_291 = arith.muli %parallel_loop3A_289, %parallel_loop3A_290 : i32
        %parallel_loop3A_292 = arith.index_cast %select_n3A_87 : i32 to index
        %parallel_loop3A_293 = arith.index_cast %parallel_loop3A_291 : i32 to index
        %parallel_loop3A_294 = tpu.vector_load %arg9[%parallel_loop3A_292, %parallel_loop3A_293] {strides = array<i32>} : memref<2x4096xi32, #tpu.memory_space<vmem>>, vector<16xi32>,
        %parallel_loop3A_295 = arith.constant 3 : i32
        %parallel_loop3A_296 = arith.shrsi %parallel_loop3A_289, %parallel_loop3A_295 : i32
        %parallel_loop3A_297 = arith.constant 1024 : i32
        %parallel_loop3A_298 = arith.muli %parallel_loop3A_296, %parallel_loop3A_297 : i32
        %parallel_loop3A_299 = arith.constant 7 : i32
        %parallel_loop3A_300 = arith.andi %parallel_loop3A_289, %parallel_loop3A_299 : i32
        %parallel_loop3A_301 = arith.constant 16 : i32
        %parallel_loop3A_302 = arith.muli %parallel_loop3A_300, %parallel_loop3A_301 : i32
        %parallel_loop3A_303 = arith.addi %parallel_loop3A_298, %parallel_loop3A_302 : i32
        %parallel_loop3A_304 = arith.constant 8000 : i32
        %parallel_loop3A_305 = vector.broadcast %parallel_loop3A_304 : i32 to vector<16xi32>
        %parallel_loop3A_306 = arith.addi %parallel_loop3A_294, %parallel_loop3A_305 : vector<16xi32>
        %parallel_loop3A_307 = tpu.vector_load_idx %arg8[%broadcast_in_dim3A_39, %parallel_loop3A_306] : memref<1x32000xf32, #tpu.memory_space<vmem>>[vector<16xi32>, vector<16xi32>], vector<16xf32>,
        %parallel_loop3A_308 = arith.constant 0 : i32
        %parallel_loop3A_309 = arith.addi %parallel_loop3A_303, %parallel_loop3A_308 : i32
        %parallel_loop3A_310 = arith.index_cast %select_n3A_162 : i32 to index
        %parallel_loop3A_311 = arith.index_cast %parallel_loop3A_309 : i32 to index
        %parallel_loop3A_312 = tpu.vector_load %arg12[%parallel_loop3A_310, %parallel_loop3A_311] {strides = array<i32>} : memref<2x32768xf32, #tpu.memory_space<vmem>>, vector<16xf32>,
        tpu.vector_store %arg12[%parallel_loop3A_310, %parallel_loop3A_311], %parallel_loop3A_307 {strides = array<i32>} : memref<2x32768xf32, #tpu.memory_space<vmem>>, vector<16xf32>,
        %parallel_loop3A_313 = arith.constant 9000 : i32
        %parallel_loop3A_314 = vector.broadcast %parallel_loop3A_313 : i32 to vector<16xi32>
        %parallel_loop3A_315 = arith.addi %parallel_loop3A_294, %parallel_loop3A_314 : vector<16xi32>
        %parallel_loop3A_316 = tpu.vector_load_idx %arg8[%broadcast_in_dim3A_39, %parallel_loop3A_315] : memref<1x32000xf32, #tpu.memory_space<vmem>>[vector<16xi32>, vector<16xi32>], vector<16xf32>,
        %parallel_loop3A_317 = arith.constant 128 : i32
        %parallel_loop3A_318 = arith.addi %parallel_loop3A_303, %parallel_loop3A_317 : i32
        %parallel_loop3A_319 = arith.index_cast %select_n3A_162 : i32 to index
        %parallel_loop3A_320 = arith.index_cast %parallel_loop3A_318 : i32 to index
        %parallel_loop3A_321 = tpu.vector_load %arg12[%parallel_loop3A_319, %parallel_loop3A_320] {strides = array<i32>} : memref<2x32768xf32, #tpu.memory_space<vmem>>, vector<16xf32>,
        tpu.vector_store %arg12[%parallel_loop3A_319, %parallel_loop3A_320], %parallel_loop3A_316 {strides = array<i32>} : memref<2x32768xf32, #tpu.memory_space<vmem>>, vector<16xf32>,
        %parallel_loop3A_322 = arith.constant 10000 : i32
        %parallel_loop3A_323 = vector.broadcast %parallel_loop3A_322 : i32 to vector<16xi32>
        %parallel_loop3A_324 = arith.addi %parallel_loop3A_294, %parallel_loop3A_323 : vector<16xi32>
        %parallel_loop3A_325 = tpu.vector_load_idx %arg8[%broadcast_in_dim3A_39, %parallel_loop3A_324] : memref<1x32000xf32, #tpu.memory_space<vmem>>[vector<16xi32>, vector<16xi32>], vector<16xf32>,
        %parallel_loop3A_326 = arith.constant 256 : i32
        %parallel_loop3A_327 = arith.addi %parallel_loop3A_303, %parallel_loop3A_326 : i32
        %parallel_loop3A_328 = arith.index_cast %select_n3A_162 : i32 to index
        %parallel_loop3A_329 = arith.index_cast %parallel_loop3A_327 : i32 to index
        %parallel_loop3A_330 = tpu.vector_load %arg12[%parallel_loop3A_328, %parallel_loop3A_329] {strides = array<i32>} : memref<2x32768xf32, #tpu.memory_space<vmem>>, vector<16xf32>,
        tpu.vector_store %arg12[%parallel_loop3A_328, %parallel_loop3A_329], %parallel_loop3A_325 {strides = array<i32>} : memref<2x32768xf32, #tpu.memory_space<vmem>>, vector<16xf32>,
        %parallel_loop3A_331 = arith.constant 11000 : i32
        %parallel_loop3A_332 = vector.broadcast %parallel_loop3A_331 : i32 to vector<16xi32>
        %parallel_loop3A_333 = arith.addi %parallel_loop3A_294, %parallel_loop3A_332 : vector<16xi32>
        %parallel_loop3A_334 = tpu.vector_load_idx %arg8[%broadcast_in_dim3A_39, %parallel_loop3A_333] : memref<1x32000xf32, #tpu.memory_space<vmem>>[vector<16xi32>, vector<16xi32>], vector<16xf32>,
        %parallel_loop3A_335 = arith.constant 384 : i32
        %parallel_loop3A_336 = arith.addi %parallel_loop3A_303, %parallel_loop3A_335 : i32
        %parallel_loop3A_337 = arith.index_cast %select_n3A_162 : i32 to index
        %parallel_loop3A_338 = arith.index_cast %parallel_loop3A_336 : i32 to index
        %parallel_loop3A_339 = tpu.vector_load %arg12[%parallel_loop3A_337, %parallel_loop3A_338] {strides = array<i32>} : memref<2x32768xf32, #tpu.memory_space<vmem>>, vector<16xf32>,
        tpu.vector_store %arg12[%parallel_loop3A_337, %parallel_loop3A_338], %parallel_loop3A_334 {strides = array<i32>} : memref<2x32768xf32, #tpu.memory_space<vmem>>, vector<16xf32>,
        %parallel_loop3A_340 = arith.constant 12000 : i32
        %parallel_loop3A_341 = vector.broadcast %parallel_loop3A_340 : i32 to vector<16xi32>
        %parallel_loop3A_342 = arith.addi %parallel_loop3A_294, %parallel_loop3A_341 : vector<16xi32>
        %parallel_loop3A_343 = tpu.vector_load_idx %arg8[%broadcast_in_dim3A_39, %parallel_loop3A_342] : memref<1x32000xf32, #tpu.memory_space<vmem>>[vector<16xi32>, vector<16xi32>], vector<16xf32>,
        %parallel_loop3A_344 = arith.constant 512 : i32
        %parallel_loop3A_345 = arith.addi %parallel_loop3A_303, %parallel_loop3A_344 : i32
        %parallel_loop3A_346 = arith.index_cast %select_n3A_162 : i32 to index
        %parallel_loop3A_347 = arith.index_cast %parallel_loop3A_345 : i32 to index
        %parallel_loop3A_348 = tpu.vector_load %arg12[%parallel_loop3A_346, %parallel_loop3A_347] {strides = array<i32>} : memref<2x32768xf32, #tpu.memory_space<vmem>>, vector<16xf32>,
        tpu.vector_store %arg12[%parallel_loop3A_346, %parallel_loop3A_347], %parallel_loop3A_343 {strides = array<i32>} : memref<2x32768xf32, #tpu.memory_space<vmem>>, vector<16xf32>,
        %parallel_loop3A_349 = arith.constant 13000 : i32
        %parallel_loop3A_350 = vector.broadcast %parallel_loop3A_349 : i32 to vector<16xi32>
        %parallel_loop3A_351 = arith.addi %parallel_loop3A_294, %parallel_loop3A_350 : vector<16xi32>
        %parallel_loop3A_352 = tpu.vector_load_idx %arg8[%broadcast_in_dim3A_39, %parallel_loop3A_351] : memref<1x32000xf32, #tpu.memory_space<vmem>>[vector<16xi32>, vector<16xi32>], vector<16xf32>,
        %parallel_loop3A_353 = arith.constant 640 : i32
        %parallel_loop3A_354 = arith.addi %parallel_loop3A_303, %parallel_loop3A_353 : i32
        %parallel_loop3A_355 = arith.index_cast %select_n3A_162 : i32 to index
        %parallel_loop3A_356 = arith.index_cast %parallel_loop3A_354 : i32 to index
        %parallel_loop3A_357 = tpu.vector_load %arg12[%parallel_loop3A_355, %parallel_loop3A_356] {strides = array<i32>} : memref<2x32768xf32, #tpu.memory_space<vmem>>, vector<16xf32>,
        tpu.vector_store %arg12[%parallel_loop3A_355, %parallel_loop3A_356], %parallel_loop3A_352 {strides = array<i32>} : memref<2x32768xf32, #tpu.memory_space<vmem>>, vector<16xf32>,
        %parallel_loop3A_358 = arith.constant 14000 : i32
        %parallel_loop3A_359 = vector.broadcast %parallel_loop3A_358 : i32 to vector<16xi32>
        %parallel_loop3A_360 = arith.addi %parallel_loop3A_294, %parallel_loop3A_359 : vector<16xi32>
        %parallel_loop3A_361 = tpu.vector_load_idx %arg8[%broadcast_in_dim3A_39, %parallel_loop3A_360] : memref<1x32000xf32, #tpu.memory_space<vmem>>[vector<16xi32>, vector<16xi32>], vector<16xf32>,
        %parallel_loop3A_362 = arith.constant 768 : i32
        %parallel_loop3A_363 = arith.addi %parallel_loop3A_303, %parallel_loop3A_362 : i32
        %parallel_loop3A_364 = arith.index_cast %select_n3A_162 : i32 to index
        %parallel_loop3A_365 = arith.index_cast %parallel_loop3A_363 : i32 to index
        %parallel_loop3A_366 = tpu.vector_load %arg12[%parallel_loop3A_364, %parallel_loop3A_365] {strides = array<i32>} : memref<2x32768xf32, #tpu.memory_space<vmem>>, vector<16xf32>,
        tpu.vector_store %arg12[%parallel_loop3A_364, %parallel_loop3A_365], %parallel_loop3A_361 {strides = array<i32>} : memref<2x32768xf32, #tpu.memory_space<vmem>>, vector<16xf32>,
        %parallel_loop3A_367 = arith.constant 15000 : i32
        %parallel_loop3A_368 = vector.broadcast %parallel_loop3A_367 : i32 to vector<16xi32>
        %parallel_loop3A_369 = arith.addi %parallel_loop3A_294, %parallel_loop3A_368 : vector<16xi32>
        %parallel_loop3A_370 = tpu.vector_load_idx %arg8[%broadcast_in_dim3A_39, %parallel_loop3A_369] : memref<1x32000xf32, #tpu.memory_space<vmem>>[vector<16xi32>, vector<16xi32>], vector<16xf32>,
        %parallel_loop3A_371 = arith.constant 896 : i32
        %parallel_loop3A_372 = arith.addi %parallel_loop3A_303, %parallel_loop3A_371 : i32
        %parallel_loop3A_373 = arith.index_cast %select_n3A_162 : i32 to index
        %parallel_loop3A_374 = arith.index_cast %parallel_loop3A_372 : i32 to index
        %parallel_loop3A_375 = tpu.vector_load %arg12[%parallel_loop3A_373, %parallel_loop3A_374] {strides = array<i32>} : memref<2x32768xf32, #tpu.memory_space<vmem>>, vector<16xf32>,
        tpu.vector_store %arg12[%parallel_loop3A_373, %parallel_loop3A_374], %parallel_loop3A_370 {strides = array<i32>} : memref<2x32768xf32, #tpu.memory_space<vmem>>, vector<16xf32>,
      } {sc.loop_unroll_factor = 8 : i64, sc.parallel_access}
      %dma_start3A_171 = arith.constant 0 : i32
      %dma_start3A_172 = tpu.memref_slice %arg12[%select_n3A_162, %dma_start3A_171] : memref<2x32768xf32, #tpu.memory_space<vmem>> -> memref<1x32768xf32, #tpu.memory_space<vmem>>
      %dma_start3A_173 = tpu.memref_squeeze %dma_start3A_172 : memref<1x32768xf32, #tpu.memory_space<vmem>> -> memref<32768xf32, #tpu.memory_space<vmem>>
      %dma_start3A_174 = arith.constant 0 : i32
      %dma_start3A_175 = tpu.memref_slice %arg6[%scan3A_77, %min3A_142, %dma_start3A_174] : memref<50x125x32768xf32, #tpu.memory_space<hbm>> -> memref<1x1x32768xf32, #tpu.memory_space<hbm>>
      %dma_start3A_176 = tpu.memref_squeeze %dma_start3A_175 : memref<1x1x32768xf32, #tpu.memory_space<hbm>> -> memref<32768xf32, #tpu.memory_space<hbm>>
      %dma_start3A_177 = arith.constant 0 : i32
      %dma_start3A_178 = tpu.memref_slice %arg6[%scan3A_77, %min3A_142, %dma_start3A_177] : memref<50x125x32768xf32, #tpu.memory_space<hbm>> -> memref<1x1x32768xf32, #tpu.memory_space<hbm>>
      %dma_start3A_179 = tpu.memref_squeeze %dma_start3A_178 : memref<1x1x32768xf32, #tpu.memory_space<hbm>> -> memref<32768xf32, #tpu.memory_space<hbm>>
      %dma_start3A_180 = arith.constant 0 : i32
      %dma_start3A_181 = tpu.memref_slice %arg12[%select_n3A_162, %dma_start3A_180] : memref<2x32768xf32, #tpu.memory_space<vmem>> -> memref<1x32768xf32, #tpu.memory_space<vmem>>
      %dma_start3A_182 = tpu.memref_squeeze %dma_start3A_181 : memref<1x32768xf32, #tpu.memory_space<vmem>> -> memref<32768xf32, #tpu.memory_space<vmem>>
      tpu.enqueue_dma source(%dma_start3A_182 : memref<32768xf32, #tpu.memory_space<vmem>>) target(%dma_start3A_179 : memref<32768xf32, #tpu.memory_space<hbm>>) target_semaphore(%arg14 : memref<!tpu.dma_semaphore, #tpu.memory_space<semaphore_mem>>)
      %add3A_183 = arith.constant 2 : i32
      %add3A_184 = arith.addi %mul3A_2, %add3A_183 : i32
      %min3A_185 = arith.constant 124 : i32
      %min3A_186 = arith.minsi %add3A_184, %min3A_185 : i32
      %mul3A_187 = arith.constant 4 : i32
      %mul3A_188 = arith.muli %scan3A_77, %mul3A_187 : i32
      %add3A_189 = arith.constant 2 : i32
      %add3A_190 = arith.addi %mul3A_188, %add3A_189 : i32
      %jit3A_191 = arith.constant 2 : i32
      %eq3A_192 = arith.constant 0 : i32
      %eq3A_193 = arith.cmpi eq, %jit3A_191, %eq3A_192 : i32
      %jit3A_194 = arith.constant 1 : i32
      %select_n3A_195 = arith.select %eq3A_193, %jit3A_194, %jit3A_191 : i32
      %rem3A_196 = arith.remsi %add3A_190, %select_n3A_195 : i32
      %ne3A_197 = arith.constant 0 : i32
      %ne3A_198 = arith.cmpi ne, %rem3A_196, %ne3A_197 : i32
      %lt3A_199 = arith.constant 0 : i32
      %lt3A_200 = arith.cmpi slt, %rem3A_196, %lt3A_199 : i32
      %lt3A_201 = arith.constant 0 : i32
      %lt3A_202 = arith.cmpi slt, %select_n3A_195, %lt3A_201 : i32
      %ne3A_203 = arith.xori %lt3A_200, %lt3A_202 : i1
      %and3A_204 = arith.andi %ne3A_203, %ne3A_198 : i1
      %add3A_205 = arith.addi %rem3A_196, %select_n3A_195 : i32
      %select_n3A_206 = arith.select %and3A_204, %add3A_205, %rem3A_196 : i32
      %dma_wait3A_207 = arith.constant 0 : i32
      %dma_wait3A_208 = tpu.memref_slice %arg12[%select_n3A_206, %dma_wait3A_207] : memref<2x32768xf32, #tpu.memory_space<vmem>> -> memref<1x32768xf32, #tpu.memory_space<vmem>>
      %dma_wait3A_209 = tpu.memref_squeeze %dma_wait3A_208 : memref<1x32768xf32, #tpu.memory_space<vmem>> -> memref<32768xf32, #tpu.memory_space<vmem>>
      %dma_wait3A_210 = arith.constant 0 : i32
      %dma_wait3A_211 = tpu.memref_slice %arg6[%scan3A_77, %min3A_186, %dma_wait3A_210] : memref<50x125x32768xf32, #tpu.memory_space<hbm>> -> memref<1x1x32768xf32, #tpu.memory_space<hbm>>
      %dma_wait3A_212 = tpu.memref_squeeze %dma_wait3A_211 : memref<1x1x32768xf32, #tpu.memory_space<hbm>> -> memref<32768xf32, #tpu.memory_space<hbm>>
      %dma_wait3A_213 = arith.constant 0 : i32
      %dma_wait3A_214 = tpu.memref_slice %arg6[%scan3A_77, %min3A_186, %dma_wait3A_213] : memref<50x125x32768xf32, #tpu.memory_space<hbm>> -> memref<1x1x32768xf32, #tpu.memory_space<hbm>>
      %dma_wait3A_215 = tpu.memref_squeeze %dma_wait3A_214 : memref<1x1x32768xf32, #tpu.memory_space<hbm>> -> memref<32768xf32, #tpu.memory_space<hbm>>
      %dma_wait3A_216 = arith.constant 0 : i32
      %dma_wait3A_217 = tpu.memref_slice %arg12[%select_n3A_206, %dma_wait3A_216] : memref<2x32768xf32, #tpu.memory_space<vmem>> -> memref<1x32768xf32, #tpu.memory_space<vmem>>
      %dma_wait3A_218 = tpu.memref_squeeze %dma_wait3A_217 : memref<1x32768xf32, #tpu.memory_space<vmem>> -> memref<32768xf32, #tpu.memory_space<vmem>>
      tpu.wait_dma2 semaphore(%arg14 : memref<!tpu.dma_semaphore, #tpu.memory_space<semaphore_mem>>) src(%dma_wait3A_218 : memref<32768xf32, #tpu.memory_space<vmem>>) dst(%dma_wait3A_215 : memref<32768xf32, #tpu.memory_space<hbm>>)
      %parallel_loop3A_219 = arith.constant 0 : i32
      %parallel_loop3A_220 = arith.constant 256 : i32
      %parallel_loop3A_221 = arith.constant 1 : i32
      scf.for %parallel_loop3A_289 = %parallel_loop3A_219 to %parallel_loop3A_220 step %parallel_loop3A_221  : i32 {
        %parallel_loop3A_290 = arith.constant 16 : i32
        %parallel_loop3A_291 = arith.muli %parallel_loop3A_289, %parallel_loop3A_290 : i32
        %parallel_loop3A_292 = arith.index_cast %select_n3A_87 : i32 to index
        %parallel_loop3A_293 = arith.index_cast %parallel_loop3A_291 : i32 to index
        %parallel_loop3A_294 = tpu.vector_load %arg9[%parallel_loop3A_292, %parallel_loop3A_293] {strides = array<i32>} : memref<2x4096xi32, #tpu.memory_space<vmem>>, vector<16xi32>,
        %parallel_loop3A_295 = arith.constant 3 : i32
        %parallel_loop3A_296 = arith.shrsi %parallel_loop3A_289, %parallel_loop3A_295 : i32
        %parallel_loop3A_297 = arith.constant 1024 : i32
        %parallel_loop3A_298 = arith.muli %parallel_loop3A_296, %parallel_loop3A_297 : i32
        %parallel_loop3A_299 = arith.constant 7 : i32
        %parallel_loop3A_300 = arith.andi %parallel_loop3A_289, %parallel_loop3A_299 : i32
        %parallel_loop3A_301 = arith.constant 16 : i32
        %parallel_loop3A_302 = arith.muli %parallel_loop3A_300, %parallel_loop3A_301 : i32
        %parallel_loop3A_303 = arith.addi %parallel_loop3A_298, %parallel_loop3A_302 : i32
        %parallel_loop3A_304 = arith.constant 16000 : i32
        %parallel_loop3A_305 = vector.broadcast %parallel_loop3A_304 : i32 to vector<16xi32>
        %parallel_loop3A_306 = arith.addi %parallel_loop3A_294, %parallel_loop3A_305 : vector<16xi32>
        %parallel_loop3A_307 = tpu.vector_load_idx %arg8[%broadcast_in_dim3A_39, %parallel_loop3A_306] : memref<1x32000xf32, #tpu.memory_space<vmem>>[vector<16xi32>, vector<16xi32>], vector<16xf32>,
        %parallel_loop3A_308 = arith.constant 0 : i32
        %parallel_loop3A_309 = arith.addi %parallel_loop3A_303, %parallel_loop3A_308 : i32
        %parallel_loop3A_310 = arith.index_cast %select_n3A_206 : i32 to index
        %parallel_loop3A_311 = arith.index_cast %parallel_loop3A_309 : i32 to index
        %parallel_loop3A_312 = tpu.vector_load %arg12[%parallel_loop3A_310, %parallel_loop3A_311] {strides = array<i32>} : memref<2x32768xf32, #tpu.memory_space<vmem>>, vector<16xf32>,
        tpu.vector_store %arg12[%parallel_loop3A_310, %parallel_loop3A_311], %parallel_loop3A_307 {strides = array<i32>} : memref<2x32768xf32, #tpu.memory_space<vmem>>, vector<16xf32>,
        %parallel_loop3A_313 = arith.constant 17000 : i32
        %parallel_loop3A_314 = vector.broadcast %parallel_loop3A_313 : i32 to vector<16xi32>
        %parallel_loop3A_315 = arith.addi %parallel_loop3A_294, %parallel_loop3A_314 : vector<16xi32>
        %parallel_loop3A_316 = tpu.vector_load_idx %arg8[%broadcast_in_dim3A_39, %parallel_loop3A_315] : memref<1x32000xf32, #tpu.memory_space<vmem>>[vector<16xi32>, vector<16xi32>], vector<16xf32>,
        %parallel_loop3A_317 = arith.constant 128 : i32
        %parallel_loop3A_318 = arith.addi %parallel_loop3A_303, %parallel_loop3A_317 : i32
        %parallel_loop3A_319 = arith.index_cast %select_n3A_206 : i32 to index
        %parallel_loop3A_320 = arith.index_cast %parallel_loop3A_318 : i32 to index
        %parallel_loop3A_321 = tpu.vector_load %arg12[%parallel_loop3A_319, %parallel_loop3A_320] {strides = array<i32>} : memref<2x32768xf32, #tpu.memory_space<vmem>>, vector<16xf32>,
        tpu.vector_store %arg12[%parallel_loop3A_319, %parallel_loop3A_320], %parallel_loop3A_316 {strides = array<i32>} : memref<2x32768xf32, #tpu.memory_space<vmem>>, vector<16xf32>,
        %parallel_loop3A_322 = arith.constant 18000 : i32
        %parallel_loop3A_323 = vector.broadcast %parallel_loop3A_322 : i32 to vector<16xi32>
        %parallel_loop3A_324 = arith.addi %parallel_loop3A_294, %parallel_loop3A_323 : vector<16xi32>
        %parallel_loop3A_325 = tpu.vector_load_idx %arg8[%broadcast_in_dim3A_39, %parallel_loop3A_324] : memref<1x32000xf32, #tpu.memory_space<vmem>>[vector<16xi32>, vector<16xi32>], vector<16xf32>,
        %parallel_loop3A_326 = arith.constant 256 : i32
        %parallel_loop3A_327 = arith.addi %parallel_loop3A_303, %parallel_loop3A_326 : i32
        %parallel_loop3A_328 = arith.index_cast %select_n3A_206 : i32 to index
        %parallel_loop3A_329 = arith.index_cast %parallel_loop3A_327 : i32 to index
        %parallel_loop3A_330 = tpu.vector_load %arg12[%parallel_loop3A_328, %parallel_loop3A_329] {strides = array<i32>} : memref<2x32768xf32, #tpu.memory_space<vmem>>, vector<16xf32>,
        tpu.vector_store %arg12[%parallel_loop3A_328, %parallel_loop3A_329], %parallel_loop3A_325 {strides = array<i32>} : memref<2x32768xf32, #tpu.memory_space<vmem>>, vector<16xf32>,
        %parallel_loop3A_331 = arith.constant 19000 : i32
        %parallel_loop3A_332 = vector.broadcast %parallel_loop3A_331 : i32 to vector<16xi32>
        %parallel_loop3A_333 = arith.addi %parallel_loop3A_294, %parallel_loop3A_332 : vector<16xi32>
        %parallel_loop3A_334 = tpu.vector_load_idx %arg8[%broadcast_in_dim3A_39, %parallel_loop3A_333] : memref<1x32000xf32, #tpu.memory_space<vmem>>[vector<16xi32>, vector<16xi32>], vector<16xf32>,
        %parallel_loop3A_335 = arith.constant 384 : i32
        %parallel_loop3A_336 = arith.addi %parallel_loop3A_303, %parallel_loop3A_335 : i32
        %parallel_loop3A_337 = arith.index_cast %select_n3A_206 : i32 to index
        %parallel_loop3A_338 = arith.index_cast %parallel_loop3A_336 : i32 to index
        %parallel_loop3A_339 = tpu.vector_load %arg12[%parallel_loop3A_337, %parallel_loop3A_338] {strides = array<i32>} : memref<2x32768xf32, #tpu.memory_space<vmem>>, vector<16xf32>,
        tpu.vector_store %arg12[%parallel_loop3A_337, %parallel_loop3A_338], %parallel_loop3A_334 {strides = array<i32>} : memref<2x32768xf32, #tpu.memory_space<vmem>>, vector<16xf32>,
        %parallel_loop3A_340 = arith.constant 20000 : i32
        %parallel_loop3A_341 = vector.broadcast %parallel_loop3A_340 : i32 to vector<16xi32>
        %parallel_loop3A_342 = arith.addi %parallel_loop3A_294, %parallel_loop3A_341 : vector<16xi32>
        %parallel_loop3A_343 = tpu.vector_load_idx %arg8[%broadcast_in_dim3A_39, %parallel_loop3A_342] : memref<1x32000xf32, #tpu.memory_space<vmem>>[vector<16xi32>, vector<16xi32>], vector<16xf32>,
        %parallel_loop3A_344 = arith.constant 512 : i32
        %parallel_loop3A_345 = arith.addi %parallel_loop3A_303, %parallel_loop3A_344 : i32
        %parallel_loop3A_346 = arith.index_cast %select_n3A_206 : i32 to index
        %parallel_loop3A_347 = arith.index_cast %parallel_loop3A_345 : i32 to index
        %parallel_loop3A_348 = tpu.vector_load %arg12[%parallel_loop3A_346, %parallel_loop3A_347] {strides = array<i32>} : memref<2x32768xf32, #tpu.memory_space<vmem>>, vector<16xf32>,
        tpu.vector_store %arg12[%parallel_loop3A_346, %parallel_loop3A_347], %parallel_loop3A_343 {strides = array<i32>} : memref<2x32768xf32, #tpu.memory_space<vmem>>, vector<16xf32>,
        %parallel_loop3A_349 = arith.constant 21000 : i32
        %parallel_loop3A_350 = vector.broadcast %parallel_loop3A_349 : i32 to vector<16xi32>
        %parallel_loop3A_351 = arith.addi %parallel_loop3A_294, %parallel_loop3A_350 : vector<16xi32>
        %parallel_loop3A_352 = tpu.vector_load_idx %arg8[%broadcast_in_dim3A_39, %parallel_loop3A_351] : memref<1x32000xf32, #tpu.memory_space<vmem>>[vector<16xi32>, vector<16xi32>], vector<16xf32>,
        %parallel_loop3A_353 = arith.constant 640 : i32
        %parallel_loop3A_354 = arith.addi %parallel_loop3A_303, %parallel_loop3A_353 : i32
        %parallel_loop3A_355 = arith.index_cast %select_n3A_206 : i32 to index
        %parallel_loop3A_356 = arith.index_cast %parallel_loop3A_354 : i32 to index
        %parallel_loop3A_357 = tpu.vector_load %arg12[%parallel_loop3A_355, %parallel_loop3A_356] {strides = array<i32>} : memref<2x32768xf32, #tpu.memory_space<vmem>>, vector<16xf32>,
        tpu.vector_store %arg12[%parallel_loop3A_355, %parallel_loop3A_356], %parallel_loop3A_352 {strides = array<i32>} : memref<2x32768xf32, #tpu.memory_space<vmem>>, vector<16xf32>,
        %parallel_loop3A_358 = arith.constant 22000 : i32
        %parallel_loop3A_359 = vector.broadcast %parallel_loop3A_358 : i32 to vector<16xi32>
        %parallel_loop3A_360 = arith.addi %parallel_loop3A_294, %parallel_loop3A_359 : vector<16xi32>
        %parallel_loop3A_361 = tpu.vector_load_idx %arg8[%broadcast_in_dim3A_39, %parallel_loop3A_360] : memref<1x32000xf32, #tpu.memory_space<vmem>>[vector<16xi32>, vector<16xi32>], vector<16xf32>,
        %parallel_loop3A_362 = arith.constant 768 : i32
        %parallel_loop3A_363 = arith.addi %parallel_loop3A_303, %parallel_loop3A_362 : i32
        %parallel_loop3A_364 = arith.index_cast %select_n3A_206 : i32 to index
        %parallel_loop3A_365 = arith.index_cast %parallel_loop3A_363 : i32 to index
        %parallel_loop3A_366 = tpu.vector_load %arg12[%parallel_loop3A_364, %parallel_loop3A_365] {strides = array<i32>} : memref<2x32768xf32, #tpu.memory_space<vmem>>, vector<16xf32>,
        tpu.vector_store %arg12[%parallel_loop3A_364, %parallel_loop3A_365], %parallel_loop3A_361 {strides = array<i32>} : memref<2x32768xf32, #tpu.memory_space<vmem>>, vector<16xf32>,
        %parallel_loop3A_367 = arith.constant 23000 : i32
        %parallel_loop3A_368 = vector.broadcast %parallel_loop3A_367 : i32 to vector<16xi32>
        %parallel_loop3A_369 = arith.addi %parallel_loop3A_294, %parallel_loop3A_368 : vector<16xi32>
        %parallel_loop3A_370 = tpu.vector_load_idx %arg8[%broadcast_in_dim3A_39, %parallel_loop3A_369] : memref<1x32000xf32, #tpu.memory_space<vmem>>[vector<16xi32>, vector<16xi32>], vector<16xf32>,
        %parallel_loop3A_371 = arith.constant 896 : i32
        %parallel_loop3A_372 = arith.addi %parallel_loop3A_303, %parallel_loop3A_371 : i32
        %parallel_loop3A_373 = arith.index_cast %select_n3A_206 : i32 to index
        %parallel_loop3A_374 = arith.index_cast %parallel_loop3A_372 : i32 to index
        %parallel_loop3A_375 = tpu.vector_load %arg12[%parallel_loop3A_373, %parallel_loop3A_374] {strides = array<i32>} : memref<2x32768xf32, #tpu.memory_space<vmem>>, vector<16xf32>,
        tpu.vector_store %arg12[%parallel_loop3A_373, %parallel_loop3A_374], %parallel_loop3A_370 {strides = array<i32>} : memref<2x32768xf32, #tpu.memory_space<vmem>>, vector<16xf32>,
      } {sc.loop_unroll_factor = 8 : i64, sc.parallel_access}
      %dma_start3A_222 = arith.constant 0 : i32
      %dma_start3A_223 = tpu.memref_slice %arg12[%select_n3A_206, %dma_start3A_222] : memref<2x32768xf32, #tpu.memory_space<vmem>> -> memref<1x32768xf32, #tpu.memory_space<vmem>>
      %dma_start3A_224 = tpu.memref_squeeze %dma_start3A_223 : memref<1x32768xf32, #tpu.memory_space<vmem>> -> memref<32768xf32, #tpu.memory_space<vmem>>
      %dma_start3A_225 = arith.constant 0 : i32
      %dma_start3A_226 = tpu.memref_slice %arg6[%scan3A_77, %min3A_186, %dma_start3A_225] : memref<50x125x32768xf32, #tpu.memory_space<hbm>> -> memref<1x1x32768xf32, #tpu.memory_space<hbm>>
      %dma_start3A_227 = tpu.memref_squeeze %dma_start3A_226 : memref<1x1x32768xf32, #tpu.memory_space<hbm>> -> memref<32768xf32, #tpu.memory_space<hbm>>
      %dma_start3A_228 = arith.constant 0 : i32
      %dma_start3A_229 = tpu.memref_slice %arg6[%scan3A_77, %min3A_186, %dma_start3A_228] : memref<50x125x32768xf32, #tpu.memory_space<hbm>> -> memref<1x1x32768xf32, #tpu.memory_space<hbm>>
      %dma_start3A_230 = tpu.memref_squeeze %dma_start3A_229 : memref<1x1x32768xf32, #tpu.memory_space<hbm>> -> memref<32768xf32, #tpu.memory_space<hbm>>
      %dma_start3A_231 = arith.constant 0 : i32
      %dma_start3A_232 = tpu.memref_slice %arg12[%select_n3A_206, %dma_start3A_231] : memref<2x32768xf32, #tpu.memory_space<vmem>> -> memref<1x32768xf32, #tpu.memory_space<vmem>>
      %dma_start3A_233 = tpu.memref_squeeze %dma_start3A_232 : memref<1x32768xf32, #tpu.memory_space<vmem>> -> memref<32768xf32, #tpu.memory_space<vmem>>
      tpu.enqueue_dma source(%dma_start3A_233 : memref<32768xf32, #tpu.memory_space<vmem>>) target(%dma_start3A_230 : memref<32768xf32, #tpu.memory_space<hbm>>) target_semaphore(%arg14 : memref<!tpu.dma_semaphore, #tpu.memory_space<semaphore_mem>>)
      %add3A_234 = arith.constant 3 : i32
      %add3A_235 = arith.addi %mul3A_2, %add3A_234 : i32
      %min3A_236 = arith.constant 124 : i32
      %min3A_237 = arith.minsi %add3A_235, %min3A_236 : i32
      %mul3A_238 = arith.constant 4 : i32
      %mul3A_239 = arith.muli %scan3A_77, %mul3A_238 : i32
      %add3A_240 = arith.constant 3 : i32
      %add3A_241 = arith.addi %mul3A_239, %add3A_240 : i32
      %jit3A_242 = arith.constant 2 : i32
      %eq3A_243 = arith.constant 0 : i32
      %eq3A_244 = arith.cmpi eq, %jit3A_242, %eq3A_243 : i32
      %jit3A_245 = arith.constant 1 : i32
      %select_n3A_246 = arith.select %eq3A_244, %jit3A_245, %jit3A_242 : i32
      %rem3A_247 = arith.remsi %add3A_241, %select_n3A_246 : i32
      %ne3A_248 = arith.constant 0 : i32
      %ne3A_249 = arith.cmpi ne, %rem3A_247, %ne3A_248 : i32
      %lt3A_250 = arith.constant 0 : i32
      %lt3A_251 = arith.cmpi slt, %rem3A_247, %lt3A_250 : i32
      %lt3A_252 = arith.constant 0 : i32
      %lt3A_253 = arith.cmpi slt, %select_n3A_246, %lt3A_252 : i32
      %ne3A_254 = arith.xori %lt3A_251, %lt3A_253 : i1
      %and3A_255 = arith.andi %ne3A_254, %ne3A_249 : i1
      %add3A_256 = arith.addi %rem3A_247, %select_n3A_246 : i32
      %select_n3A_257 = arith.select %and3A_255, %add3A_256, %rem3A_247 : i32
      %dma_wait3A_258 = arith.constant 0 : i32
      %dma_wait3A_259 = tpu.memref_slice %arg12[%select_n3A_257, %dma_wait3A_258] : memref<2x32768xf32, #tpu.memory_space<vmem>> -> memref<1x32768xf32, #tpu.memory_space<vmem>>
      %dma_wait3A_260 = tpu.memref_squeeze %dma_wait3A_259 : memref<1x32768xf32, #tpu.memory_space<vmem>> -> memref<32768xf32, #tpu.memory_space<vmem>>
      %dma_wait3A_261 = arith.constant 0 : i32
      %dma_wait3A_262 = tpu.memref_slice %arg6[%scan3A_77, %min3A_237, %dma_wait3A_261] : memref<50x125x32768xf32, #tpu.memory_space<hbm>> -> memref<1x1x32768xf32, #tpu.memory_space<hbm>>
      %dma_wait3A_263 = tpu.memref_squeeze %dma_wait3A_262 : memref<1x1x32768xf32, #tpu.memory_space<hbm>> -> memref<32768xf32, #tpu.memory_space<hbm>>
      %dma_wait3A_264 = arith.constant 0 : i32
      %dma_wait3A_265 = tpu.memref_slice %arg6[%scan3A_77, %min3A_237, %dma_wait3A_264] : memref<50x125x32768xf32, #tpu.memory_space<hbm>> -> memref<1x1x32768xf32, #tpu.memory_space<hbm>>
      %dma_wait3A_266 = tpu.memref_squeeze %dma_wait3A_265 : memref<1x1x32768xf32, #tpu.memory_space<hbm>> -> memref<32768xf32, #tpu.memory_space<hbm>>
      %dma_wait3A_267 = arith.constant 0 : i32
      %dma_wait3A_268 = tpu.memref_slice %arg12[%select_n3A_257, %dma_wait3A_267] : memref<2x32768xf32, #tpu.memory_space<vmem>> -> memref<1x32768xf32, #tpu.memory_space<vmem>>
      %dma_wait3A_269 = tpu.memref_squeeze %dma_wait3A_268 : memref<1x32768xf32, #tpu.memory_space<vmem>> -> memref<32768xf32, #tpu.memory_space<vmem>>
      tpu.wait_dma2 semaphore(%arg14 : memref<!tpu.dma_semaphore, #tpu.memory_space<semaphore_mem>>) src(%dma_wait3A_269 : memref<32768xf32, #tpu.memory_space<vmem>>) dst(%dma_wait3A_266 : memref<32768xf32, #tpu.memory_space<hbm>>)
      %parallel_loop3A_270 = arith.constant 0 : i32
      %parallel_loop3A_271 = arith.constant 256 : i32
      %parallel_loop3A_272 = arith.constant 1 : i32
      scf.for %parallel_loop3A_289 = %parallel_loop3A_270 to %parallel_loop3A_271 step %parallel_loop3A_272  : i32 {
        %parallel_loop3A_290 = arith.constant 16 : i32
        %parallel_loop3A_291 = arith.muli %parallel_loop3A_289, %parallel_loop3A_290 : i32
        %parallel_loop3A_292 = arith.index_cast %select_n3A_87 : i32 to index
        %parallel_loop3A_293 = arith.index_cast %parallel_loop3A_291 : i32 to index
        %parallel_loop3A_294 = tpu.vector_load %arg9[%parallel_loop3A_292, %parallel_loop3A_293] {strides = array<i32>} : memref<2x4096xi32, #tpu.memory_space<vmem>>, vector<16xi32>,
        %parallel_loop3A_295 = arith.constant 3 : i32
        %parallel_loop3A_296 = arith.shrsi %parallel_loop3A_289, %parallel_loop3A_295 : i32
        %parallel_loop3A_297 = arith.constant 1024 : i32
        %parallel_loop3A_298 = arith.muli %parallel_loop3A_296, %parallel_loop3A_297 : i32
        %parallel_loop3A_299 = arith.constant 7 : i32
        %parallel_loop3A_300 = arith.andi %parallel_loop3A_289, %parallel_loop3A_299 : i32
        %parallel_loop3A_301 = arith.constant 16 : i32
        %parallel_loop3A_302 = arith.muli %parallel_loop3A_300, %parallel_loop3A_301 : i32
        %parallel_loop3A_303 = arith.addi %parallel_loop3A_298, %parallel_loop3A_302 : i32
        %parallel_loop3A_304 = arith.constant 24000 : i32
        %parallel_loop3A_305 = vector.broadcast %parallel_loop3A_304 : i32 to vector<16xi32>
        %parallel_loop3A_306 = arith.addi %parallel_loop3A_294, %parallel_loop3A_305 : vector<16xi32>
        %parallel_loop3A_307 = tpu.vector_load_idx %arg8[%broadcast_in_dim3A_39, %parallel_loop3A_306] : memref<1x32000xf32, #tpu.memory_space<vmem>>[vector<16xi32>, vector<16xi32>], vector<16xf32>,
        %parallel_loop3A_308 = arith.constant 0 : i32
        %parallel_loop3A_309 = arith.addi %parallel_loop3A_303, %parallel_loop3A_308 : i32
        %parallel_loop3A_310 = arith.index_cast %select_n3A_257 : i32 to index
        %parallel_loop3A_311 = arith.index_cast %parallel_loop3A_309 : i32 to index
        %parallel_loop3A_312 = tpu.vector_load %arg12[%parallel_loop3A_310, %parallel_loop3A_311] {strides = array<i32>} : memref<2x32768xf32, #tpu.memory_space<vmem>>, vector<16xf32>,
        tpu.vector_store %arg12[%parallel_loop3A_310, %parallel_loop3A_311], %parallel_loop3A_307 {strides = array<i32>} : memref<2x32768xf32, #tpu.memory_space<vmem>>, vector<16xf32>,
        %parallel_loop3A_313 = arith.constant 25000 : i32
        %parallel_loop3A_314 = vector.broadcast %parallel_loop3A_313 : i32 to vector<16xi32>
        %parallel_loop3A_315 = arith.addi %parallel_loop3A_294, %parallel_loop3A_314 : vector<16xi32>
        %parallel_loop3A_316 = tpu.vector_load_idx %arg8[%broadcast_in_dim3A_39, %parallel_loop3A_315] : memref<1x32000xf32, #tpu.memory_space<vmem>>[vector<16xi32>, vector<16xi32>], vector<16xf32>,
        %parallel_loop3A_317 = arith.constant 128 : i32
        %parallel_loop3A_318 = arith.addi %parallel_loop3A_303, %parallel_loop3A_317 : i32
        %parallel_loop3A_319 = arith.index_cast %select_n3A_257 : i32 to index
        %parallel_loop3A_320 = arith.index_cast %parallel_loop3A_318 : i32 to index
        %parallel_loop3A_321 = tpu.vector_load %arg12[%parallel_loop3A_319, %parallel_loop3A_320] {strides = array<i32>} : memref<2x32768xf32, #tpu.memory_space<vmem>>, vector<16xf32>,
        tpu.vector_store %arg12[%parallel_loop3A_319, %parallel_loop3A_320], %parallel_loop3A_316 {strides = array<i32>} : memref<2x32768xf32, #tpu.memory_space<vmem>>, vector<16xf32>,
        %parallel_loop3A_322 = arith.constant 26000 : i32
        %parallel_loop3A_323 = vector.broadcast %parallel_loop3A_322 : i32 to vector<16xi32>
        %parallel_loop3A_324 = arith.addi %parallel_loop3A_294, %parallel_loop3A_323 : vector<16xi32>
        %parallel_loop3A_325 = tpu.vector_load_idx %arg8[%broadcast_in_dim3A_39, %parallel_loop3A_324] : memref<1x32000xf32, #tpu.memory_space<vmem>>[vector<16xi32>, vector<16xi32>], vector<16xf32>,
        %parallel_loop3A_326 = arith.constant 256 : i32
        %parallel_loop3A_327 = arith.addi %parallel_loop3A_303, %parallel_loop3A_326 : i32
        %parallel_loop3A_328 = arith.index_cast %select_n3A_257 : i32 to index
        %parallel_loop3A_329 = arith.index_cast %parallel_loop3A_327 : i32 to index
        %parallel_loop3A_330 = tpu.vector_load %arg12[%parallel_loop3A_328, %parallel_loop3A_329] {strides = array<i32>} : memref<2x32768xf32, #tpu.memory_space<vmem>>, vector<16xf32>,
        tpu.vector_store %arg12[%parallel_loop3A_328, %parallel_loop3A_329], %parallel_loop3A_325 {strides = array<i32>} : memref<2x32768xf32, #tpu.memory_space<vmem>>, vector<16xf32>,
        %parallel_loop3A_331 = arith.constant 27000 : i32
        %parallel_loop3A_332 = vector.broadcast %parallel_loop3A_331 : i32 to vector<16xi32>
        %parallel_loop3A_333 = arith.addi %parallel_loop3A_294, %parallel_loop3A_332 : vector<16xi32>
        %parallel_loop3A_334 = tpu.vector_load_idx %arg8[%broadcast_in_dim3A_39, %parallel_loop3A_333] : memref<1x32000xf32, #tpu.memory_space<vmem>>[vector<16xi32>, vector<16xi32>], vector<16xf32>,
        %parallel_loop3A_335 = arith.constant 384 : i32
        %parallel_loop3A_336 = arith.addi %parallel_loop3A_303, %parallel_loop3A_335 : i32
        %parallel_loop3A_337 = arith.index_cast %select_n3A_257 : i32 to index
        %parallel_loop3A_338 = arith.index_cast %parallel_loop3A_336 : i32 to index
        %parallel_loop3A_339 = tpu.vector_load %arg12[%parallel_loop3A_337, %parallel_loop3A_338] {strides = array<i32>} : memref<2x32768xf32, #tpu.memory_space<vmem>>, vector<16xf32>,
        tpu.vector_store %arg12[%parallel_loop3A_337, %parallel_loop3A_338], %parallel_loop3A_334 {strides = array<i32>} : memref<2x32768xf32, #tpu.memory_space<vmem>>, vector<16xf32>,
        %parallel_loop3A_340 = arith.constant 28000 : i32
        %parallel_loop3A_341 = vector.broadcast %parallel_loop3A_340 : i32 to vector<16xi32>
        %parallel_loop3A_342 = arith.addi %parallel_loop3A_294, %parallel_loop3A_341 : vector<16xi32>
        %parallel_loop3A_343 = tpu.vector_load_idx %arg8[%broadcast_in_dim3A_39, %parallel_loop3A_342] : memref<1x32000xf32, #tpu.memory_space<vmem>>[vector<16xi32>, vector<16xi32>], vector<16xf32>,
        %parallel_loop3A_344 = arith.constant 512 : i32
        %parallel_loop3A_345 = arith.addi %parallel_loop3A_303, %parallel_loop3A_344 : i32
        %parallel_loop3A_346 = arith.index_cast %select_n3A_257 : i32 to index
        %parallel_loop3A_347 = arith.index_cast %parallel_loop3A_345 : i32 to index
        %parallel_loop3A_348 = tpu.vector_load %arg12[%parallel_loop3A_346, %parallel_loop3A_347] {strides = array<i32>} : memref<2x32768xf32, #tpu.memory_space<vmem>>, vector<16xf32>,
        tpu.vector_store %arg12[%parallel_loop3A_346, %parallel_loop3A_347], %parallel_loop3A_343 {strides = array<i32>} : memref<2x32768xf32, #tpu.memory_space<vmem>>, vector<16xf32>,
        %parallel_loop3A_349 = arith.constant 29000 : i32
        %parallel_loop3A_350 = vector.broadcast %parallel_loop3A_349 : i32 to vector<16xi32>
        %parallel_loop3A_351 = arith.addi %parallel_loop3A_294, %parallel_loop3A_350 : vector<16xi32>
        %parallel_loop3A_352 = tpu.vector_load_idx %arg8[%broadcast_in_dim3A_39, %parallel_loop3A_351] : memref<1x32000xf32, #tpu.memory_space<vmem>>[vector<16xi32>, vector<16xi32>], vector<16xf32>,
        %parallel_loop3A_353 = arith.constant 640 : i32
        %parallel_loop3A_354 = arith.addi %parallel_loop3A_303, %parallel_loop3A_353 : i32
        %parallel_loop3A_355 = arith.index_cast %select_n3A_257 : i32 to index
        %parallel_loop3A_356 = arith.index_cast %parallel_loop3A_354 : i32 to index
        %parallel_loop3A_357 = tpu.vector_load %arg12[%parallel_loop3A_355, %parallel_loop3A_356] {strides = array<i32>} : memref<2x32768xf32, #tpu.memory_space<vmem>>, vector<16xf32>,
        tpu.vector_store %arg12[%parallel_loop3A_355, %parallel_loop3A_356], %parallel_loop3A_352 {strides = array<i32>} : memref<2x32768xf32, #tpu.memory_space<vmem>>, vector<16xf32>,
        %parallel_loop3A_358 = arith.constant 30000 : i32
        %parallel_loop3A_359 = vector.broadcast %parallel_loop3A_358 : i32 to vector<16xi32>
        %parallel_loop3A_360 = arith.addi %parallel_loop3A_294, %parallel_loop3A_359 : vector<16xi32>
        %parallel_loop3A_361 = tpu.vector_load_idx %arg8[%broadcast_in_dim3A_39, %parallel_loop3A_360] : memref<1x32000xf32, #tpu.memory_space<vmem>>[vector<16xi32>, vector<16xi32>], vector<16xf32>,
        %parallel_loop3A_362 = arith.constant 768 : i32
        %parallel_loop3A_363 = arith.addi %parallel_loop3A_303, %parallel_loop3A_362 : i32
        %parallel_loop3A_364 = arith.index_cast %select_n3A_257 : i32 to index
        %parallel_loop3A_365 = arith.index_cast %parallel_loop3A_363 : i32 to index
        %parallel_loop3A_366 = tpu.vector_load %arg12[%parallel_loop3A_364, %parallel_loop3A_365] {strides = array<i32>} : memref<2x32768xf32, #tpu.memory_space<vmem>>, vector<16xf32>,
        tpu.vector_store %arg12[%parallel_loop3A_364, %parallel_loop3A_365], %parallel_loop3A_361 {strides = array<i32>} : memref<2x32768xf32, #tpu.memory_space<vmem>>, vector<16xf32>,
        %parallel_loop3A_367 = arith.constant 31000 : i32
        %parallel_loop3A_368 = vector.broadcast %parallel_loop3A_367 : i32 to vector<16xi32>
        %parallel_loop3A_369 = arith.addi %parallel_loop3A_294, %parallel_loop3A_368 : vector<16xi32>
        %parallel_loop3A_370 = tpu.vector_load_idx %arg8[%broadcast_in_dim3A_39, %parallel_loop3A_369] : memref<1x32000xf32, #tpu.memory_space<vmem>>[vector<16xi32>, vector<16xi32>], vector<16xf32>,
        %parallel_loop3A_371 = arith.constant 896 : i32
        %parallel_loop3A_372 = arith.addi %parallel_loop3A_303, %parallel_loop3A_371 : i32
        %parallel_loop3A_373 = arith.index_cast %select_n3A_257 : i32 to index
        %parallel_loop3A_374 = arith.index_cast %parallel_loop3A_372 : i32 to index
        %parallel_loop3A_375 = tpu.vector_load %arg12[%parallel_loop3A_373, %parallel_loop3A_374] {strides = array<i32>} : memref<2x32768xf32, #tpu.memory_space<vmem>>, vector<16xf32>,
        tpu.vector_store %arg12[%parallel_loop3A_373, %parallel_loop3A_374], %parallel_loop3A_370 {strides = array<i32>} : memref<2x32768xf32, #tpu.memory_space<vmem>>, vector<16xf32>,
      } {sc.loop_unroll_factor = 8 : i64, sc.parallel_access}
      %dma_start3A_273 = arith.constant 0 : i32
      %dma_start3A_274 = tpu.memref_slice %arg12[%select_n3A_257, %dma_start3A_273] : memref<2x32768xf32, #tpu.memory_space<vmem>> -> memref<1x32768xf32, #tpu.memory_space<vmem>>
      %dma_start3A_275 = tpu.memref_squeeze %dma_start3A_274 : memref<1x32768xf32, #tpu.memory_space<vmem>> -> memref<32768xf32, #tpu.memory_space<vmem>>
      %dma_start3A_276 = arith.constant 0 : i32
      %dma_start3A_277 = tpu.memref_slice %arg6[%scan3A_77, %min3A_237, %dma_start3A_276] : memref<50x125x32768xf32, #tpu.memory_space<hbm>> -> memref<1x1x32768xf32, #tpu.memory_space<hbm>>
      %dma_start3A_278 = tpu.memref_squeeze %dma_start3A_277 : memref<1x1x32768xf32, #tpu.memory_space<hbm>> -> memref<32768xf32, #tpu.memory_space<hbm>>
      %dma_start3A_279 = arith.constant 0 : i32
      %dma_start3A_280 = tpu.memref_slice %arg6[%scan3A_77, %min3A_237, %dma_start3A_279] : memref<50x125x32768xf32, #tpu.memory_space<hbm>> -> memref<1x1x32768xf32, #tpu.memory_space<hbm>>
      %dma_start3A_281 = tpu.memref_squeeze %dma_start3A_280 : memref<1x1x32768xf32, #tpu.memory_space<hbm>> -> memref<32768xf32, #tpu.memory_space<hbm>>
      %dma_start3A_282 = arith.constant 0 : i32
      %dma_start3A_283 = tpu.memref_slice %arg12[%select_n3A_257, %dma_start3A_282] : memref<2x32768xf32, #tpu.memory_space<vmem>> -> memref<1x32768xf32, #tpu.memory_space<vmem>>
      %dma_start3A_284 = tpu.memref_squeeze %dma_start3A_283 : memref<1x32768xf32, #tpu.memory_space<vmem>> -> memref<32768xf32, #tpu.memory_space<vmem>>
      tpu.enqueue_dma source(%dma_start3A_284 : memref<32768xf32, #tpu.memory_space<vmem>>) target(%dma_start3A_281 : memref<32768xf32, #tpu.memory_space<hbm>>) target_semaphore(%arg14 : memref<!tpu.dma_semaphore, #tpu.memory_space<semaphore_mem>>)
      %parallel_loop3A_285 = arith.constant 0 : i32
      %parallel_loop3A_286 = arith.constant 256 : i32
      %parallel_loop3A_287 = arith.constant 1 : i32
      %parallel_loop3A_288 = scf.for %parallel_loop3A_289 = %parallel_loop3A_285 to %parallel_loop3A_286 step %parallel_loop3A_287 iter_args(%parallel_loop3A_290 = %scan3A_78) -> (vector<16xf32>)  : i32 {
        %parallel_loop3A_291 = arith.constant 16 : i32
        %parallel_loop3A_292 = arith.muli %parallel_loop3A_289, %parallel_loop3A_291 : i32
        %parallel_loop3A_293 = arith.index_cast %select_n3A_87 : i32 to index
        %parallel_loop3A_294 = arith.index_cast %parallel_loop3A_292 : i32 to index
        %parallel_loop3A_295 = tpu.vector_load %arg9[%parallel_loop3A_293, %parallel_loop3A_294] {strides = array<i32>} : memref<2x4096xi32, #tpu.memory_space<vmem>>, vector<16xi32>,
        %parallel_loop3A_296 = arith.constant 16 : i32
        %parallel_loop3A_297 = arith.muli %parallel_loop3A_289, %parallel_loop3A_296 : i32
        %parallel_loop3A_298 = arith.index_cast %select_n3A_87 : i32 to index
        %parallel_loop3A_299 = arith.index_cast %parallel_loop3A_297 : i32 to index
        %parallel_loop3A_300 = tpu.vector_load %arg10[%parallel_loop3A_298, %parallel_loop3A_299] {strides = array<i32>} : memref<2x4096xi32, #tpu.memory_space<vmem>>, vector<16xi32>,
        %parallel_loop3A_301 = arith.constant 3 : i32
        %parallel_loop3A_302 = vector.broadcast %parallel_loop3A_301 : i32 to vector<16xi32>
        %parallel_loop3A_303 = arith.shrsi %parallel_loop3A_300, %parallel_loop3A_302 : vector<16xi32>
        %parallel_loop3A_304 = vector.broadcast %mul3A_2 : i32 to vector<16xi32>
        %parallel_loop3A_305 = arith.subi %parallel_loop3A_303, %parallel_loop3A_304 : vector<16xi32>
        %parallel_loop3A_306 = arith.constant 0 : i32
        %parallel_loop3A_307 = vector.broadcast %parallel_loop3A_306 : i32 to vector<16xi32>
        %parallel_loop3A_308 = arith.cmpi sge, %parallel_loop3A_305, %parallel_loop3A_307 : vector<16xi32>
        %parallel_loop3A_309 = arith.constant 4 : i32
        %parallel_loop3A_310 = vector.broadcast %parallel_loop3A_309 : i32 to vector<16xi32>
        %parallel_loop3A_311 = arith.cmpi slt, %parallel_loop3A_305, %parallel_loop3A_310 : vector<16xi32>
        %parallel_loop3A_312 = arith.andi %parallel_loop3A_308, %parallel_loop3A_311 : vector<16xi1>
        %parallel_loop3A_313 = arith.constant 0 : i32
        %parallel_loop3A_314 = arith.constant 3 : i32
        %parallel_loop3A_315 = vector.broadcast %parallel_loop3A_313 : i32 to vector<16xi32>
        %parallel_loop3A_316 = arith.maxsi %parallel_loop3A_315, %parallel_loop3A_305 : vector<16xi32>
        %parallel_loop3A_317 = vector.broadcast %parallel_loop3A_314 : i32 to vector<16xi32>
        %parallel_loop3A_318 = arith.minsi %parallel_loop3A_317, %parallel_loop3A_316 : vector<16xi32>
        %parallel_loop3A_319 = arith.constant 8000 : i32
        %parallel_loop3A_320 = vector.broadcast %parallel_loop3A_319 : i32 to vector<16xi32>
        %parallel_loop3A_321 = arith.muli %parallel_loop3A_318, %parallel_loop3A_320 : vector<16xi32>
        %parallel_loop3A_322 = arith.constant 7 : i32
        %parallel_loop3A_323 = vector.broadcast %parallel_loop3A_322 : i32 to vector<16xi32>
        %parallel_loop3A_324 = arith.andi %parallel_loop3A_300, %parallel_loop3A_323 : vector<16xi32>
        %parallel_loop3A_325 = arith.constant 1000 : i32
        %parallel_loop3A_326 = vector.broadcast %parallel_loop3A_325 : i32 to vector<16xi32>
        %parallel_loop3A_327 = arith.muli %parallel_loop3A_324, %parallel_loop3A_326 : vector<16xi32>
        %parallel_loop3A_328 = arith.addi %parallel_loop3A_321, %parallel_loop3A_327 : vector<16xi32>
        %parallel_loop3A_329 = arith.addi %parallel_loop3A_328, %parallel_loop3A_295 : vector<16xi32>
        %parallel_loop3A_330 = tpu.vector_load_idx %arg8[%broadcast_in_dim3A_39, %parallel_loop3A_329] masked %parallel_loop3A_312 : memref<1x32000xf32, #tpu.memory_space<vmem>>[vector<16xi32>, vector<16xi32>], vector<16xf32>, vector<16xi1>
        %parallel_loop3A_331 = tpu.vector_load_idx %arg11[%broadcast_in_dim3A_39, %parallel_loop3A_295] masked %parallel_loop3A_312 : memref<1x1000xf32, #tpu.memory_space<vmem>>[vector<16xi32>, vector<16xi32>], vector<16xf32>, vector<16xi1>
        %parallel_loop3A_332 = arith.subf %parallel_loop3A_331, %parallel_loop3A_330 : vector<16xf32>
        %parallel_loop3A_333 = arith.constant 0.000000e+00 : f32
        %parallel_loop3A_334 = vector.broadcast %parallel_loop3A_333 : f32 to vector<16xf32>
        %parallel_loop3A_335 = arith.select %parallel_loop3A_312, %parallel_loop3A_332, %parallel_loop3A_334 : vector<16xi1>, vector<16xf32>
        %parallel_loop3A_336 = arith.addf %parallel_loop3A_290, %parallel_loop3A_335 : vector<16xf32>
        scf.yield %parallel_loop3A_336 : vector<16xf32>
      } {sc.loop_unroll_factor = 4 : i64, sc.parallel_access}
      scf.yield %parallel_loop3A_288 : vector<16xf32>
    }
    %scan3A_46 = arith.constant 50 : i32
    %dma_wait3A = arith.constant 0 : i32
    %dma_wait3A_47 = arith.constant 0 : i32
    %dma_wait3A_48 = arith.constant 0 : i32
    %dma_wait3A_49 = arith.constant 0 : i32
    %dma_wait3A_50 = tpu.memref_slice %arg12[%dma_wait3A, %dma_wait3A_49] : memref<2x32768xf32, #tpu.memory_space<vmem>> -> memref<1x32768xf32, #tpu.memory_space<vmem>>
    %dma_wait3A_51 = tpu.memref_squeeze %dma_wait3A_50 : memref<1x32768xf32, #tpu.memory_space<vmem>> -> memref<32768xf32, #tpu.memory_space<vmem>>
    %dma_wait3A_52 = arith.constant 0 : i32
    %dma_wait3A_53 = tpu.memref_slice %arg6[%dma_wait3A_47, %dma_wait3A_48, %dma_wait3A_52] : memref<50x125x32768xf32, #tpu.memory_space<hbm>> -> memref<1x1x32768xf32, #tpu.memory_space<hbm>>
    %dma_wait3A_54 = tpu.memref_squeeze %dma_wait3A_53 : memref<1x1x32768xf32, #tpu.memory_space<hbm>> -> memref<32768xf32, #tpu.memory_space<hbm>>
    %dma_wait3A_55 = arith.constant 0 : i32
    %dma_wait3A_56 = tpu.memref_slice %arg6[%dma_wait3A_47, %dma_wait3A_48, %dma_wait3A_55] : memref<50x125x32768xf32, #tpu.memory_space<hbm>> -> memref<1x1x32768xf32, #tpu.memory_space<hbm>>
    %dma_wait3A_57 = tpu.memref_squeeze %dma_wait3A_56 : memref<1x1x32768xf32, #tpu.memory_space<hbm>> -> memref<32768xf32, #tpu.memory_space<hbm>>
    %dma_wait3A_58 = arith.constant 0 : i32
    %dma_wait3A_59 = tpu.memref_slice %arg12[%dma_wait3A, %dma_wait3A_58] : memref<2x32768xf32, #tpu.memory_space<vmem>> -> memref<1x32768xf32, #tpu.memory_space<vmem>>
    %dma_wait3A_60 = tpu.memref_squeeze %dma_wait3A_59 : memref<1x32768xf32, #tpu.memory_space<vmem>> -> memref<32768xf32, #tpu.memory_space<vmem>>
    tpu.wait_dma2 semaphore(%arg14 : memref<!tpu.dma_semaphore, #tpu.memory_space<semaphore_mem>>) src(%dma_wait3A_60 : memref<32768xf32, #tpu.memory_space<vmem>>) dst(%dma_wait3A_57 : memref<32768xf32, #tpu.memory_space<hbm>>)
    %dma_wait3A_61 = arith.constant 1 : i32
    %dma_wait3A_62 = arith.constant 0 : i32
    %dma_wait3A_63 = arith.constant 0 : i32
    %dma_wait3A_64 = arith.constant 0 : i32
    %dma_wait3A_65 = tpu.memref_slice %arg12[%dma_wait3A_61, %dma_wait3A_64] : memref<2x32768xf32, #tpu.memory_space<vmem>> -> memref<1x32768xf32, #tpu.memory_space<vmem>>
    %dma_wait3A_66 = tpu.memref_squeeze %dma_wait3A_65 : memref<1x32768xf32, #tpu.memory_space<vmem>> -> memref<32768xf32, #tpu.memory_space<vmem>>
    %dma_wait3A_67 = arith.constant 0 : i32
    %dma_wait3A_68 = tpu.memref_slice %arg6[%dma_wait3A_62, %dma_wait3A_63, %dma_wait3A_67] : memref<50x125x32768xf32, #tpu.memory_space<hbm>> -> memref<1x1x32768xf32, #tpu.memory_space<hbm>>
    %dma_wait3A_69 = tpu.memref_squeeze %dma_wait3A_68 : memref<1x1x32768xf32, #tpu.memory_space<hbm>> -> memref<32768xf32, #tpu.memory_space<hbm>>
    %dma_wait3A_70 = arith.constant 0 : i32
    %dma_wait3A_71 = tpu.memref_slice %arg6[%dma_wait3A_62, %dma_wait3A_63, %dma_wait3A_70] : memref<50x125x32768xf32, #tpu.memory_space<hbm>> -> memref<1x1x32768xf32, #tpu.memory_space<hbm>>
    %dma_wait3A_72 = tpu.memref_squeeze %dma_wait3A_71 : memref<1x1x32768xf32, #tpu.memory_space<hbm>> -> memref<32768xf32, #tpu.memory_space<hbm>>
    %dma_wait3A_73 = arith.constant 0 : i32
    %dma_wait3A_74 = tpu.memref_slice %arg12[%dma_wait3A_61, %dma_wait3A_73] : memref<2x32768xf32, #tpu.memory_space<vmem>> -> memref<1x32768xf32, #tpu.memory_space<vmem>>
    %dma_wait3A_75 = tpu.memref_squeeze %dma_wait3A_74 : memref<1x32768xf32, #tpu.memory_space<vmem>> -> memref<32768xf32, #tpu.memory_space<vmem>>
    tpu.wait_dma2 semaphore(%arg14 : memref<!tpu.dma_semaphore, #tpu.memory_space<semaphore_mem>>) src(%dma_wait3A_75 : memref<32768xf32, #tpu.memory_space<vmem>>) dst(%dma_wait3A_72 : memref<32768xf32, #tpu.memory_space<hbm>>)
    %swap3A = arith.constant 0 : index
    %swap3A_76 = tpu.vector_load %arg13[%swap3A] {strides = array<i32>} : memref<16xf32, #tpu.memory_space<vmem>>, vector<16xf32>,
    tpu.vector_store %arg13[%swap3A], %scan3A_45 {strides = array<i32>} : memref<16xf32, #tpu.memory_space<vmem>>, vector<16xf32>,
    "tpu.region"() ({
      %run_scoped3A_77 = tpu.sem_alloc : memref<!tpu.dma_semaphore, #tpu.memory_space<semaphore_mem>>
      %dma_start3A = arith.constant 0 : i32
      %dma_start3A_78 = tpu.memref_slice %arg7[%add3A, %dma_start3A] : memref<32x16xf32, #tpu.memory_space<hbm>> -> memref<1x16xf32, #tpu.memory_space<hbm>>
      %dma_start3A_79 = tpu.memref_squeeze %dma_start3A_78 : memref<1x16xf32, #tpu.memory_space<hbm>> -> memref<16xf32, #tpu.memory_space<hbm>>
      %dma_start3A_80 = arith.constant 0 : i32
      %dma_start3A_81 = tpu.memref_slice %arg7[%add3A, %dma_start3A_80] : memref<32x16xf32, #tpu.memory_space<hbm>> -> memref<1x16xf32, #tpu.memory_space<hbm>>
      %dma_start3A_82 = tpu.memref_squeeze %dma_start3A_81 : memref<1x16xf32, #tpu.memory_space<hbm>> -> memref<16xf32, #tpu.memory_space<hbm>>
      tpu.enqueue_dma source(%arg13 : memref<16xf32, #tpu.memory_space<vmem>>) target(%dma_start3A_82 : memref<16xf32, #tpu.memory_space<hbm>>) target_semaphore(%run_scoped3A_77 : memref<!tpu.dma_semaphore, #tpu.memory_space<semaphore_mem>>)
      %dma_wait3A_83 = arith.constant 0 : i32
      %dma_wait3A_84 = tpu.memref_slice %arg7[%add3A, %dma_wait3A_83] : memref<32x16xf32, #tpu.memory_space<hbm>> -> memref<1x16xf32, #tpu.memory_space<hbm>>
      %dma_wait3A_85 = tpu.memref_squeeze %dma_wait3A_84 : memref<1x16xf32, #tpu.memory_space<hbm>> -> memref<16xf32, #tpu.memory_space<hbm>>
      %dma_wait3A_86 = arith.constant 0 : i32
      %dma_wait3A_87 = tpu.memref_slice %arg7[%add3A, %dma_wait3A_86] : memref<32x16xf32, #tpu.memory_space<hbm>> -> memref<1x16xf32, #tpu.memory_space<hbm>>
      %dma_wait3A_88 = tpu.memref_squeeze %dma_wait3A_87 : memref<1x16xf32, #tpu.memory_space<hbm>> -> memref<16xf32, #tpu.memory_space<hbm>>
      tpu.wait_dma2 semaphore(%run_scoped3A_77 : memref<!tpu.dma_semaphore, #tpu.memory_space<semaphore_mem>>) src(%arg13 : memref<16xf32, #tpu.memory_space<vmem>>) dst(%dma_wait3A_88 : memref<16xf32, #tpu.memory_space<hbm>>)
      tpu.yield
    }) : () -> ()
    return
  }
}

module attributes {stable_mosaic.version = 14 : i64} {
  func.func @_lse_body(%arg0: memref<1000x1000xf32, #tpu.memory_space<vmem>>, %arg1: memref<1000x1xf32, #tpu.memory_space<vmem>>) attributes {dimension_semantics = [], scalar_prefetch = 0 : i64, scratch_operands = 0 : i64, tpu.core_type = #tpu.core_type<tc>} {
    %get3A = arith.constant 0 : index
    %get3A_0 = arith.constant 0 : index
    %get3A_1 = vector.load %arg0[%get3A, %get3A_0] : memref<1000x1000xf32, #tpu.memory_space<vmem>>, vector<1000x1000xf32>
    %reduce_max3A = arith.constant dense<0xFF800000> : vector<1000xf32>
    %reduce_max3A_2 = vector.multi_reduction <maximumf>, %get3A_1, %reduce_max3A [1] : vector<1000x1000xf32> to vector<1000xf32>
    %broadcast_in_dim3A = vector.shape_cast %reduce_max3A_2 : vector<1000xf32> to vector<1000x1xf32>
    %sub3A = vector.broadcast %broadcast_in_dim3A : vector<1000x1xf32> to vector<1000x1000xf32>
    %sub3A_3 = arith.subf %get3A_1, %sub3A : vector<1000x1000xf32>
    %exp3A = math.exp %sub3A_3 : vector<1000x1000xf32>
    %reduce_sum3A = arith.constant dense<0.000000e+00> : vector<1000xf32>
    %reduce_sum3A_4 = vector.multi_reduction <add>, %exp3A, %reduce_sum3A [1] : vector<1000x1000xf32> to vector<1000xf32>
    %broadcast_in_dim3A_5 = vector.shape_cast %reduce_sum3A_4 : vector<1000xf32> to vector<1000x1xf32>
    %log3A = math.log %broadcast_in_dim3A_5 : vector<1000x1xf32>
    %add3A = arith.addf %broadcast_in_dim3A, %log3A : vector<1000x1xf32>
    %swap3A = arith.constant 0 : index
    %swap3A_6 = arith.constant 0 : index
    %swap3A_7 = vector.load %arg1[%swap3A, %swap3A_6] : memref<1000x1xf32, #tpu.memory_space<vmem>>, vector<1000x1xf32>
    tpu.vector_store %arg1[%swap3A, %swap3A_6], %add3A {strides = array<i32>} : memref<1000x1xf32, #tpu.memory_space<vmem>>, vector<1000x1xf32>,
    return
  }
}

</mosaic_0001>

<sc_bundles>
// kernel: kernel.4.cloned.1.call-start
scs
__scs_entry_jumppad:
0x0: {  	(pc) =	sbr.rel $0x88, $3  }
0x1: {  	(tag) =	ssettag $0x0;
	lr =	simm.s32 $0x1  }
0x2: {  	[smem:$0x3F9E] =	sst lr;
	_ =	strace $0xD0000000  }
0x3: {  	_ = 	snop  }
0x4: {  	_ = 	snop  }
0x5: {  	_ = 	snop  }
0x6: {  	_ = 	snop  }
0x7: {  	_ = 	snop  }
__scs_overlays_trampoline_lowered:
0x8: {  	[smem:$0x3FAD] =	sst s0  }
0x9: {  	[smem:$0x3FAE] =	sst s1  }
0xa: {  	[smem:$0x3FAF] =	sst s2  }
0xb: {  	[smem:$0x3FB0] =	sst s3  }
0xc: {  	[smem:$0x3FB1] =	sst s4  }
0xd: {  	[smem:$0x3FB2] =	sst s5  }
0xe: {  	[smem:$0x3FB3] =	sst s6  }
0xf: {  	[smem:$0x3FB4] =	sst s7  }
0x10: {  	[smem:$0x3FB5] =	sst s8  }
0x11: {  	[smem:$0x3FB6] =	sst s9;
	s0 =	simm.s32 @!p0 $0x0  }
0x12: {  	s1 =	sld [smem:$0x3F9C];
	s0 =	simm.s32 @p0 $0x1  }
0x13: {  	[smem:$0x3FB7] =	sst s0;
	s0 =	simm.s32 @!p1 $0x0  }
0x14: {  	s2 =	sld [smem:$0x3F9B];
	s0 =	simm.s32 @p1 $0x1  }
0x15: {  	[smem:$0x3FB8] =	sst s0;
	s0 =	simm.s32 @!p2 $0x0  }
0x16: {  	s3 =	sld [smem:$0x3FDB];
	s0 =	simm.s32 @p2 $0x1  }
0x17: {  	s4 =	simm.s32 $0x1BF5;
	[smem:$0x3FBA] =	sst s0  }
0x18: {  	s0 =	sld [smem:$0x3F9D];
	_ =	swait.ge [sflag:s4], $0x0  }
0x19: {  	s7 =	sld [smem:$0x3F9E]  }
0x1a: {  	s8 =	sadd.s32 $0xFFFFE003, lr  }
0x1b: {  	s9 =	sadd.s32 $0xFFFFFEF7, lr;
	s5 =	simm.s32 $0xFFFFFFFF;
	p2 =	slt.u32 s8, $0xFFFFF086  }
0x1c: {  	p1 =	slt.u32 s9, $0xF7A;
	s5 =	simm.s32 @!p2 $0x0  }
0x1d: {  	s5 =	simm.s32 @p1 $0x1;
	p0 =	seq.s32 s7, s2  }
0x1e: {  	s7 =	smul.u32 @!p0 $0xF7A, s2;
	p2 =	seq.s32 @!p0 s5, $0x0  }
0x1f: {  	s9 =	smul.u32 $0xF7A, s1;
	s8 =	simm.s32 @!p0 $0x1BF5;
	p2 =	por !p2, p0  }
0x20: {  	[sflag:s8] =	ssyncset.s32 @!p0 $0xFFFFF086;
	s6 =	sadd.s32 @!p0 s3, s7;
	s7 =	simm.s32 @!p0 $0x108  }
0x21: {  	s3 =	sadd.s32 s3, s9;
	s6 =	sadd.s32 @!p0 $0x88, s6;
	s7 =	simm.s32 @p2 $0x1082  }
0x22: {  	[simem:s7], [sflag:s8] =	dma.local @!p0 [hbm:s6], $0xF7A  }
0x23: {  	s9 =	sor.u32 $0xD0000000, s2;
	s6 =	simm.s32 $0x108;
	_ =	swait.ge @!p0 [sflag:s8], $0x0  }
0x24: {  	s3 =	sadd.s32 $0x88, s3;
	s6 =	simm.s32 @!p1 $0x1082;
	[sflag:s4] =	ssyncset.s32 $0xFFFFF086  }
0x25: {  	[simem:s6], [sflag:s4] =	dma.local [hbm:s3], $0xF7A  }
0x26: {  	[smem:$0x3F9E] =	sst s1;
	(tag) =	ssettag s2;
	_ =	strace s9  }
0x27: {  	s1 =	sld [smem:$0x3FAE]  }
0x28: {  	s2 =	sld [smem:$0x3FAF]  }
0x29: {  	s4 =	sld [smem:$0x3FB1]  }
0x2a: {  	p0 =	seq.s32 s5, $0x0;
	s5 =	sld [smem:$0x3FB2]  }
0x2b: {  	s6 =	sld [smem:$0x3FB3]  }
0x2c: {  	s7 =	sld [smem:$0x3FB4]  }
0x2d: {  	s3 =	simm.s32 $0x108;
	s8 =	sld [smem:$0x3FB5]  }
0x2e: {  	s3 =	simm.s32 @!p0 $0x1082;
	s9 =	sld [smem:$0x3FB6]  }
0x2f: {  	lr =	sadd.s32 s0, s3;
	s0 =	sld [smem:$0x3FAD]  }
0x30: {  	s3 =	sld [smem:$0x3FB0]  }
0x31: {  	[smem:$0x3FB9] =	sst s10  }
0x32: {  	s10 =	sld [smem:$0x3FB7];
	_ =	sdelay $0x3  }
0x33: {  	p0 =	seq.s32 s10, $0x1;
	s10 =	sld [smem:$0x3FB9];
	_ =	sdelay $0x3  }
0x34: {  	[smem:$0x3FB9] =	sst s10  }
0x35: {  	s10 =	sld [smem:$0x3FB8];
	_ =	sdelay $0x3  }
0x36: {  	p1 =	seq.s32 s10, $0x1;
	s10 =	sld [smem:$0x3FB9];
	_ =	sdelay $0x3  }
0x37: {  	[smem:$0x3FB9] =	sst s10  }
0x38: {  	s10 =	sld [smem:$0x3FBA]  }
0x39: {  	_ = 	snop;
	(pc) =	sbr.ind lr, $3  }
0x3a: {  	_ = 	snop  }
0x3b: {  	_ = 	snop  }
0x3c: {  	p2 =	seq.s32 s10, $0x1;
	s10 =	sld [smem:$0x3FB9]  }
0x3d: {  	_ =	shalt  }
0x3e: {  	_ =	shalt  }
0x3f: {  	_ =	shalt  }
0x40: {  	_ =	shalt  }
0x41: {  	_ =	shalt  }
0x42: {  	_ =	shalt  }
0x43: {  	_ =	shalt  }
0x44: {  	_ =	shalt  }
0x45: {  	_ =	shalt  }
0x46: {  	_ =	shalt  }
0x47: {  	_ =	shalt  }
0x48: {  	_ =	shalt  }
0x49: {  	_ =	shalt  }
0x4a: {  	_ =	shalt  }
0x4b: {  	_ =	shalt  }
0x4c: {  	_ =	shalt  }
0x4d: {  	_ =	shalt  }
0x4e: {  	_ =	shalt  }
0x4f: {  	_ =	shalt  }
0x50: {  	_ =	shalt  }
0x51: {  	_ =	shalt  }
0x52: {  	_ =	shalt  }
0x53: {  	_ =	shalt  }
0x54: {  	_ =	shalt  }
0x55: {  	_ =	shalt  }
0x56: {  	_ =	shalt  }
0x57: {  	_ =	shalt  }
0x58: {  	_ =	shalt  }
0x59: {  	_ =	shalt  }
0x5a: {  	_ =	shalt  }
0x5b: {  	_ =	shalt  }
0x5c: {  	_ =	shalt  }
0x5d: {  	_ =	shalt  }
0x5e: {  	_ =	shalt  }
0x5f: {  	_ =	shalt  }
0x60: {  	_ =	shalt  }
0x61: {  	_ =	shalt  }
0x62: {  	_ =	shalt  }
0x63: {  	_ =	shalt  }
0x64: {  	_ =	shalt  }
0x65: {  	_ =	shalt  }
0x66: {  	_ =	shalt  }
0x67: {  	_ =	shalt  }
0x68: {  	_ =	shalt  }
0x69: {  	_ =	shalt  }
0x6a: {  	_ =	shalt  }
0x6b: {  	_ =	shalt  }
0x6c: {  	_ =	shalt  }
0x6d: {  	_ =	shalt  }
0x6e: {  	_ =	shalt  }
0x6f: {  	_ =	shalt  }
0x70: {  	_ =	shalt  }
0x71: {  	_ =	shalt  }
0x72: {  	_ =	shalt  }
0x73: {  	_ =	shalt  }
0x74: {  	_ =	shalt  }
0x75: {  	_ =	shalt  }
0x76: {  	_ =	shalt  }
0x77: {  	_ =	shalt  }
0x78: {  	_ =	shalt  }
0x79: {  	_ =	shalt  }
0x7a: {  	_ =	shalt  }
0x7b: {  	_ =	shalt  }
0x7c: {  	_ =	shalt  }
0x7d: {  	_ =	shalt  }
0x7e: {  	_ =	shalt  }
0x7f: {  	_ =	shalt  }
0x80: {  	_ =	shalt  }
0x81: {  	_ =	shalt  }
0x82: {  	_ =	shalt  }
0x83: {  	_ =	shalt  }
0x84: {  	_ =	shalt  }
0x85: {  	_ =	shalt  }
0x86: {  	_ =	shalt  }
0x87: {  	_ =	shalt  }
.Lfunc_end0:
.L_simem_size_0:
called_computation_lowered:
.L_overlay_start_0:
0x88: {  	s2 =	sld [smem:$0x3FD9]  }
0x89: {  	s3 =	sld [smem:$0x3FFE];
	_ =	sdelay $0x1  }
0x8a: {  	s1 =	srdreg.scid  }
0x8b: {  	s0 =	sand.u32 $0x1, s1  }
0x8c: {  	s14 =	sshll.u32 s0, $0xA;
	s2 =	sadd.s32 s3, s2  }
0x8d: {  	s2 =	sadd.s32 s2, s14  }
0x8e: {  	[smem:$0x3FC5] =	sst s2  }
0x8f: {  	_ = 	snop  }
0x90: {  	s2 =	sld [smem:$0x3FD0];
	_ =	sdelay $0x2  }
0x91: {  	s15 =	simm.s32 $0xA;
	s4 =	simm.s32 $0x10  }
0x92: {  	[smem:s4], [sflag:s15] =	dma.local [hbm:s2], $0x1  }
0x93: {  	_ =	swait.eq [sflag:s15], $0x1  }
0x94: {  	[sflag:s15] =	ssyncset.done $0x0  }
0x95: {  	[sflag:s15] =	ssyncadd.s32 $0xFFFFFFFF  }
0x96: {  	s16 =	sld [smem:$0x10];
	(tm) =	ssettm $0x1  }
0x97: {  	s17 =	sld [smem:$0x3FFB];
	_ =	sdelay $0x3  }
0x98: {  	_ =	strace s17  }
0x99: {  	s3 =	sld [smem:$0x3FFC];
	_ =	sdelay $0x3  }
0x9a: {  	_ =	strace s3  }
0x9b: {  	s3 =	sld [smem:$0x3FFD];
	_ =	sdelay $0x3  }
0x9c: {  	_ =	strace s3  }
0x9d: {  	_ =	strace $0x8FFFFFFF  }
0x9e: {  	s18 =	sld [smem:$0x3FDB];
	_ =	sdelay $0x1  }
0x9f: {  	s19 =	simm.s32 $_scs_section_size  }
0xa0: {  	s5 =	simm.s32 $_size__tile_overlayer_lowered;
	s6 =	simm.s32 $_tile_overlayer_lowered  }
0xa1: {  	s22 =	simm.s32 $0x1BFF;
	s21 =	sshll.u32 s6, $0x1;
	s3 =	sadd.s32 s19, s18  }
0xa2: {  	s7 =	simm.s32 $0x0;
	s20 =	sshll.u32 s5, $0x1;
	s5 =	sadd.s32 s21, s3  }
0xa3: {  	[timem:s7], [sflag:s22] =	dma.local [hbm:s5], s20  }
0xa4: {  	_ =	swait.ge [sflag:s22], s20  }
0xa5: {  	s4 =	ssub.s32 $0x0, s20;
	[sflag:s22] =	ssyncset.done $0x0  }
0xa6: {  	[sflag:s22] =	ssyncadd.s32 s4;
	_ =	sdelay $0x1  }
0xa7: {  	s23 =	simm.s32 $0x1B8B  }
0xa8: {  	_ =	swait.ge [sflag:s23], $0x1  }
0xa9: {  	[sflag:s23] =	ssyncset.done $0x0  }
0xaa: {  	s25 =	simm.s32 $0x1B8E;
	s24 =	sld [smem:$0x3FFE];
	[sflag:s23] =	ssyncadd.s32 $0xFFFFFFFF  }
0xab: {  	s26 =	simm.s32 $execute0_lowered;
	[smem:$0x3FD2] =	sst s25  }
0xac: {  	s5 =	sshll.u32 s26, $0x1;
	_ =	strace $0x80000046;
	[dreg:$0x1] =	wrdreg $0xFFFFFFFF  }
0xad: {  	s28 =	simm.s32 $_size_execute0_lowered;
	s3 =	sadd.s32 s3, s5;
	[dreg:$0x0] =	wrdreg $0x0  }
0xae: {  	s5 =	sshll.u32 s28, $0x1;
	[dreg:$0x2] =	wrdreg s3  }
0xaf: {  	[dreg:$0x3] =	wrdreg s5  }
0xb0: {  	[dreg:$0x4] =	wrdreg $0xC0  }
0xb1: {  	_ =	task [dreg:s7], $0x5FFFF  }
0xb2: {  	[dreg:$0x1] =	wrdreg $0xFFFFFFFF  }
0xb3: {  	[dreg:$0x0] =	wrdreg $0x60  }
0xb4: {  	[dreg:$0x2] =	wrdreg s24  }
0xb5: {  	[dreg:$0x3] =	wrdreg s16  }
0xb6: {  	[dreg:$0x4] =	wrdreg $0x9  }
0xb7: {  	_ =	task.clear_ibuf [dreg:s7], $0x5FFFF;
	_ =	strace $0x90000046  }
0xb8: {  	s29 =	simm.s32 $0x9;
	_ =	strace $0x80000048  }
0xb9: {  	_ =	swait.ge [sflag:s29], $0x1  }
0xba: {  	[sflag:s29] =	ssyncadd.s32 $0xFFFFFFFF  }
0xbb: {  	_ =	strace $0x90000048  }
0xbc: {  	_ =	sfence  }
0xbd: {  	s30 =	sld [smem:$0x0];
	_ =	sdelay $0x2  }
0xbe: {  	s31 =	sshll.u32 s1, $0xD;
	s1 =	sshrl.u32 s1, $0x2  }
0xbf: {  	s3 =	sand.u32 $0x4000, s31;
	s1 =	sadd.s32 s1, s30  }
0xc0: {  	s0 =	sor.u32 s3, s0;
	s1 =	sshll.u32 s1, $0x11  }
0xc1: {  	s0 =	sor.u32 s1, s0  }
0xc2: {  	s0 =	sadd.s32 $0x8F2B, s0  }
0xc3: {  	[sflag:s0] =	ssyncadd.remote.s32 $0x1  }
0xc4: {  	_ =	sfence.sel $0xFFFF  }
0xc5: {  	[dreg:$0x0] =	wrdreg $0xFFFFFFFF;
	(pc) =	sbr.abs _section_cstart, $3  }
0xc6: {  	[dreg:$0x1] =	wrdreg $0xFFFFFFFF  }
0xc7: {  	_ =	task.clear_ibuf [dreg:s7], $0x2FFFF;
	_ =	strace $0x9FFFFFFF  }
0xc8: {  	(tm) =	ssettm $0x7FFFFFFF  }
0xc9: {  	_ =	shalt  }
tec
execute0_lowered:
.L_overlay_start_1:
0x0: {  	(tag) =	ssettag $0x1  }
0x1: {  	s0 =	rddreg [dreg:$0x0]  }
0x2: {  	s2 =	rddreg [dreg:$0x1];
	s3 =	simm.s32 $0x0  }
0x3: {  	s1 =	srdreg.scid;
	s4 =	stileid.u32;
	s21 =	simm.s32 $0xBD00  }
0x4: {  	s23 =	simm.s32 $0x9D00;
	s24 =	simm.s32 $0x1;
	s25 =	simm.s32 $0xC0E8  }
0x5: {  	s28 =	simm.s32 $0x1C0E8;
	s29 =	simm.s32 $0x0;
	[smem:$0x7FF] =	sst s3  }
0x6: {  	s1 =	sand.u32 $0x1, s1;
	s4 =	sshll.u32 s4, $0x1;
	s10 =	sadd.s32 $0xCC00, s0  }
0x7: {  	s5 =	sadd.s32 $0x6800, s0;
	s6 =	sadd.s32 $0x2B600, s0;
	_ =	strace $0x80000047  }
0x8: {  	s11 =	sor.u32 s1, s4;
	s4 =	sadd.s32 $0x400, s0;
	s1 =	ssub.s32 $0x2, s1  }
0x9: {  	s18 =	sshll.u32 s11, $0x2;
	s8 =	smul.u32 $0xFA0, s11;
	s30 =	sshllo.u32 s11, $0x2  }
0xa: {  	s31 =	sshll.u32 s11, $0x1;
	s16 =	sshrl.u32 s1, $0x1;
	s11 =	sshll.u32 s11, $0x11  }
0xb: {  	s7 =	sor.u32 $0x1, s18;
	s26 =	sor.u32 $0x2, s18;
	s15 =	smin.u32 s30, $0x7C  }
0xc: {  	s0 =	sadd.s32 s31, s0;
	s12 =	smin.u32 s7, $0x7C;
	s17 =	smul.u32 $0x3E8, s15  }
0xd: {  	s1 =	ssub.s32 s1, s16;
	s13 =	smin.u32 s26, $0x7C;
	s9 =	smul.u32 $0x3E8, s12  }
0xe: {  	s7 =	sadd.s32 s10, s8;
	s16 =	smax.u32 s1, $0x1;
	s14 =	smul.u32 $0x3E8, s13  }
0xf: {  	s26 =	simm.s32 $0x140E8;
	s12 =	sshll.u32 s12, $0xF;
	s13 =	sshll.u32 s13, $0xF  }
0x10: {  	s8 =	sadd.s32 s10, s9;
	s9 =	sadd.s32 s10, s14;
	s10 =	sadd.s32 s10, s17  }
0x11: {  	v0 =	vmov s18;
	s14 =	sshll.u32 s15, $0xF;
	s15 =	sadd.s32 $0x2B800, s0;
	s17 =	simm.s32 $0x3  }
.LBB2_1:
0x12: {  	[tilespmem:s3], [sflag:$0x3] =	stream.linear.gather [hbm4b:s7+s3], $0x1F40, $0x38;
	[tilespmem:$0x1C0F8] =	vst v63  }
0x13: {  	_ =	swait.ge [sflag:s17], $0x1F40  }
0x14: {  	[sflag:s17] =	ssyncset.done $0x0  }
0x15: {  	s0 =	simm.s32 $0x1F40;
	[sflag:s17] =	ssyncadd.s32 $0xFFFFE0C0  }
0x16: {  	[tilespmem:s0], [sflag:$0x3] =	stream.linear.gather [hbm4b:s8+s3], $0x1F40, $0x38;
	[tilespmem:$0x1C0F8] =	vst v63  }
0x17: {  	_ =	swait.ge [sflag:s17], $0x1F40  }
0x18: {  	[sflag:s17] =	ssyncset.done $0x0  }
0x19: {  	s22 =	simm.s32 $0x3E80;
	[sflag:s17] =	ssyncadd.s32 $0xFFFFE0C0  }
0x1a: {  	[tilespmem:s22], [sflag:$0x3] =	stream.linear.gather [hbm4b:s9+s3], $0x1F40, $0x38;
	[tilespmem:$0x1C0F8] =	vst v63  }
0x1b: {  	_ =	swait.ge [sflag:s17], $0x1F40  }
0x1c: {  	[sflag:s17] =	ssyncset.done $0x0  }
0x1d: {  	s30 =	simm.s32 $0x5DC0;
	[sflag:s17] =	ssyncadd.s32 $0xFFFFE0C0  }
0x1e: {  	[tilespmem:s30], [sflag:$0x3] =	stream.linear.gather [hbm4b:s10+s3], $0x1F40, $0x38;
	[tilespmem:$0x1C0F8] =	vst v63  }
0x1f: {  	_ =	swait.ge [sflag:s17], $0x1F40  }
0x20: {  	[sflag:s17] =	ssyncset.done $0x0  }
0x21: {  	[sflag:s17] =	ssyncadd.s32 $0xFFFFE0C0  }
0x22: {  	[tilespmem:s21], [sflag:$0x3] =	stream.linear.gather [hbm4b:s6+s3], $0x3E8, $0x38;
	[tilespmem:$0x1C0F8] =	vst v63  }
0x23: {  	_ =	swait.ge [sflag:s17], $0x3E8  }
0x24: {  	[sflag:s17] =	ssyncset.done $0x0  }
0x25: {  	s31 =	simm.s32 $0x7D00;
	[sflag:s17] =	ssyncadd.s32 $0xFFFFFC18  }
0x26: {  	[tilespmem:s31], [sflag:$0x3] =	stream.linear.gather [hbm4b:s4+s3], $0x1000, $0x38;
	[tilespmem:$0x1C0F8] =	vst v63  }
0x27: {  	_ =	swait.ge [sflag:s17], $0x1000  }
0x28: {  	[sflag:s17] =	ssyncset.done $0x0  }
0x29: {  	[sflag:s17] =	ssyncadd.s32 $0xFFFFF000  }
0x2a: {  	[tilespmem:s23], [sflag:$0x3] =	stream.linear.gather [hbm4b:s5+s3], $0x1000, $0x38;
	[tilespmem:$0x1C0F8] =	vst v63  }
0x2b: {  	_ =	swait.ge [sflag:s17], $0x1000  }
0x2c: {  	[sflag:s17] =	ssyncset.done $0x0  }
0x2d: {  	v1 =	vimm.f32 $0.0e+00;
	s1 =	simm.s32 $0x0;
	[sflag:s17] =	ssyncadd.s32 $0xFFFFF000  }
.LBB2_3:
0x2e: {  	p0 =	seq.s32 s1, $0x0  }
0x2f: {  	s18 =	simm.s32 @!p0 $0x2;
	p1 =	seq.s32 @!p0 s1, $0x31  }
0x30: {  	_ =	swait.ge @!p0 [sflag:s18], $0x1000;
	p1 =	por p0, !p1  }
.Ltmp0:
0x31: {  	[sflag:s18] =	ssyncset.done @!p0 $0x0;
	(pc) =	sbr.rel @!p1 .LBB2_5-.Ltmp0, $4  }
0x32: {  	[sflag:s18] =	ssyncadd.s32 @!p0 $0xFFFFF000  }
0x33: {  	_ =	swait.ge @!p0 [sflag:s18], $0x1000  }
0x34: {  	[sflag:s18] =	ssyncset.done @!p0 $0x0  }
0x35: {  	s0 =	sand.u32 $0x1, s1;
	s30 =	simm.s32 @!p0 $0x32;
	[sflag:s18] =	ssyncadd.s32 @!p0 $0xFFFFF000  }
0x36: {  	s30 =	sadd.s32 @!p0 $0x1, s1  }
0x37: {  	s18 =	sshll.u32 s0, $0xC;
	s30 =	simm.s32 @p0 $0x1  }
.Ltmp1:
0x38: {  	s18 =	sxor.u32 $0x1000, s18;
	s19 =	sshll.u32 s30, $0x9;
	(pc) =	sbr.rel @p0 .LBB2_6-.Ltmp1, $4  }
0x39: {  	s20 =	sadd.s32 $0x7D00, s18;
	s22 =	sadd.s32 s4, s19  }
0x3a: {  	[tilespmem:s20], [sflag:$0x2] =	stream.linear.gather [hbm4b:s22+s3], $0x1000, $0x38;
	[tilespmem:$0x1C0F8] =	vst v63  }
0x3b: {  	s18 =	sadd.s32 $0x9D00, s18;
	s19 =	sadd.s32 s5, s19  }
0x3c: {  	[tilespmem:s18], [sflag:$0x2] =	stream.linear.gather [hbm4b:s19+s3], $0x1000, $0x38;
	[tilespmem:$0x1C0F8] =	vst v63  }
.LBB2_5:
0x3d: {  	_ =	swait.ge [sflag:s24], $0x8000  }
0x3e: {  	[sflag:s24] =	ssyncset.done $0x0  }
0x3f: {  	[sflag:s24] =	ssyncadd.s32 $0xFFFF8000  }
.LBB2_6:
0x40: {  	s0 =	sshll.u32 s0, $0xE  }
0x41: {  	s31 =	sshrl.u32 s0, $0x2  }
0x42: {  	s0 =	sadd.s32 $0x7D40, s31  }
0x43: {  	v9 =	vld [tilespmem:s0+$0x30]  }
0x44: {  	v7 =	vld [tilespmem:s0+$0xFFFFFFD0]  }
0x45: {  	v6 =	vld [tilespmem:s0+$0xFFFFFFE0]  }
0x46: {  	v5 =	vld [tilespmem:s0+$0xFFFFFFF0]  }
0x47: {  	v4 =	vld [tilespmem:s0+$0x0]  }
0x48: {  	v3 =	vld [tilespmem:s0+$0x10]  }
0x49: {  	v2 =	vld [tilespmem:s0+$0x20]  }
0x4a: {  	v8 =	vld [tilespmem:s0+$0xFFFFFFC0]  }
0x4b: {  	v10 =	vld.idx.msk [tilespmem:v9+s3+$0x0], $0xffff  }
0x4c: {  	v11 =	vld.idx.msk [tilespmem:v7+s3+$0x0], $0xffff  }
0x4d: {  	v12 =	vld.idx.msk [tilespmem:v6+s3+$0x0], $0xffff  }
0x4e: {  	v13 =	vadd.s32 $0x3E8, v9;
	v14 =	vld.idx.msk [tilespmem:v5+s3+$0x0], $0xffff  }
0x4f: {  	v15 =	vadd.s32 $0x3E8, v7;
	v16 =	vld.idx.msk [tilespmem:v4+s3+$0x0], $0xffff  }
0x50: {  	s18 =	simm.s32 $0xC2E8;
	v17 =	vadd.s32 $0x3E8, v6;
	v18 =	vld.idx.msk [tilespmem:v3+s3+$0x0], $0xffff  }
0x51: {  	v19 =	vadd.s32 $0x3E8, v5;
	v20 =	vld.idx.msk [tilespmem:v2+s3+$0x0], $0xffff;
	[tilespmem:s18+$0xFFFFFE70] =	vst v10  }
0x52: {  	v56 =	vadd.s32 $0x3E8, v3;
	v21 =	vld.idx.msk [tilespmem:v8+s3+$0x0], $0xffff;
	[tilespmem:s18+$0xFFFFFE10] =	vst v11  }
0x53: {  	v59 =	vadd.s32 $0x3E8, v8;
	[tilespmem:s18+$0xFFFFFE20] =	vst v12;
	v11 =	vld.idx.msk [tilespmem:v13+s3+$0x0], $0xffff  }
0x54: {  	v60 =	vadd.s32 $0x3E8, v2;
	[tilespmem:s18+$0xFFFFFE30] =	vst v14;
	v57 =	vld.idx.msk [tilespmem:v15+s3+$0x0], $0xffff  }
0x55: {  	v10 =	vadd.s32 $0x3E8, v4;
	[tilespmem:s18+$0xFFFFFE40] =	vst v16;
	v17 =	vld.idx.msk [tilespmem:v17+s3+$0x0], $0xffff  }
0x56: {  	v58 =	vadd.s32 $0x7D0, v9;
	[tilespmem:s18+$0xFFFFFE50] =	vst v18;
	v19 =	vld.idx.msk [tilespmem:v19+s3+$0x0], $0xffff  }
0x57: {  	v61 =	vadd.s32 $0x7D0, v7;
	[tilespmem:s18+$0xFFFFFE00] =	vst v21;
	v13 =	vld.idx.msk [tilespmem:v56+s3+$0x0], $0xffff  }
0x58: {  	v62 =	vadd.s32 $0x7D0, v6;
	[tilespmem:s18+$0xFFFFFE60] =	vst v20;
	v15 =	vld.idx.msk [tilespmem:v59+s3+$0x0], $0xffff  }
0x59: {  	v26 =	vadd.s32 $0x7D0, v8;
	v24 =	vld.idx.msk [tilespmem:v60+s3+$0x0], $0xffff;
	[tilespmem:s18+$0xFFFFFEF0] =	vst v11  }
0x5a: {  	v27 =	vadd.s32 $0x7D0, v3;
	v10 =	vld.idx.msk [tilespmem:v10+s3+$0x0], $0xffff;
	[tilespmem:s18+$0xFFFFFE90] =	vst v57  }
0x5b: {  	v11 =	vadd.s32 $0x7D0, v5;
	[tilespmem:s18+$0xFFFFFEA0] =	vst v17;
	v14 =	vld.idx.msk [tilespmem:v58+s3+$0x0], $0xffff  }
0x5c: {  	v63 =	vadd.s32 $0x7D0, v4;
	[tilespmem:s18+$0xFFFFFEB0] =	vst v19;
	v18 =	vld.idx.msk [tilespmem:v61+s3+$0x0], $0xffff  }
0x5d: {  	v25 =	vadd.s32 $0xBB8, v9;
	[tilespmem:s18+$0xFFFFFE80] =	vst v15;
	v20 =	vld.idx.msk [tilespmem:v62+s3+$0x0], $0xffff  }
0x5e: {  	v28 =	vadd.s32 $0xBB8, v7;
	[tilespmem:s18+$0xFFFFFED0] =	vst v13;
	v17 =	vld.idx.msk [tilespmem:v26+s3+$0x0], $0xffff  }
0x5f: {  	v29 =	vadd.s32 $0xBB8, v6;
	[tilespmem:s18+$0xFFFFFEE0] =	vst v24;
	v32 =	vld.idx.msk [tilespmem:v27+s3+$0x0], $0xffff  }
0x60: {  	v34 =	vadd.s32 $0xBB8, v8;
	[tilespmem:s18+$0xFFFFFEC0] =	vst v10;
	v11 =	vld.idx.msk [tilespmem:v11+s3+$0x0], $0xffff  }
0x61: {  	v10 =	vadd.s32 $0x7D0, v2;
	v21 =	vld.idx.msk [tilespmem:v63+s3+$0x0], $0xffff;
	[tilespmem:s18+$0xFFFFFF70] =	vst v14  }
0x62: {  	v31 =	vadd.s32 $0xBB8, v5;
	[tilespmem:s18+$0xFFFFFF10] =	vst v18;
	v30 =	vld.idx.msk [tilespmem:v25+s3+$0x0], $0xffff  }
0x63: {  	v35 =	vadd.s32 $0xBB8, v4;
	[tilespmem:s18+$0xFFFFFF20] =	vst v20;
	v13 =	vld.idx.msk [tilespmem:v28+s3+$0x0], $0xffff  }
0x64: {  	v33 =	vadd.s32 $0xFA0, v9;
	[tilespmem:s18+$0xFFFFFF00] =	vst v17;
	v14 =	vld.idx.msk [tilespmem:v29+s3+$0x0], $0xffff  }
0x65: {  	v37 =	vadd.s32 $0xFA0, v7;
	[tilespmem:s18+$0xFFFFFF50] =	vst v32;
	v19 =	vld.idx.msk [tilespmem:v34+s3+$0x0], $0xffff  }
0x66: {  	v39 =	vadd.s32 $0xFA0, v6;
	v10 =	vld.idx.msk [tilespmem:v10+s3+$0x0], $0xffff;
	[tilespmem:s18+$0xFFFFFF30] =	vst v11  }
0x67: {  	v41 =	vadd.s32 $0xFA0, v8;
	[tilespmem:s18+$0xFFFFFF40] =	vst v21;
	v16 =	vld.idx.msk [tilespmem:v31+s3+$0x0], $0xffff  }
0x68: {  	v11 =	vadd.s32 $0xBB8, v3;
	v40 =	vld.idx.msk [tilespmem:v35+s3+$0x0], $0xffff;
	[tilespmem:s18+$0xFFFFFFF0] =	vst v30  }
0x69: {  	v36 =	vadd.s32 $0xBB8, v2;
	[tilespmem:s18+$0xFFFFFF90] =	vst v13;
	v38 =	vld.idx.msk [tilespmem:v33+s3+$0x0], $0xffff  }
0x6a: {  	v42 =	vadd.s32 $0xFA0, v5;
	[tilespmem:s18+$0xFFFFFFA0] =	vst v14;
	v15 =	vld.idx.msk [tilespmem:v37+s3+$0x0], $0xffff  }
0x6b: {  	v44 =	vadd.s32 $0xFA0, v4;
	[tilespmem:s18+$0xFFFFFF80] =	vst v19;
	v18 =	vld.idx.msk [tilespmem:v39+s3+$0x0], $0xffff  }
0x6c: {  	v20 =	vld.idx.msk [tilespmem:v41+s3+$0x0], $0xffff;
	[tilespmem:s18+$0xFFFFFF60] =	vst v10;
	v10 =	vadd.s32 $0x1388, v9  }
0x6d: {  	v47 =	vadd.s32 $0x1388, v7;
	v11 =	vld.idx.msk [tilespmem:v11+s3+$0x0], $0xffff;
	[tilespmem:s18+$0xFFFFFFB0] =	vst v16  }
0x6e: {  	v49 =	vadd.s32 $0x1388, v8;
	v43 =	vld.idx.msk [tilespmem:v36+s3+$0x0], $0xffff;
	[tilespmem:s18+$0xFFFFFFC0] =	vst v40  }
0x6f: {  	v50 =	vadd.s32 $0x1388, v6;
	v48 =	vld.idx.msk [tilespmem:v42+s3+$0x0], $0xffff;
	[tilespmem:s18+$0x70] =	vst v38  }
0x70: {  	v45 =	vadd.s32 $0xFA0, v3;
	v21 =	vld.idx.msk [tilespmem:v44+s3+$0x0], $0xffff;
	[tilespmem:s18+$0x10] =	vst v15  }
0x71: {  	v46 =	vadd.s32 $0xFA0, v2;
	[tilespmem:s18+$0x20] =	vst v18;
	v10 =	vld.idx.msk [tilespmem:v10+s3+$0x0], $0xffff  }
0x72: {  	v52 =	vadd.s32 $0x1388, v5;
	[tilespmem:s18+$0x0] =	vst v20;
	v19 =	vld.idx.msk [tilespmem:v47+s3+$0x0], $0xffff  }
0x73: {  	v13 =	vld.idx.msk [tilespmem:v49+s3+$0x0], $0xffff;
	[tilespmem:s18+$0xFFFFFFD0] =	vst v11;
	v11 =	vadd.s32 $0x1770, v9  }
0x74: {  	v53 =	vadd.s32 $0x1388, v4;
	v55 =	vld.idx.msk [tilespmem:v50+s3+$0x0], $0xffff;
	[tilespmem:s18+$0xFFFFFFE0] =	vst v43  }
0x75: {  	v56 =	vadd.s32 $0x1770, v8;
	v51 =	vld.idx.msk [tilespmem:v45+s3+$0x0], $0xffff;
	[tilespmem:s18+$0x30] =	vst v48  }
0x76: {  	v57 =	vadd.s32 $0x1770, v7;
	v17 =	vld.idx.msk [tilespmem:v46+s3+$0x0], $0xffff;
	[tilespmem:s18+$0x40] =	vst v21  }
0x77: {  	v54 =	vadd.s32 $0x1388, v2;
	v16 =	vld.idx.msk [tilespmem:v52+s3+$0x0], $0xffff;
	[tilespmem:s18+$0xF0] =	vst v10  }
0x78: {  	v10 =	vadd.s32 $0x1388, v3;
	[tilespmem:s18+$0x90] =	vst v19;
	v11 =	vld.idx.msk [tilespmem:v11+s3+$0x0], $0xffff  }
0x79: {  	v9 =	vadd.s32 $0x1B58, v9;
	v18 =	vld.idx.msk [tilespmem:v53+s3+$0x0], $0xffff;
	[tilespmem:s18+$0x80] =	vst v13  }
0x7a: {  	v58 =	vadd.s32 $0x1770, v6;
	[tilespmem:s18+$0xA0] =	vst v55;
	v14 =	vld.idx.msk [tilespmem:v56+s3+$0x0], $0xffff  }
0x7b: {  	v59 =	vadd.s32 $0x1770, v5;
	v15 =	vld.idx.msk [tilespmem:v57+s3+$0x0], $0xffff;
	[tilespmem:s18+$0x60] =	vst v17  }
0x7c: {  	v8 =	vadd.s32 $0x1B58, v8;
	[tilespmem:s18+$0x50] =	vst v51;
	v20 =	vld.idx.msk [tilespmem:v54+s3+$0x0], $0xffff  }
0x7d: {  	v10 =	vld.idx.msk [tilespmem:v10+s3+$0x0], $0xffff;
	[tilespmem:s18+$0x170] =	vst v11;
	v11 =	vadd.s32 $0x1770, v4  }
0x7e: {  	v60 =	vadd.s32 $0x1770, v3;
	[tilespmem:s18+$0xB0] =	vst v16;
	v9 =	vld.idx.msk [tilespmem:v9+s3+$0x0], $0xffff  }
0x7f: {  	v61 =	vadd.s32 $0x1770, v2;
	v62 =	vld.idx.msk [tilespmem:v58+s3+$0x0], $0xffff;
	[tilespmem:s18+$0xC0] =	vst v18  }
0x80: {  	v7 =	vadd.s32 $0x1B58, v7;
	v63 =	vld.idx.msk [tilespmem:v59+s3+$0x0], $0xffff;
	[tilespmem:s18+$0x100] =	vst v14  }
0x81: {  	v5 =	vadd.s32 $0x1B58, v5;
	v14 =	vld.idx.msk [tilespmem:v8+s3+$0x0], $0xffff;
	[tilespmem:s18+$0xE0] =	vst v20  }
0x82: {  	[tilespmem:s18+$0xD0] =	vst v10;
	v10 =	vadd.s32 $0x1B58, v6;
	v11 =	vld.idx.msk [tilespmem:v11+s3+$0x0], $0xffff  }
0x83: {  	v13 =	vld.idx.msk [tilespmem:v60+s3+$0x0], $0xffff;
	[tilespmem:s18+$0x1F0] =	vst v9;
	v9 =	vadd.s32 $0x1B58, v4  }
0x84: {  	v3 =	vadd.s32 $0x1B58, v3;
	[tilespmem:s18+$0x110] =	vst v15;
	v12 =	vld.idx.msk [tilespmem:v61+s3+$0x0], $0xffff  }
0x85: {  	v2 =	vadd.s32 $0x1B58, v2;
	v6 =	vld.idx.msk [tilespmem:v7+s3+$0x0], $0xffff;
	[tilespmem:s18+$0x130] =	vst v63  }
0x86: {  	[tilespmem:s18+$0x120] =	vst v62;
	v4 =	vld.idx.msk [tilespmem:v5+s3+$0x0], $0xffff  }
0x87: {  	v7 =	vld.idx.msk [tilespmem:v10+s3+$0x0], $0xffff;
	[tilespmem:s18+$0x140] =	vst v11  }
0x88: {  	[tilespmem:s18+$0x150] =	vst v13;
	v8 =	vld.idx.msk [tilespmem:v9+s3+$0x0], $0xffff  }
0x89: {  	[tilespmem:s18+$0x160] =	vst v12;
	v5 =	vld.idx.msk [tilespmem:v3+s3+$0x0], $0xffff  }
0x8a: {  	s19 =	simm.s32 $0x0;
	s20 =	sadd.s32 $0x80, s0;
	[tilespmem:s18+$0x180] =	vst v14;
	v3 =	vld.idx.msk [tilespmem:v2+s3+$0x0], $0xffff  }
.LBB2_7:
0x8b: {  	v2 =	vld [tilespmem:s20+$0x30];
	s19 =	sadd.s32 $0x8, s19;
	[tilespmem:s18+$0x190] =	vst v6  }
0x8c: {  	v9 =	vld [tilespmem:s20+$0xFFFFFFD0];
	p1 =	slt.u32 s19, $0xF8;
	[tilespmem:s18+$0x1A0] =	vst v7  }
0x8d: {  	v7 =	vld [tilespmem:s20+$0xFFFFFFE0];
	[tilespmem:s18+$0x1B0] =	vst v4  }
0x8e: {  	v4 =	vld [tilespmem:s20+$0xFFFFFFF0];
	[tilespmem:s18+$0x1C0] =	vst v8  }
0x8f: {  	v8 =	vld [tilespmem:s20+$0x0];
	[tilespmem:s18+$0x1D0] =	vst v5  }
0x90: {  	v5 =	vld [tilespmem:s20+$0x10];
	[tilespmem:s18+$0x1E0] =	vst v3  }
0x91: {  	v3 =	vadd.s32 $0x3E8, v9;
	v23 =	vadd.s32 $0x7D0, v9;
	v24 =	vadd.s32 $0xBB8, v9;
	v25 =	vld [tilespmem:s20+$0x20]  }
0x92: {  	v6 =	vld [tilespmem:s20+$0xFFFFFFC0];
	v10 =	vadd.s32 $0x3E8, v7;
	v26 =	vadd.s32 $0x7D0, v7;
	v27 =	vadd.s32 $0xBB8, v7  }
0x93: {  	v11 =	vadd.s32 $0x3E8, v4;
	v28 =	vadd.s32 $0x7D0, v4;
	v29 =	vadd.s32 $0xBB8, v4;
	v12 =	vld.idx.msk [tilespmem:v2+s3+$0x0], $0xffff  }
0x94: {  	v13 =	vld.idx.msk [tilespmem:v9+s3+$0x0], $0xffff;
	v14 =	vadd.s32 $0x3E8, v8;
	v30 =	vadd.s32 $0x7D0, v8;
	v31 =	vadd.s32 $0xBB8, v8  }
0x95: {  	v16 =	vadd.s32 $0x3E8, v2;
	v15 =	vld.idx.msk [tilespmem:v7+s3+$0x0], $0xffff;
	v32 =	vadd.s32 $0x3E8, v5;
	v33 =	vadd.s32 $0x7D0, v5  }
0x96: {  	v34 =	vadd.s32 $0xBB8, v5;
	v18 =	vld.idx.msk [tilespmem:v4+s3+$0x0], $0xffff;
	v35 =	vadd.s32 $0x3E8, v25;
	v36 =	vadd.s32 $0x7D0, v25  }
0x97: {  	v37 =	vadd.s32 $0x3E8, v6;
	v38 =	vadd.s32 $0x7D0, v6;
	v39 =	vadd.s32 $0xBB8, v6;
	v22 =	vld.idx.msk [tilespmem:v8+s3+$0x0], $0xffff  }
0x98: {  	s18 =	sadd.s32 $0x400, s18;
	v41 =	vadd.s32 $0xFA0, v9;
	v43 =	vadd.s32 $0xBB8, v25;
	v40 =	vadd.s32 $0xFA0, v6;
	v42 =	vld.idx.msk [tilespmem:v5+s3+$0x0], $0xffff  }
0x99: {  	v44 =	vadd.s32 $0xFA0, v7;
	v45 =	vadd.s32 $0xFA0, v4;
	v46 =	vadd.s32 $0xFA0, v8;
	v47 =	vld.idx.msk [tilespmem:v25+s3+$0x0], $0xffff;
	[tilespmem:s18+$0xFFFFFE70] =	vst v12  }
0x9a: {  	v48 =	vadd.s32 $0xFA0, v5;
	v49 =	vadd.s32 $0xFA0, v25;
	v17 =	vadd.s32 $0x1388, v6;
	[tilespmem:s18+$0xFFFFFE10] =	vst v13;
	v50 =	vld.idx.msk [tilespmem:v16+s3+$0x0], $0xffff  }
0x9b: {  	v52 =	vadd.s32 $0x1388, v9;
	v21 =	vadd.s32 $0x1388, v7;
	v19 =	vadd.s32 $0x1388, v4;
	v51 =	vld.idx.msk [tilespmem:v6+s3+$0x0], $0xffff;
	[tilespmem:s18+$0xFFFFFE20] =	vst v15  }
0x9c: {  	v54 =	vadd.s32 $0x7D0, v2;
	v20 =	vadd.s32 $0x1388, v8;
	v53 =	vld.idx.msk [tilespmem:v3+s3+$0x0], $0xffff;
	[tilespmem:s18+$0xFFFFFE30] =	vst v18;
	v18 =	vadd.s32 $0x1388, v5  }
0x9d: {  	v12 =	vadd.s32 $0x1770, v9;
	v15 =	vadd.s32 $0x1770, v6;
	v55 =	vld.idx.msk [tilespmem:v10+s3+$0x0], $0xffff;
	[tilespmem:s18+$0xFFFFFE40] =	vst v22;
	v22 =	vadd.s32 $0x1388, v25  }
0x9e: {  	v16 =	vadd.s32 $0x1770, v7;
	v13 =	vadd.s32 $0x1770, v4;
	v10 =	vadd.s32 $0x1770, v8;
	v56 =	vld.idx.msk [tilespmem:v11+s3+$0x0], $0xffff;
	[tilespmem:s18+$0xFFFFFE50] =	vst v42  }
0x9f: {  	v6 =	vadd.s32 $0x1B58, v6;
	v11 =	vadd.s32 $0x1770, v25;
	v42 =	vld.idx.msk [tilespmem:v14+s3+$0x0], $0xffff;
	v14 =	vadd.s32 $0x1770, v5;
	[tilespmem:s18+$0xFFFFFE60] =	vst v47  }
0xa0: {  	v9 =	vadd.s32 $0x1B58, v9;
	v7 =	vadd.s32 $0x1B58, v7;
	v4 =	vadd.s32 $0x1B58, v4;
	v32 =	vld.idx.msk [tilespmem:v32+s3+$0x0], $0xffff;
	[tilespmem:s18+$0xFFFFFEF0] =	vst v50  }
0xa1: {  	v3 =	vadd.s32 $0x1B58, v25;
	v8 =	vadd.s32 $0x1B58, v8;
	v5 =	vadd.s32 $0x1B58, v5;
	[tilespmem:s18+$0xFFFFFE00] =	vst v51;
	v25 =	vld.idx.msk [tilespmem:v54+s3+$0x0], $0xffff  }
0xa2: {  	v37 =	vld.idx.msk [tilespmem:v37+s3+$0x0], $0xffff;
	[tilespmem:s18+$0xFFFFFE90] =	vst v53  }
0xa3: {  	v47 =	vadd.s32 $0xBB8, v2;
	[tilespmem:s18+$0xFFFFFEA0] =	vst v55;
	v35 =	vld.idx.msk [tilespmem:v35+s3+$0x0], $0xffff  }
0xa4: {  	v23 =	vld.idx.msk [tilespmem:v23+s3+$0x0], $0xffff;
	[tilespmem:s18+$0xFFFFFEB0] =	vst v56  }
0xa5: {  	v26 =	vld.idx.msk [tilespmem:v26+s3+$0x0], $0xffff;
	[tilespmem:s18+$0xFFFFFEC0] =	vst v42  }
0xa6: {  	v28 =	vld.idx.msk [tilespmem:v28+s3+$0x0], $0xffff;
	[tilespmem:s18+$0xFFFFFED0] =	vst v32  }
0xa7: {  	v30 =	vld.idx.msk [tilespmem:v30+s3+$0x0], $0xffff;
	[tilespmem:s18+$0xFFFFFF70] =	vst v25  }
0xa8: {  	[tilespmem:s18+$0xFFFFFE80] =	vst v37;
	v25 =	vld.idx.msk [tilespmem:v47+s3+$0x0], $0xffff  }
0xa9: {  	v32 =	vld.idx.msk [tilespmem:v38+s3+$0x0], $0xffff;
	[tilespmem:s18+$0xFFFFFEE0] =	vst v35  }
0xaa: {  	[tilespmem:s18+$0xFFFFFF10] =	vst v23;
	v23 =	vld.idx.msk [tilespmem:v33+s3+$0x0], $0xffff;
	v33 =	vadd.s32 $0xFA0, v2  }
0xab: {  	[tilespmem:s18+$0xFFFFFF20] =	vst v26;
	v26 =	vld.idx.msk [tilespmem:v36+s3+$0x0], $0xffff  }
0xac: {  	v24 =	vld.idx.msk [tilespmem:v24+s3+$0x0], $0xffff;
	[tilespmem:s18+$0xFFFFFF30] =	vst v28  }
0xad: {  	v27 =	vld.idx.msk [tilespmem:v27+s3+$0x0], $0xffff;
	[tilespmem:s18+$0xFFFFFF40] =	vst v30  }
0xae: {  	v28 =	vld.idx.msk [tilespmem:v29+s3+$0x0], $0xffff;
	[tilespmem:s18+$0xFFFFFFF0] =	vst v25  }
0xaf: {  	[tilespmem:s18+$0xFFFFFF00] =	vst v32;
	v25 =	vld.idx.msk [tilespmem:v33+s3+$0x0], $0xffff  }
0xb0: {  	v29 =	vld.idx.msk [tilespmem:v39+s3+$0x0], $0xffff;
	[tilespmem:s18+$0xFFFFFF50] =	vst v23  }
0xb1: {  	v23 =	vld.idx.msk [tilespmem:v31+s3+$0x0], $0xffff;
	[tilespmem:s18+$0xFFFFFF60] =	vst v26;
	v26 =	vadd.s32 $0x1388, v2  }
0xb2: {  	[tilespmem:s18+$0xFFFFFF90] =	vst v24;
	v24 =	vld.idx.msk [tilespmem:v34+s3+$0x0], $0xffff  }
0xb3: {  	[tilespmem:s18+$0xFFFFFFA0] =	vst v27;
	v27 =	vld.idx.msk [tilespmem:v43+s3+$0x0], $0xffff  }
0xb4: {  	v30 =	vld.idx.msk [tilespmem:v41+s3+$0x0], $0xffff;
	[tilespmem:s18+$0xFFFFFFB0] =	vst v28  }
0xb5: {  	v28 =	vld.idx.msk [tilespmem:v44+s3+$0x0], $0xffff;
	[tilespmem:s18+$0x70] =	vst v25  }
0xb6: {  	[tilespmem:s18+$0xFFFFFF80] =	vst v29;
	v25 =	vld.idx.msk [tilespmem:v26+s3+$0x0], $0xffff  }
0xb7: {  	v26 =	vld.idx.msk [tilespmem:v40+s3+$0x0], $0xffff;
	[tilespmem:s18+$0xFFFFFFC0] =	vst v23  }
0xb8: {  	v23 =	vld.idx.msk [tilespmem:v45+s3+$0x0], $0xffff;
	[tilespmem:s18+$0xFFFFFFD0] =	vst v24;
	v24 =	vadd.s32 $0x1770, v2  }
0xb9: {  	v29 =	vld.idx.msk [tilespmem:v46+s3+$0x0], $0xffff;
	[tilespmem:s18+$0xFFFFFFE0] =	vst v27  }
0xba: {  	[tilespmem:s18+$0x10] =	vst v30;
	v27 =	vld.idx.msk [tilespmem:v48+s3+$0x0], $0xffff  }
0xbb: {  	[tilespmem:s18+$0x20] =	vst v28;
	v28 =	vld.idx.msk [tilespmem:v49+s3+$0x0], $0xffff  }
0xbc: {  	v30 =	vld.idx.msk [tilespmem:v52+s3+$0x0], $0xffff;
	[tilespmem:s18+$0xF0] =	vst v25  }
0xbd: {  	[tilespmem:s18+$0x0] =	vst v26;
	v24 =	vld.idx.msk [tilespmem:v24+s3+$0x0], $0xffff  }
0xbe: {  	v17 =	vld.idx.msk [tilespmem:v17+s3+$0x0], $0xffff;
	[tilespmem:s18+$0x30] =	vst v23  }
0xbf: {  	v2 =	vadd.s32 $0x1B58, v2;
	v21 =	vld.idx.msk [tilespmem:v21+s3+$0x0], $0xffff;
	[tilespmem:s18+$0x40] =	vst v29  }
0xc0: {  	v19 =	vld.idx.msk [tilespmem:v19+s3+$0x0], $0xffff;
	[tilespmem:s18+$0x50] =	vst v27  }
0xc1: {  	v20 =	vld.idx.msk [tilespmem:v20+s3+$0x0], $0xffff;
	[tilespmem:s18+$0x60] =	vst v28  }
0xc2: {  	[tilespmem:s18+$0x90] =	vst v30;
	v18 =	vld.idx.msk [tilespmem:v18+s3+$0x0], $0xffff  }
0xc3: {  	v22 =	vld.idx.msk [tilespmem:v22+s3+$0x0], $0xffff;
	[tilespmem:s18+$0x170] =	vst v24  }
0xc4: {  	[tilespmem:s18+$0x80] =	vst v17;
	v2 =	vld.idx.msk [tilespmem:v2+s3+$0x0], $0xffff  }
0xc5: {  	v15 =	vld.idx.msk [tilespmem:v15+s3+$0x0], $0xffff;
	[tilespmem:s18+$0xA0] =	vst v21  }
0xc6: {  	v12 =	vld.idx.msk [tilespmem:v12+s3+$0x0], $0xffff;
	[tilespmem:s18+$0xB0] =	vst v19  }
0xc7: {  	v16 =	vld.idx.msk [tilespmem:v16+s3+$0x0], $0xffff;
	[tilespmem:s18+$0xC0] =	vst v20  }
0xc8: {  	v13 =	vld.idx.msk [tilespmem:v13+s3+$0x0], $0xffff;
	[tilespmem:s18+$0xD0] =	vst v18  }
0xc9: {  	v10 =	vld.idx.msk [tilespmem:v10+s3+$0x0], $0xffff;
	[tilespmem:s18+$0xE0] =	vst v22  }
0xca: {  	v14 =	vld.idx.msk [tilespmem:v14+s3+$0x0], $0xffff;
	[tilespmem:s18+$0x1F0] =	vst v2  }
0xcb: {  	[tilespmem:s18+$0x100] =	vst v15;
	v2 =	vld.idx.msk [tilespmem:v11+s3+$0x0], $0xffff  }
0xcc: {  	v11 =	vld.idx.msk [tilespmem:v6+s3+$0x0], $0xffff;
	[tilespmem:s18+$0x110] =	vst v12  }
0xcd: {  	v6 =	vld.idx.msk [tilespmem:v9+s3+$0x0], $0xffff;
	[tilespmem:s18+$0x120] =	vst v16  }
.Ltmp2:
0xce: {  	v7 =	vld.idx.msk [tilespmem:v7+s3+$0x0], $0xffff;
	[tilespmem:s18+$0x130] =	vst v13;
	(pc) =	sbr.rel @p1 .LBB2_7-.Ltmp2, $4  }
0xcf: {  	v4 =	vld.idx.msk [tilespmem:v4+s3+$0x0], $0xffff;
	[tilespmem:s18+$0x140] =	vst v10  }
0xd0: {  	v8 =	vld.idx.msk [tilespmem:v8+s3+$0x0], $0xffff;
	[tilespmem:s18+$0x150] =	vst v14  }
0xd1: {  	v5 =	vld.idx.msk [tilespmem:v5+s3+$0x0], $0xffff;
	[tilespmem:s18+$0x160] =	vst v2  }
0xd2: {  	s20 =	sadd.s32 $0x80, s20;
	[tilespmem:s18+$0x180] =	vst v11;
	v3 =	vld.idx.msk [tilespmem:v3+s3+$0x0], $0xffff  }
0xd3: {  	[tilespmem:s18+$0x190] =	vst v6  }
0xd4: {  	[tilespmem:s18+$0x1A0] =	vst v7;
	s1 =	smul.u32 $0x3E8000, s1  }
0xd5: {  	[tilespmem:s18+$0x1B0] =	vst v4  }
0xd6: {  	[tilespmem:s18+$0x1C0] =	vst v8;
	s19 =	sadd.s32 s11, s1  }
0xd7: {  	[tilespmem:s18+$0x1D0] =	vst v5;
	s19 =	sshrl.u32 s19, $0x3  }
0xd8: {  	[tilespmem:s18+$0x1E0] =	vst v3;
	s22 =	sadd.s32 s2, s19;
	s18 =	simm.s32 @!p0 $0x1  }
0xd9: {  	[hbm4b:s22+s3] =	stream.linear.scatter [tilespmem:s25], [sflag:$0x1], $0x8000, $0x38;
	[tilespmem:$0x1C0F8] =	vst v63  }
0xda: {  	_ =	swait.ge @!p0 [sflag:s18], $0x8000  }
0xdb: {  	[sflag:s18] =	ssyncset.done @!p0 $0x0  }
0xdc: {  	[sflag:s18] =	ssyncadd.s32 @!p0 $0xFFFF8000  }
0xdd: {  	v9 =	vld [tilespmem:s0+$0x30]  }
0xde: {  	v7 =	vld [tilespmem:s0+$0xFFFFFFD0]  }
0xdf: {  	v6 =	vld [tilespmem:s0+$0xFFFFFFE0]  }
0xe0: {  	v5 =	vld [tilespmem:s0+$0xFFFFFFF0]  }
0xe1: {  	v4 =	vld [tilespmem:s0+$0x0]  }
0xe2: {  	v2 =	vld [tilespmem:s0+$0x10];
	v10 =	vadd.s32 $0x1F40, v9  }
0xe3: {  	v3 =	vld [tilespmem:s0+$0x20];
	v11 =	vadd.s32 $0x1F40, v7  }
0xe4: {  	v8 =	vld [tilespmem:s0+$0xFFFFFFC0];
	v12 =	vadd.s32 $0x1F40, v6  }
0xe5: {  	v13 =	vadd.s32 $0x1F40, v5  }
0xe6: {  	v14 =	vadd.s32 $0x1F40, v4  }
0xe7: {  	v15 =	vadd.s32 $0x1F40, v2;
	v10 =	vld.idx.msk [tilespmem:v10+s3+$0x0], $0xffff  }
0xe8: {  	v16 =	vadd.s32 $0x1F40, v3;
	v11 =	vld.idx.msk [tilespmem:v11+s3+$0x0], $0xffff  }
0xe9: {  	v18 =	vadd.s32 $0x1F40, v8;
	v12 =	vld.idx.msk [tilespmem:v12+s3+$0x0], $0xffff  }
0xea: {  	v17 =	vadd.s32 $0x2328, v9;
	v13 =	vld.idx.msk [tilespmem:v13+s3+$0x0], $0xffff  }
0xeb: {  	v19 =	vadd.s32 $0x2328, v7;
	v14 =	vld.idx.msk [tilespmem:v14+s3+$0x0], $0xffff  }
0xec: {  	s18 =	simm.s32 $0x140E8;
	v20 =	vadd.s32 $0x2328, v6;
	v15 =	vld.idx.msk [tilespmem:v15+s3+$0x0], $0xffff  }
0xed: {  	v21 =	vadd.s32 $0x2328, v5;
	v16 =	vld.idx.msk [tilespmem:v16+s3+$0x0], $0xffff;
	[tilespmem:s18+$0x70] =	vst v10  }
0xee: {  	v56 =	vadd.s32 $0x2328, v2;
	v18 =	vld.idx.msk [tilespmem:v18+s3+$0x0], $0xffff;
	[tilespmem:s18+$0x10] =	vst v11  }
0xef: {  	v59 =	vadd.s32 $0x2328, v8;
	[tilespmem:s18+$0x20] =	vst v12;
	v11 =	vld.idx.msk [tilespmem:v17+s3+$0x0], $0xffff  }
0xf0: {  	v60 =	vadd.s32 $0x2328, v3;
	[tilespmem:s18+$0x30] =	vst v13;
	v57 =	vld.idx.msk [tilespmem:v19+s3+$0x0], $0xffff  }
0xf1: {  	v10 =	vadd.s32 $0x2328, v4;
	[tilespmem:s18+$0x40] =	vst v14;
	v20 =	vld.idx.msk [tilespmem:v20+s3+$0x0], $0xffff  }
0xf2: {  	v58 =	vadd.s32 $0x2710, v9;
	[tilespmem:s18+$0x50] =	vst v15;
	v21 =	vld.idx.msk [tilespmem:v21+s3+$0x0], $0xffff  }
0xf3: {  	v61 =	vadd.s32 $0x2710, v7;
	[tilespmem:s18+$0x0] =	vst v18;
	v17 =	vld.idx.msk [tilespmem:v56+s3+$0x0], $0xffff  }
0xf4: {  	v62 =	vadd.s32 $0x2710, v6;
	[tilespmem:s18+$0x60] =	vst v16;
	v19 =	vld.idx.msk [tilespmem:v59+s3+$0x0], $0xffff  }
0xf5: {  	v26 =	vadd.s32 $0x2710, v8;
	v24 =	vld.idx.msk [tilespmem:v60+s3+$0x0], $0xffff;
	[tilespmem:s18+$0xF0] =	vst v11  }
0xf6: {  	v27 =	vadd.s32 $0x2710, v2;
	v10 =	vld.idx.msk [tilespmem:v10+s3+$0x0], $0xffff;
	[tilespmem:s18+$0x90] =	vst v57  }
0xf7: {  	v11 =	vadd.s32 $0x2710, v5;
	[tilespmem:s18+$0xA0] =	vst v20;
	v13 =	vld.idx.msk [tilespmem:v58+s3+$0x0], $0xffff  }
0xf8: {  	v63 =	vadd.s32 $0x2710, v4;
	[tilespmem:s18+$0xB0] =	vst v21;
	v15 =	vld.idx.msk [tilespmem:v61+s3+$0x0], $0xffff  }
0xf9: {  	v25 =	vadd.s32 $0x2AF8, v9;
	[tilespmem:s18+$0x80] =	vst v19;
	v16 =	vld.idx.msk [tilespmem:v62+s3+$0x0], $0xffff  }
0xfa: {  	v28 =	vadd.s32 $0x2AF8, v7;
	[tilespmem:s18+$0xD0] =	vst v17;
	v20 =	vld.idx.msk [tilespmem:v26+s3+$0x0], $0xffff  }
0xfb: {  	v29 =	vadd.s32 $0x2AF8, v6;
	[tilespmem:s18+$0xE0] =	vst v24;
	v31 =	vld.idx.msk [tilespmem:v27+s3+$0x0], $0xffff  }
0xfc: {  	v33 =	vadd.s32 $0x2AF8, v8;
	[tilespmem:s18+$0xC0] =	vst v10;
	v11 =	vld.idx.msk [tilespmem:v11+s3+$0x0], $0xffff  }
0xfd: {  	v10 =	vadd.s32 $0x2710, v3;
	v18 =	vld.idx.msk [tilespmem:v63+s3+$0x0], $0xffff;
	[tilespmem:s18+$0x170] =	vst v13  }
0xfe: {  	v30 =	vadd.s32 $0x2AF8, v5;
	[tilespmem:s18+$0x110] =	vst v15;
	v14 =	vld.idx.msk [tilespmem:v25+s3+$0x0], $0xffff  }
0xff: {  	v34 =	vadd.s32 $0x2AF8, v4;
	[tilespmem:s18+$0x120] =	vst v16;
	v17 =	vld.idx.msk [tilespmem:v28+s3+$0x0], $0xffff  }
0x100: {  	v32 =	vadd.s32 $0x2EE0, v9;
	[tilespmem:s18+$0x100] =	vst v20;
	v13 =	vld.idx.msk [tilespmem:v29+s3+$0x0], $0xffff  }
0x101: {  	v36 =	vadd.s32 $0x2EE0, v7;
	[tilespmem:s18+$0x150] =	vst v31;
	v21 =	vld.idx.msk [tilespmem:v33+s3+$0x0], $0xffff  }
0x102: {  	v37 =	vadd.s32 $0x2EE0, v6;
	v10 =	vld.idx.msk [tilespmem:v10+s3+$0x0], $0xffff;
	[tilespmem:s18+$0x130] =	vst v11  }
0x103: {  	v39 =	vadd.s32 $0x2EE0, v8;
	[tilespmem:s18+$0x140] =	vst v18;
	v19 =	vld.idx.msk [tilespmem:v30+s3+$0x0], $0xffff  }
0x104: {  	v11 =	vadd.s32 $0x2AF8, v2;
	v38 =	vld.idx.msk [tilespmem:v34+s3+$0x0], $0xffff;
	[tilespmem:s18+$0x1F0] =	vst v14  }
0x105: {  	v35 =	vadd.s32 $0x2AF8, v3;
	[tilespmem:s18+$0x190] =	vst v17;
	v15 =	vld.idx.msk [tilespmem:v32+s3+$0x0], $0xffff  }
0x106: {  	v40 =	vadd.s32 $0x2EE0, v5;
	[tilespmem:s18+$0x1A0] =	vst v13;
	v14 =	vld.idx.msk [tilespmem:v36+s3+$0x0], $0xffff  }
0x107: {  	v42 =	vadd.s32 $0x2EE0, v4;
	[tilespmem:s18+$0x180] =	vst v21;
	v20 =	vld.idx.msk [tilespmem:v37+s3+$0x0], $0xffff  }
0x108: {  	v16 =	vld.idx.msk [tilespmem:v39+s3+$0x0], $0xffff;
	[tilespmem:s18+$0x160] =	vst v10;
	v10 =	vadd.s32 $0x32C8, v9  }
0x109: {  	v45 =	vadd.s32 $0x32C8, v7;
	v11 =	vld.idx.msk [tilespmem:v11+s3+$0x0], $0xffff;
	[tilespmem:s18+$0x1B0] =	vst v19  }
0x10a: {  	v47 =	vadd.s32 $0x32C8, v8;
	v41 =	vld.idx.msk [tilespmem:v35+s3+$0x0], $0xffff;
	[tilespmem:s18+$0x1C0] =	vst v38  }
0x10b: {  	v48 =	vadd.s32 $0x32C8, v6;
	v46 =	vld.idx.msk [tilespmem:v40+s3+$0x0], $0xffff;
	[tilespmem:s18+$0x270] =	vst v15  }
0x10c: {  	v43 =	vadd.s32 $0x2EE0, v2;
	v18 =	vld.idx.msk [tilespmem:v42+s3+$0x0], $0xffff;
	[tilespmem:s18+$0x210] =	vst v14  }
0x10d: {  	v44 =	vadd.s32 $0x2EE0, v3;
	[tilespmem:s18+$0x220] =	vst v20;
	v10 =	vld.idx.msk [tilespmem:v10+s3+$0x0], $0xffff  }
0x10e: {  	v50 =	vadd.s32 $0x32C8, v5;
	[tilespmem:s18+$0x200] =	vst v16;
	v21 =	vld.idx.msk [tilespmem:v45+s3+$0x0], $0xffff  }
0x10f: {  	v17 =	vld.idx.msk [tilespmem:v47+s3+$0x0], $0xffff;
	[tilespmem:s18+$0x1D0] =	vst v11;
	v11 =	vadd.s32 $0x36B0, v9  }
0x110: {  	v51 =	vadd.s32 $0x32C8, v4;
	v53 =	vld.idx.msk [tilespmem:v48+s3+$0x0], $0xffff;
	[tilespmem:s18+$0x1E0] =	vst v41  }
0x111: {  	v54 =	vadd.s32 $0x36B0, v8;
	v49 =	vld.idx.msk [tilespmem:v43+s3+$0x0], $0xffff;
	[tilespmem:s18+$0x230] =	vst v46  }
0x112: {  	v56 =	vadd.s32 $0x36B0, v7;
	v15 =	vld.idx.msk [tilespmem:v44+s3+$0x0], $0xffff;
	[tilespmem:s18+$0x240] =	vst v18  }
0x113: {  	v58 =	vadd.s32 $0x36B0, v6;
	v55 =	vld.idx.msk [tilespmem:v50+s3+$0x0], $0xffff;
	[tilespmem:s18+$0x2F0] =	vst v10  }
0x114: {  	v10 =	vadd.s32 $0x32C8, v2;
	[tilespmem:s18+$0x290] =	vst v21;
	v11 =	vld.idx.msk [tilespmem:v11+s3+$0x0], $0xffff  }
0x115: {  	v52 =	vadd.s32 $0x32C8, v3;
	v57 =	vld.idx.msk [tilespmem:v51+s3+$0x0], $0xffff;
	[tilespmem:s18+$0x280] =	vst v17  }
0x116: {  	v59 =	vadd.s32 $0x36B0, v5;
	[tilespmem:s18+$0x2A0] =	vst v53;
	v13 =	vld.idx.msk [tilespmem:v54+s3+$0x0], $0xffff  }
0x117: {  	v9 =	vadd.s32 $0x3A98, v9;
	v14 =	vld.idx.msk [tilespmem:v56+s3+$0x0], $0xffff;
	[tilespmem:s18+$0x250] =	vst v49  }
0x118: {  	v7 =	vadd.s32 $0x3A98, v7;
	[tilespmem:s18+$0x260] =	vst v15;
	v15 =	vld.idx.msk [tilespmem:v58+s3+$0x0], $0xffff  }
0x119: {  	v10 =	vld.idx.msk [tilespmem:v10+s3+$0x0], $0xffff;
	[tilespmem:s18+$0x370] =	vst v11;
	v11 =	vadd.s32 $0x36B0, v4  }
0x11a: {  	v60 =	vadd.s32 $0x36B0, v2;
	v16 =	vld.idx.msk [tilespmem:v52+s3+$0x0], $0xffff;
	[tilespmem:s18+$0x2B0] =	vst v55  }
0x11b: {  	v61 =	vadd.s32 $0x36B0, v3;
	[tilespmem:s18+$0x2C0] =	vst v57;
	v18 =	vld.idx.msk [tilespmem:v59+s3+$0x0], $0xffff  }
0x11c: {  	v8 =	vadd.s32 $0x3A98, v8;
	[tilespmem:s18+$0x310] =	vst v14;
	v9 =	vld.idx.msk [tilespmem:v9+s3+$0x0], $0xffff  }
0x11d: {  	v6 =	vadd.s32 $0x3A98, v6;
	[tilespmem:s18+$0x300] =	vst v13;
	v7 =	vld.idx.msk [tilespmem:v7+s3+$0x0], $0xffff  }
0x11e: {  	v62 =	vadd.s32 $0x3A98, v5;
	[tilespmem:s18+$0x2D0] =	vst v10;
	v11 =	vld.idx.msk [tilespmem:v11+s3+$0x0], $0xffff  }
0x11f: {  	v63 =	vadd.s32 $0x3A98, v4;
	[tilespmem:s18+$0x2E0] =	vst v16;
	v17 =	vld.idx.msk [tilespmem:v60+s3+$0x0], $0xffff  }
0x120: {  	[tilespmem:s18+$0x320] =	vst v15;
	v10 =	vld.idx.msk [tilespmem:v61+s3+$0x0], $0xffff  }
0x121: {  	[tilespmem:s18+$0x3F0] =	vst v9;
	v9 =	vld.idx.msk [tilespmem:v8+s3+$0x0], $0xffff  }
0x122: {  	v5 =	vld.idx.msk [tilespmem:v6+s3+$0x0], $0xffff;
	[tilespmem:s18+$0x330] =	vst v18  }
0x123: {  	v8 =	vld.idx.msk [tilespmem:v62+s3+$0x0], $0xffff;
	[tilespmem:s18+$0x340] =	vst v11  }
0x124: {  	s20 =	sadd.s32 $0x80, s0;
	s19 =	simm.s32 $0x0;
	v3 =	vadd.s32 $0x3A98, v3;
	v4 =	vadd.s32 $0x3A98, v2;
	[tilespmem:s18+$0x350] =	vst v17;
	v6 =	vld.idx.msk [tilespmem:v63+s3+$0x0], $0xffff  }
.LBB2_9:
0x125: {  	v2 =	vld [tilespmem:s20+$0x30];
	s19 =	sadd.s32 $0x8, s19;
	[tilespmem:s18+$0x360] =	vst v10  }
0x126: {  	v23 =	vld [tilespmem:s20+$0xFFFFFFD0];
	p0 =	slt.u32 s19, $0xF8;
	[tilespmem:s18+$0x380] =	vst v9  }
0x127: {  	v24 =	vld [tilespmem:s20+$0xFFFFFFE0];
	[tilespmem:s18+$0x390] =	vst v7  }
0x128: {  	v25 =	vld [tilespmem:s20+$0xFFFFFFF0];
	[tilespmem:s18+$0x3A0] =	vst v5  }
0x129: {  	v26 =	vld [tilespmem:s20+$0x0];
	[tilespmem:s18+$0x3B0] =	vst v8  }
0x12a: {  	v27 =	vld [tilespmem:s20+$0x10];
	v5 =	vadd.s32 $0x1F40, v2;
	[tilespmem:s18+$0x3C0] =	vst v6  }
0x12b: {  	v6 =	vadd.s32 $0x1F40, v23;
	v7 =	vadd.s32 $0x2328, v23;
	v28 =	vadd.s32 $0x2710, v23;
	v29 =	vld [tilespmem:s20+$0x20]  }
0x12c: {  	v8 =	vld [tilespmem:s20+$0xFFFFFFC0];
	v9 =	vadd.s32 $0x1F40, v24;
	v10 =	vadd.s32 $0x2328, v24;
	v30 =	vadd.s32 $0x2710, v24  }
0x12d: {  	v11 =	vadd.s32 $0x1F40, v25;
	v13 =	vadd.s32 $0x2328, v25;
	v31 =	vadd.s32 $0x2710, v25;
	v4 =	vld.idx.msk [tilespmem:v4+s3+$0x0], $0xffff  }
0x12e: {  	v12 =	vadd.s32 $0x1F40, v26;
	v15 =	vadd.s32 $0x2328, v26;
	v32 =	vadd.s32 $0x2710, v26;
	v3 =	vld.idx.msk [tilespmem:v3+s3+$0x0], $0xffff  }
0x12f: {  	v14 =	vadd.s32 $0x1F40, v27;
	v33 =	vadd.s32 $0x2328, v27;
	v34 =	vadd.s32 $0x2710, v27;
	v5 =	vld.idx.msk [tilespmem:v5+s3+$0x0], $0xffff  }
0x130: {  	v6 =	vld.idx.msk [tilespmem:v6+s3+$0x0], $0xffff;
	v16 =	vadd.s32 $0x1F40, v29;
	v35 =	vadd.s32 $0x2328, v29;
	v36 =	vadd.s32 $0x2710, v29  }
0x131: {  	v18 =	vadd.s32 $0x2328, v2;
	v17 =	vadd.s32 $0x1F40, v8;
	v37 =	vadd.s32 $0x2328, v8;
	v9 =	vld.idx.msk [tilespmem:v9+s3+$0x0], $0xffff  }
0x132: {  	v40 =	vadd.s32 $0x2AF8, v23;
	v38 =	vadd.s32 $0x2710, v8;
	v39 =	vadd.s32 $0x2AF8, v8;
	v11 =	vld.idx.msk [tilespmem:v11+s3+$0x0], $0xffff  }
0x133: {  	v41 =	vadd.s32 $0x2AF8, v24;
	v42 =	vadd.s32 $0x2AF8, v25;
	v43 =	vadd.s32 $0x2AF8, v26;
	v22 =	vld.idx.msk [tilespmem:v12+s3+$0x0], $0xffff;
	[tilespmem:s18+$0x3D0] =	vst v4  }
0x134: {  	v45 =	vadd.s32 $0x2AF8, v27;
	v46 =	vadd.s32 $0x2AF8, v29;
	v44 =	vadd.s32 $0x2EE0, v8;
	v4 =	vld.idx.msk [tilespmem:v14+s3+$0x0], $0xffff;
	[tilespmem:s18+$0x3E0] =	vst v3;
	s18 =	sadd.s32 $0x400, s18  }
0x135: {  	v47 =	vadd.s32 $0x2EE0, v23;
	v48 =	vadd.s32 $0x2EE0, v24;
	v49 =	vadd.s32 $0x2EE0, v25;
	v3 =	vld.idx.msk [tilespmem:v16+s3+$0x0], $0xffff;
	[tilespmem:s18+$0x70] =	vst v5  }
0x136: {  	v50 =	vadd.s32 $0x2EE0, v26;
	v51 =	vadd.s32 $0x2EE0, v27;
	v52 =	vadd.s32 $0x2EE0, v29;
	[tilespmem:s18+$0x10] =	vst v6;
	v6 =	vld.idx.msk [tilespmem:v18+s3+$0x0], $0xffff  }
0x137: {  	v54 =	vadd.s32 $0x32C8, v23;
	v20 =	vadd.s32 $0x32C8, v24;
	v19 =	vadd.s32 $0x32C8, v8;
	v53 =	vld.idx.msk [tilespmem:v17+s3+$0x0], $0xffff;
	[tilespmem:s18+$0x20] =	vst v9  }
0x138: {  	v56 =	vadd.s32 $0x2710, v2;
	v21 =	vadd.s32 $0x32C8, v25;
	v17 =	vadd.s32 $0x32C8, v26;
	v55 =	vld.idx.msk [tilespmem:v7+s3+$0x0], $0xffff;
	[tilespmem:s18+$0x30] =	vst v11  }
0x139: {  	v12 =	vadd.s32 $0x36B0, v8;
	v18 =	vadd.s32 $0x32C8, v29;
	v57 =	vld.idx.msk [tilespmem:v10+s3+$0x0], $0xffff;
	[tilespmem:s18+$0x40] =	vst v22;
	v22 =	vadd.s32 $0x32C8, v27  }
0x13a: {  	v14 =	vadd.s32 $0x36B0, v24;
	v16 =	vadd.s32 $0x36B0, v23;
	v58 =	vld.idx.msk [tilespmem:v13+s3+$0x0], $0xffff;
	v13 =	vadd.s32 $0x36B0, v25;
	[tilespmem:s18+$0x50] =	vst v4  }
0x13b: {  	v11 =	vadd.s32 $0x36B0, v27;
	v10 =	vadd.s32 $0x36B0, v29;
	v59 =	vld.idx.msk [tilespmem:v15+s3+$0x0], $0xffff;
	v15 =	vadd.s32 $0x36B0, v26;
	[tilespmem:s18+$0x60] =	vst v3  }
0x13c: {  	v5 =	vadd.s32 $0x3A98, v24;
	v9 =	vadd.s32 $0x3A98, v8;
	v7 =	vadd.s32 $0x3A98, v23;
	v23 =	vld.idx.msk [tilespmem:v33+s3+$0x0], $0xffff;
	[tilespmem:s18+$0xF0] =	vst v6  }
0x13d: {  	v8 =	vadd.s32 $0x3A98, v25;
	v4 =	vadd.s32 $0x3A98, v27;
	v6 =	vadd.s32 $0x3A98, v26;
	[tilespmem:s18+$0x0] =	vst v53;
	v24 =	vld.idx.msk [tilespmem:v56+s3+$0x0], $0xffff  }
0x13e: {  	v3 =	vadd.s32 $0x3A98, v29;
	v25 =	vld.idx.msk [tilespmem:v37+s3+$0x0], $0xffff;
	[tilespmem:s18+$0x90] =	vst v55  }
0x13f: {  	v27 =	vadd.s32 $0x2AF8, v2;
	[tilespmem:s18+$0xA0] =	vst v57;
	v26 =	vld.idx.msk [tilespmem:v35+s3+$0x0], $0xffff  }
0x140: {  	v28 =	vld.idx.msk [tilespmem:v28+s3+$0x0], $0xffff;
	[tilespmem:s18+$0xB0] =	vst v58  }
0x141: {  	v29 =	vld.idx.msk [tilespmem:v30+s3+$0x0], $0xffff;
	[tilespmem:s18+$0xC0] =	vst v59  }
0x142: {  	v30 =	vld.idx.msk [tilespmem:v31+s3+$0x0], $0xffff;
	[tilespmem:s18+$0xD0] =	vst v23  }
0x143: {  	v23 =	vld.idx.msk [tilespmem:v32+s3+$0x0], $0xffff;
	[tilespmem:s18+$0x170] =	vst v24  }
0x144: {  	[tilespmem:s18+$0x80] =	vst v25;
	v24 =	vld.idx.msk [tilespmem:v27+s3+$0x0], $0xffff  }
0x145: {  	v25 =	vld.idx.msk [tilespmem:v38+s3+$0x0], $0xffff;
	[tilespmem:s18+$0xE0] =	vst v26  }
0x146: {  	v27 =	vadd.s32 $0x2EE0, v2;
	[tilespmem:s18+$0x110] =	vst v28;
	v26 =	vld.idx.msk [tilespmem:v34+s3+$0x0], $0xffff  }
0x147: {  	[tilespmem:s18+$0x120] =	vst v29;
	v28 =	vld.idx.msk [tilespmem:v36+s3+$0x0], $0xffff  }
0x148: {  	v29 =	vld.idx.msk [tilespmem:v40+s3+$0x0], $0xffff;
	[tilespmem:s18+$0x130] =	vst v30  }
0x149: {  	v30 =	vld.idx.msk [tilespmem:v41+s3+$0x0], $0xffff;
	[tilespmem:s18+$0x140] =	vst v23  }
0x14a: {  	v23 =	vld.idx.msk [tilespmem:v42+s3+$0x0], $0xffff;
	[tilespmem:s18+$0x1F0] =	vst v24  }
0x14b: {  	[tilespmem:s18+$0x100] =	vst v25;
	v24 =	vld.idx.msk [tilespmem:v27+s3+$0x0], $0xffff  }
0x14c: {  	v25 =	vld.idx.msk [tilespmem:v39+s3+$0x0], $0xffff;
	[tilespmem:s18+$0x150] =	vst v26  }
0x14d: {  	v27 =	vadd.s32 $0x32C8, v2;
	v26 =	vld.idx.msk [tilespmem:v43+s3+$0x0], $0xffff;
	[tilespmem:s18+$0x160] =	vst v28  }
0x14e: {  	[tilespmem:s18+$0x190] =	vst v29;
	v28 =	vld.idx.msk [tilespmem:v45+s3+$0x0], $0xffff  }
0x14f: {  	[tilespmem:s18+$0x1A0] =	vst v30;
	v29 =	vld.idx.msk [tilespmem:v46+s3+$0x0], $0xffff  }
0x150: {  	v30 =	vld.idx.msk [tilespmem:v47+s3+$0x0], $0xffff;
	[tilespmem:s18+$0x1B0] =	vst v23  }
0x151: {  	v23 =	vld.idx.msk [tilespmem:v48+s3+$0x0], $0xffff;
	[tilespmem:s18+$0x270] =	vst v24  }
0x152: {  	[tilespmem:s18+$0x180] =	vst v25;
	v24 =	vld.idx.msk [tilespmem:v27+s3+$0x0], $0xffff  }
0x153: {  	v25 =	vld.idx.msk [tilespmem:v44+s3+$0x0], $0xffff;
	[tilespmem:s18+$0x1C0] =	vst v26  }
0x154: {  	v27 =	vadd.s32 $0x36B0, v2;
	v26 =	vld.idx.msk [tilespmem:v49+s3+$0x0], $0xffff;
	[tilespmem:s18+$0x1D0] =	vst v28  }
0x155: {  	v28 =	vld.idx.msk [tilespmem:v50+s3+$0x0], $0xffff;
	[tilespmem:s18+$0x1E0] =	vst v29  }
0x156: {  	[tilespmem:s18+$0x210] =	vst v30;
	v29 =	vld.idx.msk [tilespmem:v51+s3+$0x0], $0xffff  }
0x157: {  	[tilespmem:s18+$0x220] =	vst v23;
	v23 =	vld.idx.msk [tilespmem:v52+s3+$0x0], $0xffff  }
0x158: {  	v30 =	vld.idx.msk [tilespmem:v54+s3+$0x0], $0xffff;
	[tilespmem:s18+$0x2F0] =	vst v24  }
0x159: {  	[tilespmem:s18+$0x200] =	vst v25;
	v24 =	vld.idx.msk [tilespmem:v27+s3+$0x0], $0xffff  }
0x15a: {  	v19 =	vld.idx.msk [tilespmem:v19+s3+$0x0], $0xffff;
	[tilespmem:s18+$0x230] =	vst v26  }
0x15b: {  	v2 =	vadd.s32 $0x3A98, v2;
	v20 =	vld.idx.msk [tilespmem:v20+s3+$0x0], $0xffff;
	[tilespmem:s18+$0x240] =	vst v28  }
0x15c: {  	v21 =	vld.idx.msk [tilespmem:v21+s3+$0x0], $0xffff;
	[tilespmem:s18+$0x250] =	vst v29  }
0x15d: {  	v17 =	vld.idx.msk [tilespmem:v17+s3+$0x0], $0xffff;
	[tilespmem:s18+$0x260] =	vst v23  }
0x15e: {  	[tilespmem:s18+$0x290] =	vst v30;
	v22 =	vld.idx.msk [tilespmem:v22+s3+$0x0], $0xffff  }
0x15f: {  	v18 =	vld.idx.msk [tilespmem:v18+s3+$0x0], $0xffff;
	[tilespmem:s18+$0x370] =	vst v24  }
0x160: {  	[tilespmem:s18+$0x280] =	vst v19;
	v2 =	vld.idx.msk [tilespmem:v2+s3+$0x0], $0xffff  }
0x161: {  	v12 =	vld.idx.msk [tilespmem:v12+s3+$0x0], $0xffff;
	[tilespmem:s18+$0x2A0] =	vst v20  }
0x162: {  	v16 =	vld.idx.msk [tilespmem:v16+s3+$0x0], $0xffff;
	[tilespmem:s18+$0x2B0] =	vst v21  }
0x163: {  	v14 =	vld.idx.msk [tilespmem:v14+s3+$0x0], $0xffff;
	[tilespmem:s18+$0x2C0] =	vst v17  }
0x164: {  	v13 =	vld.idx.msk [tilespmem:v13+s3+$0x0], $0xffff;
	[tilespmem:s18+$0x2D0] =	vst v22  }
0x165: {  	v15 =	vld.idx.msk [tilespmem:v15+s3+$0x0], $0xffff;
	[tilespmem:s18+$0x2E0] =	vst v18  }
0x166: {  	v11 =	vld.idx.msk [tilespmem:v11+s3+$0x0], $0xffff;
	[tilespmem:s18+$0x3F0] =	vst v2  }
0x167: {  	[tilespmem:s18+$0x300] =	vst v12;
	v10 =	vld.idx.msk [tilespmem:v10+s3+$0x0], $0xffff  }
.Ltmp3:
0x168: {  	v9 =	vld.idx.msk [tilespmem:v9+s3+$0x0], $0xffff;
	[tilespmem:s18+$0x310] =	vst v16;
	(pc) =	sbr.rel @p0 .LBB2_9-.Ltmp3, $4  }
0x169: {  	v7 =	vld.idx.msk [tilespmem:v7+s3+$0x0], $0xffff;
	[tilespmem:s18+$0x320] =	vst v14  }
0x16a: {  	v5 =	vld.idx.msk [tilespmem:v5+s3+$0x0], $0xffff;
	[tilespmem:s18+$0x330] =	vst v13  }
0x16b: {  	v8 =	vld.idx.msk [tilespmem:v8+s3+$0x0], $0xffff;
	[tilespmem:s18+$0x340] =	vst v15  }
0x16c: {  	s20 =	sadd.s32 $0x80, s20;
	v6 =	vld.idx.msk [tilespmem:v6+s3+$0x0], $0xffff;
	[tilespmem:s18+$0x350] =	vst v11  }
0x16d: {  	_ =	sdelay $0x2  }
0x16e: {  	[tilespmem:s18+$0x360] =	vst v10  }
0x16f: {  	[tilespmem:s18+$0x380] =	vst v9;
	v2 =	vld.idx.msk [tilespmem:v4+s3+$0x0], $0xffff  }
0x170: {  	[tilespmem:s18+$0x390] =	vst v7;
	v3 =	vld.idx.msk [tilespmem:v3+s3+$0x0], $0xffff  }
0x171: {  	[tilespmem:s18+$0x3A0] =	vst v5  }
0x172: {  	[tilespmem:s18+$0x3B0] =	vst v8  }
0x173: {  	s19 =	sadd.s32 s12, s1;
	[tilespmem:s18+$0x3C0] =	vst v6  }
0x174: {  	s19 =	sshrl.u32 s19, $0x3;
	[tilespmem:s18+$0x3D0] =	vst v2  }
0x175: {  	s20 =	sadd.s32 s2, s19;
	[tilespmem:s18+$0x3E0] =	vst v3  }
0x176: {  	[hbm4b:s20+s3] =	stream.linear.scatter [tilespmem:s26], [sflag:$0x1], $0x8000, $0x38;
	[tilespmem:$0x1C0F8] =	vst v63  }
0x177: {  	_ =	swait.ge [sflag:s24], $0x8000  }
0x178: {  	[sflag:s24] =	ssyncset.done $0x0  }
0x179: {  	[sflag:s24] =	ssyncadd.s32 $0xFFFF8000  }
0x17a: {  	v9 =	vld [tilespmem:s0+$0x30]  }
0x17b: {  	v7 =	vld [tilespmem:s0+$0xFFFFFFD0]  }
0x17c: {  	v6 =	vld [tilespmem:s0+$0xFFFFFFE0]  }
0x17d: {  	v5 =	vld [tilespmem:s0+$0xFFFFFFF0]  }
0x17e: {  	v4 =	vld [tilespmem:s0+$0x0]  }
0x17f: {  	v2 =	vld [tilespmem:s0+$0x10];
	v10 =	vadd.s32 $0x3E80, v9  }
0x180: {  	v3 =	vld [tilespmem:s0+$0x20];
	v11 =	vadd.s32 $0x3E80, v7  }
0x181: {  	v8 =	vld [tilespmem:s0+$0xFFFFFFC0];
	v12 =	vadd.s32 $0x3E80, v6  }
0x182: {  	v13 =	vadd.s32 $0x3E80, v5  }
0x183: {  	v14 =	vadd.s32 $0x3E80, v4  }
0x184: {  	v15 =	vadd.s32 $0x3E80, v2;
	v10 =	vld.idx.msk [tilespmem:v10+s3+$0x0], $0xffff  }
0x185: {  	v16 =	vadd.s32 $0x3E80, v3;
	v11 =	vld.idx.msk [tilespmem:v11+s3+$0x0], $0xffff  }
0x186: {  	v18 =	vadd.s32 $0x3E80, v8;
	v12 =	vld.idx.msk [tilespmem:v12+s3+$0x0], $0xffff  }
0x187: {  	v17 =	vadd.s32 $0x4268, v9;
	v13 =	vld.idx.msk [tilespmem:v13+s3+$0x0], $0xffff  }
0x188: {  	v19 =	vadd.s32 $0x4268, v7;
	v14 =	vld.idx.msk [tilespmem:v14+s3+$0x0], $0xffff  }
0x189: {  	s18 =	simm.s32 $0xC2E8;
	v20 =	vadd.s32 $0x4268, v6;
	v15 =	vld.idx.msk [tilespmem:v15+s3+$0x0], $0xffff  }
0x18a: {  	v21 =	vadd.s32 $0x4268, v5;
	v16 =	vld.idx.msk [tilespmem:v16+s3+$0x0], $0xffff;
	[tilespmem:s18+$0xFFFFFE70] =	vst v10  }
0x18b: {  	v56 =	vadd.s32 $0x4268, v2;
	v18 =	vld.idx.msk [tilespmem:v18+s3+$0x0], $0xffff;
	[tilespmem:s18+$0xFFFFFE10] =	vst v11  }
0x18c: {  	v59 =	vadd.s32 $0x4268, v8;
	[tilespmem:s18+$0xFFFFFE20] =	vst v12;
	v11 =	vld.idx.msk [tilespmem:v17+s3+$0x0], $0xffff  }
0x18d: {  	v60 =	vadd.s32 $0x4268, v3;
	[tilespmem:s18+$0xFFFFFE30] =	vst v13;
	v57 =	vld.idx.msk [tilespmem:v19+s3+$0x0], $0xffff  }
0x18e: {  	v10 =	vadd.s32 $0x4268, v4;
	[tilespmem:s18+$0xFFFFFE40] =	vst v14;
	v20 =	vld.idx.msk [tilespmem:v20+s3+$0x0], $0xffff  }
0x18f: {  	v58 =	vadd.s32 $0x4650, v9;
	[tilespmem:s18+$0xFFFFFE50] =	vst v15;
	v21 =	vld.idx.msk [tilespmem:v21+s3+$0x0], $0xffff  }
0x190: {  	v61 =	vadd.s32 $0x4650, v7;
	[tilespmem:s18+$0xFFFFFE00] =	vst v18;
	v17 =	vld.idx.msk [tilespmem:v56+s3+$0x0], $0xffff  }
0x191: {  	v62 =	vadd.s32 $0x4650, v6;
	[tilespmem:s18+$0xFFFFFE60] =	vst v16;
	v19 =	vld.idx.msk [tilespmem:v59+s3+$0x0], $0xffff  }
0x192: {  	v26 =	vadd.s32 $0x4650, v8;
	v24 =	vld.idx.msk [tilespmem:v60+s3+$0x0], $0xffff;
	[tilespmem:s18+$0xFFFFFEF0] =	vst v11  }
0x193: {  	v27 =	vadd.s32 $0x4650, v2;
	v10 =	vld.idx.msk [tilespmem:v10+s3+$0x0], $0xffff;
	[tilespmem:s18+$0xFFFFFE90] =	vst v57  }
0x194: {  	v11 =	vadd.s32 $0x4650, v5;
	[tilespmem:s18+$0xFFFFFEA0] =	vst v20;
	v13 =	vld.idx.msk [tilespmem:v58+s3+$0x0], $0xffff  }
0x195: {  	v63 =	vadd.s32 $0x4650, v4;
	[tilespmem:s18+$0xFFFFFEB0] =	vst v21;
	v15 =	vld.idx.msk [tilespmem:v61+s3+$0x0], $0xffff  }
0x196: {  	v25 =	vadd.s32 $0x4A38, v9;
	[tilespmem:s18+$0xFFFFFE80] =	vst v19;
	v16 =	vld.idx.msk [tilespmem:v62+s3+$0x0], $0xffff  }
0x197: {  	v28 =	vadd.s32 $0x4A38, v7;
	[tilespmem:s18+$0xFFFFFED0] =	vst v17;
	v20 =	vld.idx.msk [tilespmem:v26+s3+$0x0], $0xffff  }
0x198: {  	v29 =	vadd.s32 $0x4A38, v6;
	[tilespmem:s18+$0xFFFFFEE0] =	vst v24;
	v31 =	vld.idx.msk [tilespmem:v27+s3+$0x0], $0xffff  }
0x199: {  	v33 =	vadd.s32 $0x4A38, v8;
	[tilespmem:s18+$0xFFFFFEC0] =	vst v10;
	v11 =	vld.idx.msk [tilespmem:v11+s3+$0x0], $0xffff  }
0x19a: {  	v10 =	vadd.s32 $0x4650, v3;
	v18 =	vld.idx.msk [tilespmem:v63+s3+$0x0], $0xffff;
	[tilespmem:s18+$0xFFFFFF70] =	vst v13  }
0x19b: {  	v30 =	vadd.s32 $0x4A38, v5;
	[tilespmem:s18+$0xFFFFFF10] =	vst v15;
	v14 =	vld.idx.msk [tilespmem:v25+s3+$0x0], $0xffff  }
0x19c: {  	v34 =	vadd.s32 $0x4A38, v4;
	[tilespmem:s18+$0xFFFFFF20] =	vst v16;
	v17 =	vld.idx.msk [tilespmem:v28+s3+$0x0], $0xffff  }
0x19d: {  	v32 =	vadd.s32 $0x4E20, v9;
	[tilespmem:s18+$0xFFFFFF00] =	vst v20;
	v13 =	vld.idx.msk [tilespmem:v29+s3+$0x0], $0xffff  }
0x19e: {  	v36 =	vadd.s32 $0x4E20, v7;
	[tilespmem:s18+$0xFFFFFF50] =	vst v31;
	v21 =	vld.idx.msk [tilespmem:v33+s3+$0x0], $0xffff  }
0x19f: {  	v37 =	vadd.s32 $0x4E20, v6;
	v10 =	vld.idx.msk [tilespmem:v10+s3+$0x0], $0xffff;
	[tilespmem:s18+$0xFFFFFF30] =	vst v11  }
0x1a0: {  	v39 =	vadd.s32 $0x4E20, v8;
	[tilespmem:s18+$0xFFFFFF40] =	vst v18;
	v19 =	vld.idx.msk [tilespmem:v30+s3+$0x0], $0xffff  }
0x1a1: {  	v11 =	vadd.s32 $0x4A38, v2;
	v38 =	vld.idx.msk [tilespmem:v34+s3+$0x0], $0xffff;
	[tilespmem:s18+$0xFFFFFFF0] =	vst v14  }
0x1a2: {  	v35 =	vadd.s32 $0x4A38, v3;
	[tilespmem:s18+$0xFFFFFF90] =	vst v17;
	v15 =	vld.idx.msk [tilespmem:v32+s3+$0x0], $0xffff  }
0x1a3: {  	v40 =	vadd.s32 $0x4E20, v5;
	[tilespmem:s18+$0xFFFFFFA0] =	vst v13;
	v14 =	vld.idx.msk [tilespmem:v36+s3+$0x0], $0xffff  }
0x1a4: {  	v42 =	vadd.s32 $0x4E20, v4;
	[tilespmem:s18+$0xFFFFFF80] =	vst v21;
	v20 =	vld.idx.msk [tilespmem:v37+s3+$0x0], $0xffff  }
0x1a5: {  	v16 =	vld.idx.msk [tilespmem:v39+s3+$0x0], $0xffff;
	[tilespmem:s18+$0xFFFFFF60] =	vst v10;
	v10 =	vadd.s32 $0x5208, v9  }
0x1a6: {  	v45 =	vadd.s32 $0x5208, v7;
	v11 =	vld.idx.msk [tilespmem:v11+s3+$0x0], $0xffff;
	[tilespmem:s18+$0xFFFFFFB0] =	vst v19  }
0x1a7: {  	v47 =	vadd.s32 $0x5208, v8;
	v41 =	vld.idx.msk [tilespmem:v35+s3+$0x0], $0xffff;
	[tilespmem:s18+$0xFFFFFFC0] =	vst v38  }
0x1a8: {  	v48 =	vadd.s32 $0x5208, v6;
	v46 =	vld.idx.msk [tilespmem:v40+s3+$0x0], $0xffff;
	[tilespmem:s18+$0x70] =	vst v15  }
0x1a9: {  	v43 =	vadd.s32 $0x4E20, v2;
	v18 =	vld.idx.msk [tilespmem:v42+s3+$0x0], $0xffff;
	[tilespmem:s18+$0x10] =	vst v14  }
0x1aa: {  	v44 =	vadd.s32 $0x4E20, v3;
	[tilespmem:s18+$0x20] =	vst v20;
	v10 =	vld.idx.msk [tilespmem:v10+s3+$0x0], $0xffff  }
0x1ab: {  	v50 =	vadd.s32 $0x5208, v5;
	[tilespmem:s18+$0x0] =	vst v16;
	v21 =	vld.idx.msk [tilespmem:v45+s3+$0x0], $0xffff  }
0x1ac: {  	v17 =	vld.idx.msk [tilespmem:v47+s3+$0x0], $0xffff;
	[tilespmem:s18+$0xFFFFFFD0] =	vst v11;
	v11 =	vadd.s32 $0x55F0, v9  }
0x1ad: {  	v51 =	vadd.s32 $0x5208, v4;
	v53 =	vld.idx.msk [tilespmem:v48+s3+$0x0], $0xffff;
	[tilespmem:s18+$0xFFFFFFE0] =	vst v41  }
0x1ae: {  	v54 =	vadd.s32 $0x55F0, v8;
	v49 =	vld.idx.msk [tilespmem:v43+s3+$0x0], $0xffff;
	[tilespmem:s18+$0x30] =	vst v46  }
0x1af: {  	v56 =	vadd.s32 $0x55F0, v7;
	v15 =	vld.idx.msk [tilespmem:v44+s3+$0x0], $0xffff;
	[tilespmem:s18+$0x40] =	vst v18  }
0x1b0: {  	v58 =	vadd.s32 $0x55F0, v6;
	v55 =	vld.idx.msk [tilespmem:v50+s3+$0x0], $0xffff;
	[tilespmem:s18+$0xF0] =	vst v10  }
0x1b1: {  	v10 =	vadd.s32 $0x5208, v2;
	[tilespmem:s18+$0x90] =	vst v21;
	v11 =	vld.idx.msk [tilespmem:v11+s3+$0x0], $0xffff  }
0x1b2: {  	v52 =	vadd.s32 $0x5208, v3;
	v57 =	vld.idx.msk [tilespmem:v51+s3+$0x0], $0xffff;
	[tilespmem:s18+$0x80] =	vst v17  }
0x1b3: {  	v59 =	vadd.s32 $0x55F0, v5;
	[tilespmem:s18+$0xA0] =	vst v53;
	v13 =	vld.idx.msk [tilespmem:v54+s3+$0x0], $0xffff  }
0x1b4: {  	v9 =	vadd.s32 $0x59D8, v9;
	v14 =	vld.idx.msk [tilespmem:v56+s3+$0x0], $0xffff;
	[tilespmem:s18+$0x50] =	vst v49  }
0x1b5: {  	v7 =	vadd.s32 $0x59D8, v7;
	[tilespmem:s18+$0x60] =	vst v15;
	v15 =	vld.idx.msk [tilespmem:v58+s3+$0x0], $0xffff  }
0x1b6: {  	v10 =	vld.idx.msk [tilespmem:v10+s3+$0x0], $0xffff;
	[tilespmem:s18+$0x170] =	vst v11;
	v11 =	vadd.s32 $0x55F0, v4  }
0x1b7: {  	v60 =	vadd.s32 $0x55F0, v2;
	v16 =	vld.idx.msk [tilespmem:v52+s3+$0x0], $0xffff;
	[tilespmem:s18+$0xB0] =	vst v55  }
0x1b8: {  	v61 =	vadd.s32 $0x55F0, v3;
	[tilespmem:s18+$0xC0] =	vst v57;
	v18 =	vld.idx.msk [tilespmem:v59+s3+$0x0], $0xffff  }
0x1b9: {  	v8 =	vadd.s32 $0x59D8, v8;
	[tilespmem:s18+$0x110] =	vst v14;
	v9 =	vld.idx.msk [tilespmem:v9+s3+$0x0], $0xffff  }
0x1ba: {  	v6 =	vadd.s32 $0x59D8, v6;
	[tilespmem:s18+$0x100] =	vst v13;
	v7 =	vld.idx.msk [tilespmem:v7+s3+$0x0], $0xffff  }
0x1bb: {  	v62 =	vadd.s32 $0x59D8, v5;
	[tilespmem:s18+$0xD0] =	vst v10;
	v11 =	vld.idx.msk [tilespmem:v11+s3+$0x0], $0xffff  }
0x1bc: {  	v63 =	vadd.s32 $0x59D8, v4;
	[tilespmem:s18+$0xE0] =	vst v16;
	v17 =	vld.idx.msk [tilespmem:v60+s3+$0x0], $0xffff  }
0x1bd: {  	[tilespmem:s18+$0x120] =	vst v15;
	v10 =	vld.idx.msk [tilespmem:v61+s3+$0x0], $0xffff  }
0x1be: {  	[tilespmem:s18+$0x1F0] =	vst v9;
	v9 =	vld.idx.msk [tilespmem:v8+s3+$0x0], $0xffff  }
0x1bf: {  	s22 =	sadd.s32 s13, s1;
	v5 =	vld.idx.msk [tilespmem:v6+s3+$0x0], $0xffff;
	[tilespmem:s18+$0x130] =	vst v18  }
0x1c0: {  	s19 =	sshrl.u32 s22, $0x3;
	v8 =	vld.idx.msk [tilespmem:v62+s3+$0x0], $0xffff;
	[tilespmem:s18+$0x140] =	vst v11  }
0x1c1: {  	s22 =	sadd.s32 $0x80, s0;
	s19 =	sadd.s32 s2, s19;
	s20 =	simm.s32 $0x0;
	v3 =	vadd.s32 $0x59D8, v3;
	v4 =	vadd.s32 $0x59D8, v2;
	[tilespmem:s18+$0x150] =	vst v17;
	v6 =	vld.idx.msk [tilespmem:v63+s3+$0x0], $0xffff  }
.LBB2_11:
0x1c2: {  	v2 =	vld [tilespmem:s22+$0x30];
	s20 =	sadd.s32 $0x8, s20;
	[tilespmem:s18+$0x160] =	vst v10  }
0x1c3: {  	v23 =	vld [tilespmem:s22+$0xFFFFFFD0];
	p0 =	slt.u32 s20, $0xF8;
	[tilespmem:s18+$0x180] =	vst v9  }
0x1c4: {  	v24 =	vld [tilespmem:s22+$0xFFFFFFE0];
	[tilespmem:s18+$0x190] =	vst v7  }
0x1c5: {  	v25 =	vld [tilespmem:s22+$0xFFFFFFF0];
	[tilespmem:s18+$0x1A0] =	vst v5  }
0x1c6: {  	v26 =	vld [tilespmem:s22+$0x0];
	[tilespmem:s18+$0x1B0] =	vst v8  }
0x1c7: {  	v27 =	vld [tilespmem:s22+$0x10];
	v5 =	vadd.s32 $0x3E80, v2;
	[tilespmem:s18+$0x1C0] =	vst v6  }
0x1c8: {  	v6 =	vadd.s32 $0x3E80, v23;
	v7 =	vadd.s32 $0x4268, v23;
	v28 =	vadd.s32 $0x4650, v23;
	v29 =	vld [tilespmem:s22+$0x20]  }
0x1c9: {  	v8 =	vld [tilespmem:s22+$0xFFFFFFC0];
	v9 =	vadd.s32 $0x3E80, v24;
	v10 =	vadd.s32 $0x4268, v24;
	v30 =	vadd.s32 $0x4650, v24  }
0x1ca: {  	v11 =	vadd.s32 $0x3E80, v25;
	v13 =	vadd.s32 $0x4268, v25;
	v31 =	vadd.s32 $0x4650, v25;
	v4 =	vld.idx.msk [tilespmem:v4+s3+$0x0], $0xffff  }
0x1cb: {  	v12 =	vadd.s32 $0x3E80, v26;
	v15 =	vadd.s32 $0x4268, v26;
	v32 =	vadd.s32 $0x4650, v26;
	v3 =	vld.idx.msk [tilespmem:v3+s3+$0x0], $0xffff  }
0x1cc: {  	v14 =	vadd.s32 $0x3E80, v27;
	v33 =	vadd.s32 $0x4268, v27;
	v34 =	vadd.s32 $0x4650, v27;
	v5 =	vld.idx.msk [tilespmem:v5+s3+$0x0], $0xffff  }
0x1cd: {  	v6 =	vld.idx.msk [tilespmem:v6+s3+$0x0], $0xffff;
	v16 =	vadd.s32 $0x3E80, v29;
	v35 =	vadd.s32 $0x4268, v29;
	v36 =	vadd.s32 $0x4650, v29  }
0x1ce: {  	v18 =	vadd.s32 $0x4268, v2;
	v17 =	vadd.s32 $0x3E80, v8;
	v37 =	vadd.s32 $0x4268, v8;
	v9 =	vld.idx.msk [tilespmem:v9+s3+$0x0], $0xffff  }
0x1cf: {  	v40 =	vadd.s32 $0x4A38, v23;
	v38 =	vadd.s32 $0x4650, v8;
	v39 =	vadd.s32 $0x4A38, v8;
	v11 =	vld.idx.msk [tilespmem:v11+s3+$0x0], $0xffff  }
0x1d0: {  	v41 =	vadd.s32 $0x4A38, v24;
	v42 =	vadd.s32 $0x4A38, v25;
	v43 =	vadd.s32 $0x4A38, v26;
	v22 =	vld.idx.msk [tilespmem:v12+s3+$0x0], $0xffff;
	[tilespmem:s18+$0x1D0] =	vst v4  }
0x1d1: {  	v45 =	vadd.s32 $0x4A38, v27;
	v46 =	vadd.s32 $0x4A38, v29;
	v44 =	vadd.s32 $0x4E20, v8;
	v4 =	vld.idx.msk [tilespmem:v14+s3+$0x0], $0xffff;
	[tilespmem:s18+$0x1E0] =	vst v3;
	s18 =	sadd.s32 $0x400, s18  }
0x1d2: {  	v47 =	vadd.s32 $0x4E20, v23;
	v48 =	vadd.s32 $0x4E20, v24;
	v49 =	vadd.s32 $0x4E20, v25;
	v3 =	vld.idx.msk [tilespmem:v16+s3+$0x0], $0xffff;
	[tilespmem:s18+$0xFFFFFE70] =	vst v5  }
0x1d3: {  	v50 =	vadd.s32 $0x4E20, v26;
	v51 =	vadd.s32 $0x4E20, v27;
	v52 =	vadd.s32 $0x4E20, v29;
	[tilespmem:s18+$0xFFFFFE10] =	vst v6;
	v6 =	vld.idx.msk [tilespmem:v18+s3+$0x0], $0xffff  }
0x1d4: {  	v54 =	vadd.s32 $0x5208, v23;
	v20 =	vadd.s32 $0x5208, v24;
	v19 =	vadd.s32 $0x5208, v8;
	v53 =	vld.idx.msk [tilespmem:v17+s3+$0x0], $0xffff;
	[tilespmem:s18+$0xFFFFFE20] =	vst v9  }
0x1d5: {  	v56 =	vadd.s32 $0x4650, v2;
	v21 =	vadd.s32 $0x5208, v25;
	v17 =	vadd.s32 $0x5208, v26;
	v55 =	vld.idx.msk [tilespmem:v7+s3+$0x0], $0xffff;
	[tilespmem:s18+$0xFFFFFE30] =	vst v11  }
0x1d6: {  	v12 =	vadd.s32 $0x55F0, v8;
	v18 =	vadd.s32 $0x5208, v29;
	v57 =	vld.idx.msk [tilespmem:v10+s3+$0x0], $0xffff;
	[tilespmem:s18+$0xFFFFFE40] =	vst v22;
	v22 =	vadd.s32 $0x5208, v27  }
0x1d7: {  	v14 =	vadd.s32 $0x55F0, v24;
	v16 =	vadd.s32 $0x55F0, v23;
	v58 =	vld.idx.msk [tilespmem:v13+s3+$0x0], $0xffff;
	v13 =	vadd.s32 $0x55F0, v25;
	[tilespmem:s18+$0xFFFFFE50] =	vst v4  }
0x1d8: {  	v11 =	vadd.s32 $0x55F0, v27;
	v10 =	vadd.s32 $0x55F0, v29;
	v59 =	vld.idx.msk [tilespmem:v15+s3+$0x0], $0xffff;
	v15 =	vadd.s32 $0x55F0, v26;
	[tilespmem:s18+$0xFFFFFE60] =	vst v3  }
0x1d9: {  	v5 =	vadd.s32 $0x59D8, v24;
	v9 =	vadd.s32 $0x59D8, v8;
	v7 =	vadd.s32 $0x59D8, v23;
	v23 =	vld.idx.msk [tilespmem:v33+s3+$0x0], $0xffff;
	[tilespmem:s18+$0xFFFFFEF0] =	vst v6  }
0x1da: {  	v8 =	vadd.s32 $0x59D8, v25;
	v4 =	vadd.s32 $0x59D8, v27;
	v6 =	vadd.s32 $0x59D8, v26;
	[tilespmem:s18+$0xFFFFFE00] =	vst v53;
	v24 =	vld.idx.msk [tilespmem:v56+s3+$0x0], $0xffff  }
0x1db: {  	v3 =	vadd.s32 $0x59D8, v29;
	v25 =	vld.idx.msk [tilespmem:v37+s3+$0x0], $0xffff;
	[tilespmem:s18+$0xFFFFFE90] =	vst v55  }
0x1dc: {  	v27 =	vadd.s32 $0x4A38, v2;
	[tilespmem:s18+$0xFFFFFEA0] =	vst v57;
	v26 =	vld.idx.msk [tilespmem:v35+s3+$0x0], $0xffff  }
0x1dd: {  	v28 =	vld.idx.msk [tilespmem:v28+s3+$0x0], $0xffff;
	[tilespmem:s18+$0xFFFFFEB0] =	vst v58  }
0x1de: {  	v29 =	vld.idx.msk [tilespmem:v30+s3+$0x0], $0xffff;
	[tilespmem:s18+$0xFFFFFEC0] =	vst v59  }
0x1df: {  	v30 =	vld.idx.msk [tilespmem:v31+s3+$0x0], $0xffff;
	[tilespmem:s18+$0xFFFFFED0] =	vst v23  }
0x1e0: {  	v23 =	vld.idx.msk [tilespmem:v32+s3+$0x0], $0xffff;
	[tilespmem:s18+$0xFFFFFF70] =	vst v24  }
0x1e1: {  	[tilespmem:s18+$0xFFFFFE80] =	vst v25;
	v24 =	vld.idx.msk [tilespmem:v27+s3+$0x0], $0xffff  }
0x1e2: {  	v25 =	vld.idx.msk [tilespmem:v38+s3+$0x0], $0xffff;
	[tilespmem:s18+$0xFFFFFEE0] =	vst v26  }
0x1e3: {  	v27 =	vadd.s32 $0x4E20, v2;
	[tilespmem:s18+$0xFFFFFF10] =	vst v28;
	v26 =	vld.idx.msk [tilespmem:v34+s3+$0x0], $0xffff  }
0x1e4: {  	[tilespmem:s18+$0xFFFFFF20] =	vst v29;
	v28 =	vld.idx.msk [tilespmem:v36+s3+$0x0], $0xffff  }
0x1e5: {  	v29 =	vld.idx.msk [tilespmem:v40+s3+$0x0], $0xffff;
	[tilespmem:s18+$0xFFFFFF30] =	vst v30  }
0x1e6: {  	v30 =	vld.idx.msk [tilespmem:v41+s3+$0x0], $0xffff;
	[tilespmem:s18+$0xFFFFFF40] =	vst v23  }
0x1e7: {  	v23 =	vld.idx.msk [tilespmem:v42+s3+$0x0], $0xffff;
	[tilespmem:s18+$0xFFFFFFF0] =	vst v24  }
0x1e8: {  	[tilespmem:s18+$0xFFFFFF00] =	vst v25;
	v24 =	vld.idx.msk [tilespmem:v27+s3+$0x0], $0xffff  }
0x1e9: {  	v25 =	vld.idx.msk [tilespmem:v39+s3+$0x0], $0xffff;
	[tilespmem:s18+$0xFFFFFF50] =	vst v26  }
0x1ea: {  	v27 =	vadd.s32 $0x5208, v2;
	v26 =	vld.idx.msk [tilespmem:v43+s3+$0x0], $0xffff;
	[tilespmem:s18+$0xFFFFFF60] =	vst v28  }
0x1eb: {  	[tilespmem:s18+$0xFFFFFF90] =	vst v29;
	v28 =	vld.idx.msk [tilespmem:v45+s3+$0x0], $0xffff  }
0x1ec: {  	[tilespmem:s18+$0xFFFFFFA0] =	vst v30;
	v29 =	vld.idx.msk [tilespmem:v46+s3+$0x0], $0xffff  }
0x1ed: {  	v30 =	vld.idx.msk [tilespmem:v47+s3+$0x0], $0xffff;
	[tilespmem:s18+$0xFFFFFFB0] =	vst v23  }
0x1ee: {  	v23 =	vld.idx.msk [tilespmem:v48+s3+$0x0], $0xffff;
	[tilespmem:s18+$0x70] =	vst v24  }
0x1ef: {  	[tilespmem:s18+$0xFFFFFF80] =	vst v25;
	v24 =	vld.idx.msk [tilespmem:v27+s3+$0x0], $0xffff  }
0x1f0: {  	v25 =	vld.idx.msk [tilespmem:v44+s3+$0x0], $0xffff;
	[tilespmem:s18+$0xFFFFFFC0] =	vst v26  }
0x1f1: {  	v27 =	vadd.s32 $0x55F0, v2;
	v26 =	vld.idx.msk [tilespmem:v49+s3+$0x0], $0xffff;
	[tilespmem:s18+$0xFFFFFFD0] =	vst v28  }
0x1f2: {  	v28 =	vld.idx.msk [tilespmem:v50+s3+$0x0], $0xffff;
	[tilespmem:s18+$0xFFFFFFE0] =	vst v29  }
0x1f3: {  	[tilespmem:s18+$0x10] =	vst v30;
	v29 =	vld.idx.msk [tilespmem:v51+s3+$0x0], $0xffff  }
0x1f4: {  	[tilespmem:s18+$0x20] =	vst v23;
	v23 =	vld.idx.msk [tilespmem:v52+s3+$0x0], $0xffff  }
0x1f5: {  	v30 =	vld.idx.msk [tilespmem:v54+s3+$0x0], $0xffff;
	[tilespmem:s18+$0xF0] =	vst v24  }
0x1f6: {  	[tilespmem:s18+$0x0] =	vst v25;
	v24 =	vld.idx.msk [tilespmem:v27+s3+$0x0], $0xffff  }
0x1f7: {  	v19 =	vld.idx.msk [tilespmem:v19+s3+$0x0], $0xffff;
	[tilespmem:s18+$0x30] =	vst v26  }
0x1f8: {  	v2 =	vadd.s32 $0x59D8, v2;
	v20 =	vld.idx.msk [tilespmem:v20+s3+$0x0], $0xffff;
	[tilespmem:s18+$0x40] =	vst v28  }
0x1f9: {  	v21 =	vld.idx.msk [tilespmem:v21+s3+$0x0], $0xffff;
	[tilespmem:s18+$0x50] =	vst v29  }
0x1fa: {  	v17 =	vld.idx.msk [tilespmem:v17+s3+$0x0], $0xffff;
	[tilespmem:s18+$0x60] =	vst v23  }
0x1fb: {  	[tilespmem:s18+$0x90] =	vst v30;
	v22 =	vld.idx.msk [tilespmem:v22+s3+$0x0], $0xffff  }
0x1fc: {  	v18 =	vld.idx.msk [tilespmem:v18+s3+$0x0], $0xffff;
	[tilespmem:s18+$0x170] =	vst v24  }
0x1fd: {  	[tilespmem:s18+$0x80] =	vst v19;
	v2 =	vld.idx.msk [tilespmem:v2+s3+$0x0], $0xffff  }
0x1fe: {  	v12 =	vld.idx.msk [tilespmem:v12+s3+$0x0], $0xffff;
	[tilespmem:s18+$0xA0] =	vst v20  }
0x1ff: {  	v16 =	vld.idx.msk [tilespmem:v16+s3+$0x0], $0xffff;
	[tilespmem:s18+$0xB0] =	vst v21  }
0x200: {  	v14 =	vld.idx.msk [tilespmem:v14+s3+$0x0], $0xffff;
	[tilespmem:s18+$0xC0] =	vst v17  }
0x201: {  	v13 =	vld.idx.msk [tilespmem:v13+s3+$0x0], $0xffff;
	[tilespmem:s18+$0xD0] =	vst v22  }
0x202: {  	v15 =	vld.idx.msk [tilespmem:v15+s3+$0x0], $0xffff;
	[tilespmem:s18+$0xE0] =	vst v18  }
0x203: {  	v11 =	vld.idx.msk [tilespmem:v11+s3+$0x0], $0xffff;
	[tilespmem:s18+$0x1F0] =	vst v2  }
0x204: {  	[tilespmem:s18+$0x100] =	vst v12;
	v10 =	vld.idx.msk [tilespmem:v10+s3+$0x0], $0xffff  }
.Ltmp4:
0x205: {  	v9 =	vld.idx.msk [tilespmem:v9+s3+$0x0], $0xffff;
	[tilespmem:s18+$0x110] =	vst v16;
	(pc) =	sbr.rel @p0 .LBB2_11-.Ltmp4, $4  }
0x206: {  	v7 =	vld.idx.msk [tilespmem:v7+s3+$0x0], $0xffff;
	[tilespmem:s18+$0x120] =	vst v14  }
0x207: {  	v5 =	vld.idx.msk [tilespmem:v5+s3+$0x0], $0xffff;
	[tilespmem:s18+$0x130] =	vst v13  }
0x208: {  	v8 =	vld.idx.msk [tilespmem:v8+s3+$0x0], $0xffff;
	[tilespmem:s18+$0x140] =	vst v15  }
0x209: {  	s22 =	sadd.s32 $0x80, s22;
	v6 =	vld.idx.msk [tilespmem:v6+s3+$0x0], $0xffff;
	[tilespmem:s18+$0x150] =	vst v11  }
0x20a: {  	_ =	sdelay $0x2  }
0x20b: {  	[tilespmem:s18+$0x160] =	vst v10  }
0x20c: {  	[tilespmem:s18+$0x180] =	vst v9;
	v2 =	vld.idx.msk [tilespmem:v4+s3+$0x0], $0xffff  }
0x20d: {  	[tilespmem:s18+$0x190] =	vst v7;
	v3 =	vld.idx.msk [tilespmem:v3+s3+$0x0], $0xffff  }
0x20e: {  	[tilespmem:s18+$0x1A0] =	vst v5  }
0x20f: {  	[tilespmem:s18+$0x1B0] =	vst v8  }
0x210: {  	[tilespmem:s18+$0x1C0] =	vst v6  }
0x211: {  	[tilespmem:s18+$0x1D0] =	vst v2  }
0x212: {  	[tilespmem:s18+$0x1E0] =	vst v3  }
0x213: {  	[hbm4b:s19+s3] =	stream.linear.scatter [tilespmem:s25], [sflag:$0x1], $0x8000, $0x38;
	[tilespmem:$0x1C0F8] =	vst v63  }
0x214: {  	_ =	swait.ge [sflag:s24], $0x8000  }
0x215: {  	[sflag:s24] =	ssyncset.done $0x0  }
0x216: {  	[sflag:s24] =	ssyncadd.s32 $0xFFFF8000  }
0x217: {  	v9 =	vld [tilespmem:s0+$0x30]  }
0x218: {  	v7 =	vld [tilespmem:s0+$0xFFFFFFD0]  }
0x219: {  	v6 =	vld [tilespmem:s0+$0xFFFFFFE0]  }
0x21a: {  	v5 =	vld [tilespmem:s0+$0xFFFFFFF0]  }
0x21b: {  	v4 =	vld [tilespmem:s0+$0x0]  }
0x21c: {  	v2 =	vld [tilespmem:s0+$0x10];
	v10 =	vadd.s32 $0x5DC0, v9  }
0x21d: {  	v3 =	vld [tilespmem:s0+$0x20];
	v11 =	vadd.s32 $0x5DC0, v7  }
0x21e: {  	v8 =	vld [tilespmem:s0+$0xFFFFFFC0];
	v12 =	vadd.s32 $0x5DC0, v6  }
0x21f: {  	v13 =	vadd.s32 $0x5DC0, v5  }
0x220: {  	v14 =	vadd.s32 $0x5DC0, v4  }
0x221: {  	v15 =	vadd.s32 $0x5DC0, v2;
	v10 =	vld.idx.msk [tilespmem:v10+s3+$0x0], $0xffff  }
0x222: {  	v16 =	vadd.s32 $0x5DC0, v3;
	v11 =	vld.idx.msk [tilespmem:v11+s3+$0x0], $0xffff  }
0x223: {  	v18 =	vadd.s32 $0x5DC0, v8;
	v12 =	vld.idx.msk [tilespmem:v12+s3+$0x0], $0xffff  }
0x224: {  	v17 =	vadd.s32 $0x61A8, v9;
	v13 =	vld.idx.msk [tilespmem:v13+s3+$0x0], $0xffff  }
0x225: {  	v19 =	vadd.s32 $0x61A8, v7;
	v14 =	vld.idx.msk [tilespmem:v14+s3+$0x0], $0xffff  }
0x226: {  	s18 =	simm.s32 $0x140E8;
	v20 =	vadd.s32 $0x61A8, v6;
	v15 =	vld.idx.msk [tilespmem:v15+s3+$0x0], $0xffff  }
0x227: {  	v21 =	vadd.s32 $0x61A8, v5;
	v16 =	vld.idx.msk [tilespmem:v16+s3+$0x0], $0xffff;
	[tilespmem:s18+$0x70] =	vst v10  }
0x228: {  	v56 =	vadd.s32 $0x61A8, v2;
	v18 =	vld.idx.msk [tilespmem:v18+s3+$0x0], $0xffff;
	[tilespmem:s18+$0x10] =	vst v11  }
0x229: {  	v59 =	vadd.s32 $0x61A8, v8;
	[tilespmem:s18+$0x20] =	vst v12;
	v11 =	vld.idx.msk [tilespmem:v17+s3+$0x0], $0xffff  }
0x22a: {  	v60 =	vadd.s32 $0x61A8, v3;
	[tilespmem:s18+$0x30] =	vst v13;
	v57 =	vld.idx.msk [tilespmem:v19+s3+$0x0], $0xffff  }
0x22b: {  	v10 =	vadd.s32 $0x61A8, v4;
	[tilespmem:s18+$0x40] =	vst v14;
	v20 =	vld.idx.msk [tilespmem:v20+s3+$0x0], $0xffff  }
0x22c: {  	v58 =	vadd.s32 $0x6590, v9;
	[tilespmem:s18+$0x50] =	vst v15;
	v21 =	vld.idx.msk [tilespmem:v21+s3+$0x0], $0xffff  }
0x22d: {  	v61 =	vadd.s32 $0x6590, v7;
	[tilespmem:s18+$0x0] =	vst v18;
	v17 =	vld.idx.msk [tilespmem:v56+s3+$0x0], $0xffff  }
0x22e: {  	v62 =	vadd.s32 $0x6590, v6;
	[tilespmem:s18+$0x60] =	vst v16;
	v19 =	vld.idx.msk [tilespmem:v59+s3+$0x0], $0xffff  }
0x22f: {  	v26 =	vadd.s32 $0x6590, v8;
	v24 =	vld.idx.msk [tilespmem:v60+s3+$0x0], $0xffff;
	[tilespmem:s18+$0xF0] =	vst v11  }
0x230: {  	v27 =	vadd.s32 $0x6590, v2;
	v10 =	vld.idx.msk [tilespmem:v10+s3+$0x0], $0xffff;
	[tilespmem:s18+$0x90] =	vst v57  }
0x231: {  	v11 =	vadd.s32 $0x6590, v5;
	[tilespmem:s18+$0xA0] =	vst v20;
	v13 =	vld.idx.msk [tilespmem:v58+s3+$0x0], $0xffff  }
0x232: {  	v63 =	vadd.s32 $0x6590, v4;
	[tilespmem:s18+$0xB0] =	vst v21;
	v15 =	vld.idx.msk [tilespmem:v61+s3+$0x0], $0xffff  }
0x233: {  	v25 =	vadd.s32 $0x6978, v9;
	[tilespmem:s18+$0x80] =	vst v19;
	v16 =	vld.idx.msk [tilespmem:v62+s3+$0x0], $0xffff  }
0x234: {  	v28 =	vadd.s32 $0x6978, v7;
	[tilespmem:s18+$0xD0] =	vst v17;
	v20 =	vld.idx.msk [tilespmem:v26+s3+$0x0], $0xffff  }
0x235: {  	v29 =	vadd.s32 $0x6978, v6;
	[tilespmem:s18+$0xE0] =	vst v24;
	v31 =	vld.idx.msk [tilespmem:v27+s3+$0x0], $0xffff  }
0x236: {  	v33 =	vadd.s32 $0x6978, v8;
	[tilespmem:s18+$0xC0] =	vst v10;
	v11 =	vld.idx.msk [tilespmem:v11+s3+$0x0], $0xffff  }
0x237: {  	v10 =	vadd.s32 $0x6590, v3;
	v18 =	vld.idx.msk [tilespmem:v63+s3+$0x0], $0xffff;
	[tilespmem:s18+$0x170] =	vst v13  }
0x238: {  	v30 =	vadd.s32 $0x6978, v5;
	[tilespmem:s18+$0x110] =	vst v15;
	v14 =	vld.idx.msk [tilespmem:v25+s3+$0x0], $0xffff  }
0x239: {  	v34 =	vadd.s32 $0x6978, v4;
	[tilespmem:s18+$0x120] =	vst v16;
	v17 =	vld.idx.msk [tilespmem:v28+s3+$0x0], $0xffff  }
0x23a: {  	v32 =	vadd.s32 $0x6D60, v9;
	[tilespmem:s18+$0x100] =	vst v20;
	v13 =	vld.idx.msk [tilespmem:v29+s3+$0x0], $0xffff  }
0x23b: {  	v36 =	vadd.s32 $0x6D60, v7;
	[tilespmem:s18+$0x150] =	vst v31;
	v21 =	vld.idx.msk [tilespmem:v33+s3+$0x0], $0xffff  }
0x23c: {  	v37 =	vadd.s32 $0x6D60, v6;
	v10 =	vld.idx.msk [tilespmem:v10+s3+$0x0], $0xffff;
	[tilespmem:s18+$0x130] =	vst v11  }
0x23d: {  	v39 =	vadd.s32 $0x6D60, v8;
	[tilespmem:s18+$0x140] =	vst v18;
	v19 =	vld.idx.msk [tilespmem:v30+s3+$0x0], $0xffff  }
0x23e: {  	v11 =	vadd.s32 $0x6978, v2;
	v38 =	vld.idx.msk [tilespmem:v34+s3+$0x0], $0xffff;
	[tilespmem:s18+$0x1F0] =	vst v14  }
0x23f: {  	v35 =	vadd.s32 $0x6978, v3;
	[tilespmem:s18+$0x190] =	vst v17;
	v15 =	vld.idx.msk [tilespmem:v32+s3+$0x0], $0xffff  }
0x240: {  	v40 =	vadd.s32 $0x6D60, v5;
	[tilespmem:s18+$0x1A0] =	vst v13;
	v14 =	vld.idx.msk [tilespmem:v36+s3+$0x0], $0xffff  }
0x241: {  	v42 =	vadd.s32 $0x6D60, v4;
	[tilespmem:s18+$0x180] =	vst v21;
	v20 =	vld.idx.msk [tilespmem:v37+s3+$0x0], $0xffff  }
0x242: {  	v16 =	vld.idx.msk [tilespmem:v39+s3+$0x0], $0xffff;
	[tilespmem:s18+$0x160] =	vst v10;
	v10 =	vadd.s32 $0x7148, v9  }
0x243: {  	v45 =	vadd.s32 $0x7148, v7;
	v11 =	vld.idx.msk [tilespmem:v11+s3+$0x0], $0xffff;
	[tilespmem:s18+$0x1B0] =	vst v19  }
0x244: {  	v47 =	vadd.s32 $0x7148, v8;
	v41 =	vld.idx.msk [tilespmem:v35+s3+$0x0], $0xffff;
	[tilespmem:s18+$0x1C0] =	vst v38  }
0x245: {  	v48 =	vadd.s32 $0x7148, v6;
	v46 =	vld.idx.msk [tilespmem:v40+s3+$0x0], $0xffff;
	[tilespmem:s18+$0x270] =	vst v15  }
0x246: {  	v43 =	vadd.s32 $0x6D60, v2;
	v18 =	vld.idx.msk [tilespmem:v42+s3+$0x0], $0xffff;
	[tilespmem:s18+$0x210] =	vst v14  }
0x247: {  	v44 =	vadd.s32 $0x6D60, v3;
	[tilespmem:s18+$0x220] =	vst v20;
	v10 =	vld.idx.msk [tilespmem:v10+s3+$0x0], $0xffff  }
0x248: {  	v50 =	vadd.s32 $0x7148, v5;
	[tilespmem:s18+$0x200] =	vst v16;
	v21 =	vld.idx.msk [tilespmem:v45+s3+$0x0], $0xffff  }
0x249: {  	v17 =	vld.idx.msk [tilespmem:v47+s3+$0x0], $0xffff;
	[tilespmem:s18+$0x1D0] =	vst v11;
	v11 =	vadd.s32 $0x7530, v9  }
0x24a: {  	v51 =	vadd.s32 $0x7148, v4;
	v53 =	vld.idx.msk [tilespmem:v48+s3+$0x0], $0xffff;
	[tilespmem:s18+$0x1E0] =	vst v41  }
0x24b: {  	v54 =	vadd.s32 $0x7530, v8;
	v49 =	vld.idx.msk [tilespmem:v43+s3+$0x0], $0xffff;
	[tilespmem:s18+$0x230] =	vst v46  }
0x24c: {  	v56 =	vadd.s32 $0x7530, v7;
	v15 =	vld.idx.msk [tilespmem:v44+s3+$0x0], $0xffff;
	[tilespmem:s18+$0x240] =	vst v18  }
0x24d: {  	v58 =	vadd.s32 $0x7530, v6;
	v55 =	vld.idx.msk [tilespmem:v50+s3+$0x0], $0xffff;
	[tilespmem:s18+$0x2F0] =	vst v10  }
0x24e: {  	v10 =	vadd.s32 $0x7148, v2;
	[tilespmem:s18+$0x290] =	vst v21;
	v11 =	vld.idx.msk [tilespmem:v11+s3+$0x0], $0xffff  }
0x24f: {  	v52 =	vadd.s32 $0x7148, v3;
	v57 =	vld.idx.msk [tilespmem:v51+s3+$0x0], $0xffff;
	[tilespmem:s18+$0x280] =	vst v17  }
0x250: {  	v59 =	vadd.s32 $0x7530, v5;
	[tilespmem:s18+$0x2A0] =	vst v53;
	v13 =	vld.idx.msk [tilespmem:v54+s3+$0x0], $0xffff  }
0x251: {  	v9 =	vadd.s32 $0x7918, v9;
	v14 =	vld.idx.msk [tilespmem:v56+s3+$0x0], $0xffff;
	[tilespmem:s18+$0x250] =	vst v49  }
0x252: {  	v7 =	vadd.s32 $0x7918, v7;
	[tilespmem:s18+$0x260] =	vst v15;
	v15 =	vld.idx.msk [tilespmem:v58+s3+$0x0], $0xffff  }
0x253: {  	v10 =	vld.idx.msk [tilespmem:v10+s3+$0x0], $0xffff;
	[tilespmem:s18+$0x370] =	vst v11;
	v11 =	vadd.s32 $0x7530, v4  }
0x254: {  	v60 =	vadd.s32 $0x7530, v2;
	v16 =	vld.idx.msk [tilespmem:v52+s3+$0x0], $0xffff;
	[tilespmem:s18+$0x2B0] =	vst v55  }
0x255: {  	v61 =	vadd.s32 $0x7530, v3;
	[tilespmem:s18+$0x2C0] =	vst v57;
	v18 =	vld.idx.msk [tilespmem:v59+s3+$0x0], $0xffff  }
0x256: {  	v8 =	vadd.s32 $0x7918, v8;
	[tilespmem:s18+$0x310] =	vst v14;
	v9 =	vld.idx.msk [tilespmem:v9+s3+$0x0], $0xffff  }
0x257: {  	v6 =	vadd.s32 $0x7918, v6;
	[tilespmem:s18+$0x300] =	vst v13;
	v7 =	vld.idx.msk [tilespmem:v7+s3+$0x0], $0xffff  }
0x258: {  	v62 =	vadd.s32 $0x7918, v5;
	[tilespmem:s18+$0x2D0] =	vst v10;
	v11 =	vld.idx.msk [tilespmem:v11+s3+$0x0], $0xffff  }
0x259: {  	v63 =	vadd.s32 $0x7918, v4;
	[tilespmem:s18+$0x2E0] =	vst v16;
	v17 =	vld.idx.msk [tilespmem:v60+s3+$0x0], $0xffff  }
0x25a: {  	[tilespmem:s18+$0x320] =	vst v15;
	v10 =	vld.idx.msk [tilespmem:v61+s3+$0x0], $0xffff  }
0x25b: {  	[tilespmem:s18+$0x3F0] =	vst v9;
	v9 =	vld.idx.msk [tilespmem:v8+s3+$0x0], $0xffff  }
0x25c: {  	s1 =	sadd.s32 s14, s1;
	v5 =	vld.idx.msk [tilespmem:v6+s3+$0x0], $0xffff;
	[tilespmem:s18+$0x330] =	vst v18  }
0x25d: {  	s1 =	sshrl.u32 s1, $0x3;
	v8 =	vld.idx.msk [tilespmem:v62+s3+$0x0], $0xffff;
	[tilespmem:s18+$0x340] =	vst v11  }
0x25e: {  	s1 =	sadd.s32 s2, s1;
	s19 =	simm.s32 $0x0;
	s0 =	sadd.s32 $0x80, s0;
	v3 =	vadd.s32 $0x7918, v3;
	v4 =	vadd.s32 $0x7918, v2;
	[tilespmem:s18+$0x350] =	vst v17;
	v6 =	vld.idx.msk [tilespmem:v63+s3+$0x0], $0xffff  }
.LBB2_13:
0x25f: {  	v2 =	vld [tilespmem:s0+$0x30];
	s19 =	sadd.s32 $0x8, s19;
	[tilespmem:s18+$0x360] =	vst v10  }
0x260: {  	v23 =	vld [tilespmem:s0+$0xFFFFFFD0];
	p0 =	slt.u32 s19, $0xF8;
	[tilespmem:s18+$0x380] =	vst v9  }
0x261: {  	v24 =	vld [tilespmem:s0+$0xFFFFFFE0];
	[tilespmem:s18+$0x390] =	vst v7  }
0x262: {  	v25 =	vld [tilespmem:s0+$0xFFFFFFF0];
	[tilespmem:s18+$0x3A0] =	vst v5  }
0x263: {  	v26 =	vld [tilespmem:s0+$0x0];
	[tilespmem:s18+$0x3B0] =	vst v8  }
0x264: {  	v27 =	vld [tilespmem:s0+$0x10];
	v5 =	vadd.s32 $0x5DC0, v2;
	[tilespmem:s18+$0x3C0] =	vst v6  }
0x265: {  	v6 =	vadd.s32 $0x5DC0, v23;
	v7 =	vadd.s32 $0x61A8, v23;
	v28 =	vadd.s32 $0x6590, v23;
	v29 =	vld [tilespmem:s0+$0x20]  }
0x266: {  	v8 =	vld [tilespmem:s0+$0xFFFFFFC0];
	v9 =	vadd.s32 $0x5DC0, v24;
	v10 =	vadd.s32 $0x61A8, v24;
	v30 =	vadd.s32 $0x6590, v24  }
0x267: {  	v11 =	vadd.s32 $0x5DC0, v25;
	v13 =	vadd.s32 $0x61A8, v25;
	v31 =	vadd.s32 $0x6590, v25;
	v4 =	vld.idx.msk [tilespmem:v4+s3+$0x0], $0xffff  }
0x268: {  	v12 =	vadd.s32 $0x5DC0, v26;
	v15 =	vadd.s32 $0x61A8, v26;
	v32 =	vadd.s32 $0x6590, v26;
	v3 =	vld.idx.msk [tilespmem:v3+s3+$0x0], $0xffff  }
0x269: {  	v14 =	vadd.s32 $0x5DC0, v27;
	v33 =	vadd.s32 $0x61A8, v27;
	v34 =	vadd.s32 $0x6590, v27;
	v5 =	vld.idx.msk [tilespmem:v5+s3+$0x0], $0xffff  }
0x26a: {  	v6 =	vld.idx.msk [tilespmem:v6+s3+$0x0], $0xffff;
	v16 =	vadd.s32 $0x5DC0, v29;
	v35 =	vadd.s32 $0x61A8, v29;
	v36 =	vadd.s32 $0x6590, v29  }
0x26b: {  	v18 =	vadd.s32 $0x61A8, v2;
	v17 =	vadd.s32 $0x5DC0, v8;
	v37 =	vadd.s32 $0x61A8, v8;
	v9 =	vld.idx.msk [tilespmem:v9+s3+$0x0], $0xffff  }
0x26c: {  	v40 =	vadd.s32 $0x6978, v23;
	v38 =	vadd.s32 $0x6590, v8;
	v39 =	vadd.s32 $0x6978, v8;
	v11 =	vld.idx.msk [tilespmem:v11+s3+$0x0], $0xffff  }
0x26d: {  	v41 =	vadd.s32 $0x6978, v24;
	v42 =	vadd.s32 $0x6978, v25;
	v43 =	vadd.s32 $0x6978, v26;
	v22 =	vld.idx.msk [tilespmem:v12+s3+$0x0], $0xffff;
	[tilespmem:s18+$0x3D0] =	vst v4  }
0x26e: {  	v45 =	vadd.s32 $0x6978, v27;
	v46 =	vadd.s32 $0x6978, v29;
	v44 =	vadd.s32 $0x6D60, v8;
	v4 =	vld.idx.msk [tilespmem:v14+s3+$0x0], $0xffff;
	[tilespmem:s18+$0x3E0] =	vst v3;
	s18 =	sadd.s32 $0x400, s18  }
0x26f: {  	v47 =	vadd.s32 $0x6D60, v23;
	v48 =	vadd.s32 $0x6D60, v24;
	v49 =	vadd.s32 $0x6D60, v25;
	v3 =	vld.idx.msk [tilespmem:v16+s3+$0x0], $0xffff;
	[tilespmem:s18+$0x70] =	vst v5  }
0x270: {  	v50 =	vadd.s32 $0x6D60, v26;
	v51 =	vadd.s32 $0x6D60, v27;
	v52 =	vadd.s32 $0x6D60, v29;
	[tilespmem:s18+$0x10] =	vst v6;
	v6 =	vld.idx.msk [tilespmem:v18+s3+$0x0], $0xffff  }
0x271: {  	v54 =	vadd.s32 $0x7148, v23;
	v20 =	vadd.s32 $0x7148, v24;
	v19 =	vadd.s32 $0x7148, v8;
	v53 =	vld.idx.msk [tilespmem:v17+s3+$0x0], $0xffff;
	[tilespmem:s18+$0x20] =	vst v9  }
0x272: {  	v56 =	vadd.s32 $0x6590, v2;
	v21 =	vadd.s32 $0x7148, v25;
	v17 =	vadd.s32 $0x7148, v26;
	v55 =	vld.idx.msk [tilespmem:v7+s3+$0x0], $0xffff;
	[tilespmem:s18+$0x30] =	vst v11  }
0x273: {  	v12 =	vadd.s32 $0x7530, v8;
	v18 =	vadd.s32 $0x7148, v29;
	v57 =	vld.idx.msk [tilespmem:v10+s3+$0x0], $0xffff;
	[tilespmem:s18+$0x40] =	vst v22;
	v22 =	vadd.s32 $0x7148, v27  }
0x274: {  	v14 =	vadd.s32 $0x7530, v24;
	v16 =	vadd.s32 $0x7530, v23;
	v58 =	vld.idx.msk [tilespmem:v13+s3+$0x0], $0xffff;
	v13 =	vadd.s32 $0x7530, v25;
	[tilespmem:s18+$0x50] =	vst v4  }
0x275: {  	v11 =	vadd.s32 $0x7530, v27;
	v10 =	vadd.s32 $0x7530, v29;
	v59 =	vld.idx.msk [tilespmem:v15+s3+$0x0], $0xffff;
	v15 =	vadd.s32 $0x7530, v26;
	[tilespmem:s18+$0x60] =	vst v3  }
0x276: {  	v5 =	vadd.s32 $0x7918, v24;
	v9 =	vadd.s32 $0x7918, v8;
	v7 =	vadd.s32 $0x7918, v23;
	v23 =	vld.idx.msk [tilespmem:v33+s3+$0x0], $0xffff;
	[tilespmem:s18+$0xF0] =	vst v6  }
0x277: {  	v8 =	vadd.s32 $0x7918, v25;
	v4 =	vadd.s32 $0x7918, v27;
	v6 =	vadd.s32 $0x7918, v26;
	[tilespmem:s18+$0x0] =	vst v53;
	v24 =	vld.idx.msk [tilespmem:v56+s3+$0x0], $0xffff  }
0x278: {  	v3 =	vadd.s32 $0x7918, v29;
	v25 =	vld.idx.msk [tilespmem:v37+s3+$0x0], $0xffff;
	[tilespmem:s18+$0x90] =	vst v55  }
0x279: {  	v27 =	vadd.s32 $0x6978, v2;
	[tilespmem:s18+$0xA0] =	vst v57;
	v26 =	vld.idx.msk [tilespmem:v35+s3+$0x0], $0xffff  }
0x27a: {  	v28 =	vld.idx.msk [tilespmem:v28+s3+$0x0], $0xffff;
	[tilespmem:s18+$0xB0] =	vst v58  }
0x27b: {  	v29 =	vld.idx.msk [tilespmem:v30+s3+$0x0], $0xffff;
	[tilespmem:s18+$0xC0] =	vst v59  }
0x27c: {  	v30 =	vld.idx.msk [tilespmem:v31+s3+$0x0], $0xffff;
	[tilespmem:s18+$0xD0] =	vst v23  }
0x27d: {  	v23 =	vld.idx.msk [tilespmem:v32+s3+$0x0], $0xffff;
	[tilespmem:s18+$0x170] =	vst v24  }
0x27e: {  	[tilespmem:s18+$0x80] =	vst v25;
	v24 =	vld.idx.msk [tilespmem:v27+s3+$0x0], $0xffff  }
0x27f: {  	v25 =	vld.idx.msk [tilespmem:v38+s3+$0x0], $0xffff;
	[tilespmem:s18+$0xE0] =	vst v26  }
0x280: {  	v27 =	vadd.s32 $0x6D60, v2;
	[tilespmem:s18+$0x110] =	vst v28;
	v26 =	vld.idx.msk [tilespmem:v34+s3+$0x0], $0xffff  }
0x281: {  	[tilespmem:s18+$0x120] =	vst v29;
	v28 =	vld.idx.msk [tilespmem:v36+s3+$0x0], $0xffff  }
0x282: {  	v29 =	vld.idx.msk [tilespmem:v40+s3+$0x0], $0xffff;
	[tilespmem:s18+$0x130] =	vst v30  }
0x283: {  	v30 =	vld.idx.msk [tilespmem:v41+s3+$0x0], $0xffff;
	[tilespmem:s18+$0x140] =	vst v23  }
0x284: {  	v23 =	vld.idx.msk [tilespmem:v42+s3+$0x0], $0xffff;
	[tilespmem:s18+$0x1F0] =	vst v24  }
0x285: {  	[tilespmem:s18+$0x100] =	vst v25;
	v24 =	vld.idx.msk [tilespmem:v27+s3+$0x0], $0xffff  }
0x286: {  	v25 =	vld.idx.msk [tilespmem:v39+s3+$0x0], $0xffff;
	[tilespmem:s18+$0x150] =	vst v26  }
0x287: {  	v27 =	vadd.s32 $0x7148, v2;
	v26 =	vld.idx.msk [tilespmem:v43+s3+$0x0], $0xffff;
	[tilespmem:s18+$0x160] =	vst v28  }
0x288: {  	[tilespmem:s18+$0x190] =	vst v29;
	v28 =	vld.idx.msk [tilespmem:v45+s3+$0x0], $0xffff  }
0x289: {  	[tilespmem:s18+$0x1A0] =	vst v30;
	v29 =	vld.idx.msk [tilespmem:v46+s3+$0x0], $0xffff  }
0x28a: {  	v30 =	vld.idx.msk [tilespmem:v47+s3+$0x0], $0xffff;
	[tilespmem:s18+$0x1B0] =	vst v23  }
0x28b: {  	v23 =	vld.idx.msk [tilespmem:v48+s3+$0x0], $0xffff;
	[tilespmem:s18+$0x270] =	vst v24  }
0x28c: {  	[tilespmem:s18+$0x180] =	vst v25;
	v24 =	vld.idx.msk [tilespmem:v27+s3+$0x0], $0xffff  }
0x28d: {  	v25 =	vld.idx.msk [tilespmem:v44+s3+$0x0], $0xffff;
	[tilespmem:s18+$0x1C0] =	vst v26  }
0x28e: {  	v27 =	vadd.s32 $0x7530, v2;
	v26 =	vld.idx.msk [tilespmem:v49+s3+$0x0], $0xffff;
	[tilespmem:s18+$0x1D0] =	vst v28  }
0x28f: {  	v28 =	vld.idx.msk [tilespmem:v50+s3+$0x0], $0xffff;
	[tilespmem:s18+$0x1E0] =	vst v29  }
0x290: {  	[tilespmem:s18+$0x210] =	vst v30;
	v29 =	vld.idx.msk [tilespmem:v51+s3+$0x0], $0xffff  }
0x291: {  	[tilespmem:s18+$0x220] =	vst v23;
	v23 =	vld.idx.msk [tilespmem:v52+s3+$0x0], $0xffff  }
0x292: {  	v30 =	vld.idx.msk [tilespmem:v54+s3+$0x0], $0xffff;
	[tilespmem:s18+$0x2F0] =	vst v24  }
0x293: {  	[tilespmem:s18+$0x200] =	vst v25;
	v24 =	vld.idx.msk [tilespmem:v27+s3+$0x0], $0xffff  }
0x294: {  	v19 =	vld.idx.msk [tilespmem:v19+s3+$0x0], $0xffff;
	[tilespmem:s18+$0x230] =	vst v26  }
0x295: {  	v2 =	vadd.s32 $0x7918, v2;
	v20 =	vld.idx.msk [tilespmem:v20+s3+$0x0], $0xffff;
	[tilespmem:s18+$0x240] =	vst v28  }
0x296: {  	v21 =	vld.idx.msk [tilespmem:v21+s3+$0x0], $0xffff;
	[tilespmem:s18+$0x250] =	vst v29  }
0x297: {  	v17 =	vld.idx.msk [tilespmem:v17+s3+$0x0], $0xffff;
	[tilespmem:s18+$0x260] =	vst v23  }
0x298: {  	[tilespmem:s18+$0x290] =	vst v30;
	v22 =	vld.idx.msk [tilespmem:v22+s3+$0x0], $0xffff  }
0x299: {  	v18 =	vld.idx.msk [tilespmem:v18+s3+$0x0], $0xffff;
	[tilespmem:s18+$0x370] =	vst v24  }
0x29a: {  	[tilespmem:s18+$0x280] =	vst v19;
	v2 =	vld.idx.msk [tilespmem:v2+s3+$0x0], $0xffff  }
0x29b: {  	v12 =	vld.idx.msk [tilespmem:v12+s3+$0x0], $0xffff;
	[tilespmem:s18+$0x2A0] =	vst v20  }
0x29c: {  	v16 =	vld.idx.msk [tilespmem:v16+s3+$0x0], $0xffff;
	[tilespmem:s18+$0x2B0] =	vst v21  }
0x29d: {  	v14 =	vld.idx.msk [tilespmem:v14+s3+$0x0], $0xffff;
	[tilespmem:s18+$0x2C0] =	vst v17  }
0x29e: {  	v13 =	vld.idx.msk [tilespmem:v13+s3+$0x0], $0xffff;
	[tilespmem:s18+$0x2D0] =	vst v22  }
0x29f: {  	v15 =	vld.idx.msk [tilespmem:v15+s3+$0x0], $0xffff;
	[tilespmem:s18+$0x2E0] =	vst v18  }
0x2a0: {  	v11 =	vld.idx.msk [tilespmem:v11+s3+$0x0], $0xffff;
	[tilespmem:s18+$0x3F0] =	vst v2  }
0x2a1: {  	[tilespmem:s18+$0x300] =	vst v12;
	v10 =	vld.idx.msk [tilespmem:v10+s3+$0x0], $0xffff  }
.Ltmp5:
0x2a2: {  	v9 =	vld.idx.msk [tilespmem:v9+s3+$0x0], $0xffff;
	[tilespmem:s18+$0x310] =	vst v16;
	(pc) =	sbr.rel @p0 .LBB2_13-.Ltmp5, $4  }
0x2a3: {  	v7 =	vld.idx.msk [tilespmem:v7+s3+$0x0], $0xffff;
	[tilespmem:s18+$0x320] =	vst v14  }
0x2a4: {  	v5 =	vld.idx.msk [tilespmem:v5+s3+$0x0], $0xffff;
	[tilespmem:s18+$0x330] =	vst v13  }
0x2a5: {  	v8 =	vld.idx.msk [tilespmem:v8+s3+$0x0], $0xffff;
	[tilespmem:s18+$0x340] =	vst v15  }
0x2a6: {  	s0 =	sadd.s32 $0x80, s0;
	v6 =	vld.idx.msk [tilespmem:v6+s3+$0x0], $0xffff;
	[tilespmem:s18+$0x350] =	vst v11  }
0x2a7: {  	_ =	sdelay $0x2  }
0x2a8: {  	[tilespmem:s18+$0x360] =	vst v10  }
0x2a9: {  	[tilespmem:s18+$0x380] =	vst v9;
	v2 =	vld.idx.msk [tilespmem:v4+s3+$0x0], $0xffff  }
0x2aa: {  	[tilespmem:s18+$0x390] =	vst v7;
	v3 =	vld.idx.msk [tilespmem:v3+s3+$0x0], $0xffff  }
0x2ab: {  	[tilespmem:s18+$0x3A0] =	vst v5  }
0x2ac: {  	[tilespmem:s18+$0x3B0] =	vst v8  }
0x2ad: {  	[tilespmem:s18+$0x3C0] =	vst v6  }
0x2ae: {  	[tilespmem:s18+$0x3D0] =	vst v2  }
0x2af: {  	s22 =	sadd.s32 $0x9D20, s31;
	[tilespmem:s18+$0x3E0] =	vst v3  }
0x2b0: {  	[hbm4b:s1+s3] =	stream.linear.scatter [tilespmem:s26], [sflag:$0x1], $0x8000, $0x38;
	[tilespmem:$0x1C0F8] =	vst v63  }
0x2b1: {  	v2 =	vld [tilespmem:s22+$0x10]  }
0x2b2: {  	v3 =	vld [tilespmem:s22+$0x0]  }
0x2b3: {  	v4 =	vld [tilespmem:s22+$0xFFFFFFF0]  }
0x2b4: {  	v5 =	vld [tilespmem:s22+$0xFFFFFFE0];
	_ =	sdelay $0x3  }
0x2b5: {  	v6 =	vand.u32 $0x7, v2;
	v7 =	vand.u32 $0x7, v3  }
0x2b6: {  	v2 =	vshra.s32 v2, $0x3;
	v8 =	vand.u32 $0x7, v5;
	v9 =	vand.u32 $0x7, v4  }
0x2b7: {  	v3 =	vshra.s32 v3, $0x3;
	v5 =	vshra.s32 v5, $0x3;
	v4 =	vshra.s32 v4, $0x3  }
0x2b8: {  	s0 =	sadd.s32 $0x7D20, s31;
	v7 =	vmul.u32 $0x3E8, v7;
	v9 =	vmul.u32 $0x3E8, v9;
	v3 =	vsub.s32 v3, v0  }
0x2b9: {  	v10 =	vld [tilespmem:s0+$0xFFFFFFE0];
	v2 =	vsub.s32 v2, v0;
	v5 =	vsub.s32 v5, v0;
	v4 =	vsub.s32 v4, v0  }
0x2ba: {  	v8 =	vmul.u32 $0x3E8, v8;
	v6 =	vmul.u32 $0x3E8, v6;
	vm1 =	vlt.u32 v4, $0x4  }
0x2bb: {  	vm2 =	vlt.u32 v3, $0x4;
	vm3 =	vgt.s32 v5, $0x0;
	vm0 =	vlt.u32 v5, $0x4  }
0x2bc: {  	v11 =	vld [tilespmem:s0+$0xFFFFFFF0];
	vm4 =	vgt.s32 v3, $0x0;
	vm5 =	vgt.s32 v4, $0x0;
	v5 =	vnsel vm3, $0x0, v5  }
0x2bd: {  	v13 =	vld [tilespmem:s0+$0x0];
	vm3 =	vgt.s32 v2, $0x0;
	v3 =	vnsel vm4, $0x0, v3;
	v5 =	vmin.u32 v5, $0x3  }
0x2be: {  	s31 =	sadd.s32 $0x40, s22;
	v12 =	vld [tilespmem:s0+$0x10];
	v4 =	vnsel vm5, $0x0, v4;
	v8 =	vadd.s32 v10, v8;
	v5 =	vmul.u32 $0x1F40, v5  }
0x2bf: {  	v14 =	vld [tilespmem:s31+$0x10];
	vm2 =	vmmov vm2;
	vm7 =	vmmov vm0;
	v4 =	vmin.u32 v4, $0x3  }
0x2c0: {  	v16 =	vld [tilespmem:s31+$0xFFFFFFE0];
	v3 =	vmin.u32 v3, $0x3;
	v4 =	vmul.u32 $0x1F40, v4;
	v5 =	vadd.s32 v5, v8  }
0x2c1: {  	v15 =	vld [tilespmem:s31+$0x0];
	vm4 =	vmmov vm1;
	v9 =	vadd.s32 v11, v9;
	v3 =	vmul.u32 $0x1F40, v3  }
0x2c2: {  	v7 =	vadd.s32 v13, v7;
	v8 =	vld [tilespmem:s31+$0xFFFFFFF0];
	v4 =	vadd.s32 v4, v9;
	v9 =	vnsel vm3, $0x0, v2  }
0x2c3: {  	v6 =	vadd.s32 v12, v6;
	v7 =	vadd.s32 v3, v7;
	v9 =	vmin.u32 v9, $0x3;
	v10 =	vld.idx.msk [tilespmem:v10+s21+$0x0], vm0  }
0x2c4: {  	vm0 =	vlt.u32 v2, $0x4;
	v2 =	vand.u32 $0x7, v14;
	v11 =	vld.idx.msk [tilespmem:v11+s21+$0x0], vm1;
	v3 =	vmul.u32 $0x1F40, v9  }
0x2c5: {  	v9 =	vshra.s32 v14, $0x3;
	v14 =	vand.u32 $0x7, v16;
	v16 =	vshra.s32 v16, $0x3;
	v17 =	vld.idx.msk [tilespmem:v5+s3+$0x0], vm7  }
0x2c6: {  	v13 =	vld.idx.msk [tilespmem:v13+s21+$0x0], vm2;
	v16 =	vsub.s32 v16, v0;
	v6 =	vadd.s32 v3, v6;
	v5 =	vand.u32 $0x7, v15  }
0x2c7: {  	v3 =	vand.u32 $0x7, v8;
	v15 =	vshra.s32 v15, $0x3;
	v18 =	vld.idx.msk [tilespmem:v4+s3+$0x0], vm1;
	v8 =	vshra.s32 v8, $0x3  }
0x2c8: {  	v19 =	vld.idx.msk [tilespmem:v7+s3+$0x0], vm2;
	vm1 =	vlt.u32 v16, $0x4;
	v4 =	vmul.u32 $0x3E8, v5;
	v5 =	vmul.u32 $0x3E8, v3  }
0x2c9: {  	v15 =	vsub.s32 v15, v0;
	v3 =	vsub.s32 v9, v0;
	v8 =	vsub.s32 v8, v0  }
0x2ca: {  	v9 =	vmul.u32 $0x3E8, v14;
	v12 =	vld.idx.msk [tilespmem:v12+s21+$0x0], vm0;
	vm6 =	vlt.u32 v8, $0x4;
	v7 =	vsub.f32 v10, v17  }
0x2cb: {  	s0 =	sadd.s32 $0x40, s0;
	vm5 =	vlt.u32 v15, $0x4;
	vm8 =	vgt.s32 v15, $0x0;
	vm9 =	vgt.s32 v8, $0x0;
	v17 =	vld.idx.msk [tilespmem:v6+s3+$0x0], vm0  }
0x2cc: {  	v11 =	vsub.f32 v11, v18;
	v10 =	vnsel vm8, $0x0, v15;
	v6 =	vnsel vm7, $0x0, v7;
	v7 =	vld [tilespmem:s0+$0xFFFFFFE0]  }
0x2cd: {  	v13 =	vsub.f32 v13, v19;
	vm7 =	vgt.s32 v16, $0x0;
	v14 =	vadd.f32 v6, v1  }
0x2ce: {  	v15 =	vnsel vm9, $0x0, v8;
	v8 =	vld [tilespmem:s0+$0x0];
	v11 =	vnsel vm4, $0x0, v11;
	v1 =	vnsel vm7, $0x0, v16  }
0x2cf: {  	vm3 =	vgt.s32 v3, $0x0;
	v6 =	vld [tilespmem:s0+$0xFFFFFFF0];
	v16 =	vmin.u32 v1, $0x3;
	v11 =	vadd.f32 v11, v14  }
0x2d0: {  	s18 =	sadd.s32 $0x40, s31;
	s1 =	simm.s32 $0x4;
	v13 =	vnsel vm2, $0x0, v13;
	v1 =	vld [tilespmem:s0+$0x10];
	v14 =	vmul.u32 $0x1F40, v16;
	v12 =	vsub.f32 v12, v17  }
.LBB2_15:
0x2d1: {  	v9 =	vadd.s32 v7, v9;
	v15 =	vmin.u32 v15, $0x3;
	v11 =	vadd.f32 v13, v11  }
0x2d2: {  	v16 =	vld [tilespmem:s18+$0x10];
	vm4 =	vmmov vm6;
	vm2 =	vmmov vm5;
	vm7 =	vmmov vm1  }
0x2d3: {  	v13 =	vld [tilespmem:s18+$0x0];
	v9 =	vadd.s32 v14, v9;
	v14 =	vmul.u32 $0x1F40, v15;
	v12 =	vnsel vm0, $0x0, v12  }
0x2d4: {  	v10 =	vmin.u32 v10, $0x3;
	v15 =	vld [tilespmem:s18+$0xFFFFFFF0];
	v5 =	vadd.s32 v6, v5;
	v11 =	vadd.f32 v12, v11  }
0x2d5: {  	v10 =	vmul.u32 $0x1F40, v10;
	v12 =	vld [tilespmem:s18+$0xFFFFFFE0];
	v5 =	vadd.s32 v14, v5;
	v14 =	vnsel vm3, $0x0, v3  }
0x2d6: {  	v17 =	vmul.u32 $0x3E8, v2;
	v4 =	vadd.s32 v8, v4;
	v14 =	vmin.u32 v14, $0x3  }
0x2d7: {  	vm0 =	vlt.u32 v3, $0x4;
	v7 =	vld.idx.msk [tilespmem:v7+s21+$0x0], vm1;
	v10 =	vadd.s32 v10, v4;
	v3 =	vmul.u32 $0x1F40, v14  }
0x2d8: {  	v2 =	vand.u32 $0x7, v16;
	v4 =	vadd.s32 v1, v17;
	v14 =	vld.idx.msk [tilespmem:v9+s3+$0x0], vm1  }
0x2d9: {  	v16 =	vshra.s32 v16, $0x3;
	v9 =	vand.u32 $0x7, v13;
	v6 =	vld.idx.msk [tilespmem:v6+s21+$0x0], vm6;
	v17 =	vadd.s32 v3, v4  }
0x2da: {  	s1 =	sadd.s32 $0x4, s1;
	v13 =	vshra.s32 v13, $0x3;
	v3 =	vand.u32 $0x7, v15;
	v18 =	vand.u32 $0x7, v12;
	v19 =	vld.idx.msk [tilespmem:v5+s3+$0x0], vm6  }
0x2db: {  	p0 =	slt.u32 s1, $0xFC;
	v15 =	vshra.s32 v15, $0x3;
	v4 =	vmul.u32 $0x3E8, v9;
	v12 =	vshra.s32 v12, $0x3;
	v8 =	vld.idx.msk [tilespmem:v8+s21+$0x0], vm5  }
0x2dc: {  	v13 =	vsub.s32 v13, v0;
	v5 =	vmul.u32 $0x3E8, v3;
	v3 =	vsub.s32 v16, v0;
	v16 =	vld.idx.msk [tilespmem:v10+s3+$0x0], vm5  }
0x2dd: {  	v15 =	vsub.s32 v15, v0;
	v12 =	vsub.s32 v12, v0;
	v9 =	vmul.u32 $0x3E8, v18;
	v18 =	vld.idx.msk [tilespmem:v1+s21+$0x0], vm0  }
0x2de: {  	vm6 =	vlt.u32 v15, $0x4;
	vm5 =	vlt.u32 v13, $0x4;
	v1 =	vsub.f32 v7, v14;
	v17 =	vld.idx.msk [tilespmem:v17+s3+$0x0], vm0  }
0x2df: {  	s0 =	sadd.s32 $0x40, s0;
	vm8 =	vgt.s32 v13, $0x0;
	vm3 =	vgt.s32 v3, $0x0;
	vm1 =	vlt.u32 v12, $0x4  }
.Ltmp6:
0x2e0: {  	vm9 =	vgt.s32 v15, $0x0;
	v1 =	vnsel vm7, $0x0, v1;
	v14 =	vsub.f32 v6, v19;
	v7 =	vld [tilespmem:s0+$0xFFFFFFE0];
	(pc) =	sbr.rel @p0 .LBB2_15-.Ltmp6, $4  }
0x2e1: {  	v10 =	vnsel vm8, $0x0, v13;
	vm7 =	vgt.s32 v12, $0x0;
	v11 =	vadd.f32 v1, v11  }
0x2e2: {  	v1 =	vnsel vm7, $0x0, v12;
	v12 =	vnsel vm4, $0x0, v14;
	v13 =	vsub.f32 v8, v16;
	v6 =	vld [tilespmem:s0+$0xFFFFFFF0]  }
0x2e3: {  	v15 =	vnsel vm9, $0x0, v15;
	v8 =	vmin.u32 v1, $0x3;
	v11 =	vadd.f32 v12, v11;
	v1 =	vld [tilespmem:s0+$0x10]  }
0x2e4: {  	s18 =	sadd.s32 $0x40, s18;
	v14 =	vmul.u32 $0x1F40, v8;
	v13 =	vnsel vm2, $0x0, v13;
	v12 =	vsub.f32 v18, v17;
	v8 =	vld [tilespmem:s0+$0x0]  }
0x2e5: {  	v9 =	vadd.s32 v7, v9;
	v15 =	vmin.u32 v15, $0x3;
	vm2 =	vmmov vm1  }
0x2e6: {  	v9 =	vadd.s32 v14, v9;
	v56 =	vmul.u32 $0x1F40, v15  }
0x2e7: {  	vm5 =	vmmov vm5;
	v10 =	vmin.u32 v10, $0x3;
	v5 =	vadd.s32 v6, v5  }
0x2e8: {  	v57 =	vnsel vm3, $0x0, v3;
	v10 =	vmul.u32 $0x1F40, v10;
	v5 =	vadd.s32 v56, v5  }
0x2e9: {  	v2 =	vmul.u32 $0x3E8, v2;
	v14 =	vmin.u32 v57, $0x3;
	v4 =	vadd.s32 v8, v4  }
0x2ea: {  	v58 =	vld.idx.msk [tilespmem:v7+s21+$0x0], vm1;
	vm15 =	vlt.u32 v3, $0x4;
	v3 =	vmul.u32 $0x1F40, v14;
	v4 =	vadd.s32 v10, v4  }
0x2eb: {  	v2 =	vadd.s32 v1, v2;
	v9 =	vld.idx.msk [tilespmem:v9+s3+$0x0], vm2  }
0x2ec: {  	v59 =	vld.idx.msk [tilespmem:v6+s21+$0x0], vm6;
	v2 =	vadd.s32 v3, v2  }
0x2ed: {  	v3 =	vld.idx.msk [tilespmem:v5+s3+$0x0], vm6  }
0x2ee: {  	v60 =	vld.idx.msk [tilespmem:v8+s21+$0x0], vm5  }
0x2ef: {  	v61 =	vadd.f32 v13, v11;
	v4 =	vld.idx.msk [tilespmem:v4+s3+$0x0], vm5  }
0x2f0: {  	v62 =	vnsel vm0, $0x0, v12;
	v1 =	vld.idx.msk [tilespmem:v1+s21+$0x0], vm15;
	v7 =	vsub.f32 v58, v9  }
0x2f1: {  	v8 =	vadd.f32 v62, v61;
	v2 =	vld.idx.msk [tilespmem:v2+s3+$0x0], vm15  }
0x2f2: {  	v7 =	vnsel vm2, $0x0, v7;
	v3 =	vsub.f32 v59, v3  }
0x2f3: {  	vm4 =	vmmov vm6;
	v63 =	vadd.f32 v7, v8  }
0x2f4: {  	v3 =	vnsel vm4, $0x0, v3;
	v4 =	vsub.f32 v60, v4  }
0x2f5: {  	v3 =	vadd.f32 v3, v63  }
0x2f6: {  	v1 =	vsub.f32 v1, v2;
	v4 =	vnsel vm5, $0x0, v4  }
0x2f7: {  	v2 =	vadd.f32 v4, v3  }
0x2f8: {  	v1 =	vnsel vm15, $0x0, v1  }
0x2f9: {  	v1 =	vadd.f32 v1, v2  }
0x2fa: {  	p0 =	sgt.u32 s30, $0x31  }
.Ltmp7:
0x2fb: {  	_ = 	snop;
	(pc) =	sbr.rel @!p0 .LBB2_3-.Ltmp7, $2  }
0x2fc: {  	_ =	sdelay $0x2  }
0x2fd: {  	s1 =	smov.u32 s30  }
0x2fe: {  	_ =	swait.ge [sflag:s24], $0x8000  }
0x2ff: {  	[sflag:s24] =	ssyncset.done $0x0  }
0x300: {  	[sflag:s24] =	ssyncadd.s32 $0xFFFF8000  }
0x301: {  	_ =	swait.ge [sflag:s24], $0x8000  }
0x302: {  	s29 =	sadd.s32 $0x1, s29;
	[sflag:s24] =	ssyncset.done $0x0  }
0x303: {  	p0 =	sne.s32 s29, s16;
	[sflag:s24] =	ssyncadd.s32 $0xFFFF8000  }
.Ltmp8:
0x304: {  	[tilespmem:$0x1C0E8] =	vst v1;
	(pc) =	sbr.rel @p0 .LBB2_1-.Ltmp8, $4  }
0x305: {  	[hbm4b:s15+s3] =	stream.linear.scatter [tilespmem:s28], [sflag:$0x3], $0x10, $0x38;
	[tilespmem:$0x1C0F8] =	vst v63  }
0x306: {  	_ =	swait.ge [sflag:s17], $0x10  }
0x307: {  	[sflag:s17] =	ssyncset.done $0x0  }
0x308: {  	[sflag:s17] =	ssyncadd.s32 $0xFFFFFFF0  }
0x309: {  	_ =	sfence.sel $0x180000  }
0x30a: {  	[bflag:$0x0] =	sbarrier.arrive $0xFFFF  }
0x30b: {  	_ =	strace $0x90000047  }
0x30c: {  	s0 =	stileid.u32;
	[bflag:$0x2] =	sbarrier.arrive $0xFFFF  }
0x30d: {  	p0 =	sne.s32 s0, $0x0;
	s0 =	rddreg [dreg:$0x2]  }
0x30e: {  	s0 =	sadd.s32 @!p0 $0x100000, s0  }
0x30f: {  	[sflag:s0] =	ssyncadd.tile.s32 @!p0 $0x1;
	_ =	shalt  }
.Lfunc_end2:
_tile_overlayer_lowered:
.L_overlay_start_2:
0x310: {  	(tag) =	ssettag $0x2  }
0x311: {  	s0 =	rddreg [dreg:$0x0];
	s2 =	stileid.u32  }
0x312: {  	s1 =	rddreg [dreg:$0x1];
	p0 =	sne.s32 s2, $0x0  }
0x313: {  	s3 =	rddreg [dreg:$0x2];
	[bflag:$0x3] =	sbarrier.arrive $0xFFFF;
	s2 =	simm.s32 @!p0 $0x1C03  }
0x314: {  	[timem:s3], [sflag:s2] =	dma.local @!p0 [hbm:s0], s1  }
0x315: {  	s0 =	simm.s32 @!p0 $0x3  }
0x316: {  	_ =	swait.ge @!p0 [sflag:s0], s1  }
0x317: {  	s1 =	ssub.s32 @!p0 $0x0, s1;
	[sflag:s0] =	ssyncset.done @!p0 $0x0  }
0x318: {  	[sflag:s0] =	ssyncadd.s32 @!p0 s1  }
0x319: {  	[bflag:$0x3] =	sbarrier.arrive $0xFFFF  }
0x31a: {  	_ =	shalt  }

</sc_bundles>
